<compile_context>
chip_gen: v7x
topology: tpu7x:2x2x1
jax: 0.10.2.dev20260603
libtpu: 0.0.44.dev20260713+nightly
codegen_flags: <defaults>
</compile_context>

<pallas_src>
import functools

import jax
import jax.numpy as jnp
import numpy as np
from jax import lax
from jax.experimental import pallas as pl
from jax.experimental.pallas import tpu as pltpu
from jax.experimental.pallas import tpu_sc as plsc

_L = 16

_MIN_NORM_IN = np.float32(1e-12)
_MAXNORM = np.float32((1.0 - 1e-15) / np.sqrt(abs(-1.0)))
_MIN_SIZE = np.float32(0.01)
_MAX_SIZE = np.float32(0.999)
_RSQRT_MAGIC = np.int32(0x5F3759DF)


def _rsqrt_newton(ssc):
    i = lax.bitcast_convert_type(ssc, jnp.int32)
    y = lax.bitcast_convert_type(_RSQRT_MAGIC - (i >> 1), jnp.float32)
    h = ssc * jnp.float32(0.5)
    y = y * (jnp.float32(1.5) - h * y * y)
    y = y * (jnp.float32(1.5) - h * y * y)
    return y


def _factors(vs, sclip, sclip_big):
    sq = [v * v for v in vs]
    while len(sq) > 1:
        sq = [sq[i] + sq[i + 1] for i in range(0, len(sq), 2)]
    ss = sq[0]
    ssc = jnp.maximum(ss, jnp.float32(1e-30))
    y = _rsqrt_newton(ssc)
    sqv = ssc * y
    c = jnp.where(sqv > _MIN_NORM_IN, sclip * y, sclip_big)
    ny = c * sqv
    return jnp.where(ny > _MAXNORM, _MAXNORM * y, c)


def _tail_fix(out_t, wt, scale, tail_off, tail_rows, blk):
    n_blk = -(-tail_rows // blk)
    blk0 = tail_off // blk

    def body(w_ref, s_ref, _, o_ref):
        x = w_ref[...]
        sclip = jnp.clip(s_ref[0, 0], _MIN_SIZE, _MAX_SIZE)
        ss = jnp.sum(x * x, axis=0, keepdims=True)
        sqv = jnp.sqrt(ss)
        c = jnp.where(sqv > _MIN_NORM_IN, sclip / sqv,
                      sclip * jnp.float32(1e12))
        ny = c * sqv
        outc = jnp.where(ny > _MAXNORM, _MAXNORM / sqv, c)
        o_ref[...] = x * outc

    return pl.pallas_call(
        body,
        grid=(n_blk,),
        in_specs=[
            pl.BlockSpec((_L, blk), lambda i: (0, blk0 + i)),
            pl.BlockSpec((1, 1), lambda i: (0, 0)),
            pl.BlockSpec(memory_space=pl.ANY),
        ],
        out_specs=pl.BlockSpec((_L, blk), lambda i: (0, blk0 + i)),
        out_shape=jax.ShapeDtypeStruct(out_t.shape, out_t.dtype),
        input_output_aliases={2: 0},
    )(wt, scale.reshape(1, 1), out_t)


_NBUF = 3


def _make_sc_kernel(n_rows, chunk, n_chunks, n_workers):
    mesh = plsc.VectorSubcoreMesh(core_axis_name="c", subcore_axis_name="s")
    num_cores = mesh.num_cores
    nbuf = _NBUF
    max_mine = -(-n_chunks // n_workers)
    loop_hi = -(-max_mine // nbuf) * nbuf

    @functools.partial(
        pl.kernel,
        out_type=jax.ShapeDtypeStruct((_L, n_rows), jnp.float32),
        mesh=mesh,
        scratch_types=(
            [pltpu.VMEM((_L, chunk), jnp.float32)] * (2 * nbuf)
            + [pltpu.VMEM((_L,), jnp.float32)]
            + [pltpu.SemaphoreType.DMA] * (2 * nbuf)
        ),
    )
    def sc_kernel(w_hbm, scale_hbm, out_hbm, *scratch):
        in_bufs = scratch[:nbuf]
        out_bufs = scratch[nbuf:2 * nbuf]
        sbuf = scratch[2 * nbuf]
        in_sems = scratch[2 * nbuf + 1:3 * nbuf + 1]
        out_sems = scratch[3 * nbuf + 1:]

        wid = lax.axis_index("s") * num_cores + lax.axis_index("c")

        pltpu.sync_copy(scale_hbm, sbuf)
        sclip = jnp.clip(sbuf[...], _MIN_SIZE, _MAX_SIZE)
        sclip_big = sclip * jnp.float32(1e12)

        def cols(j):
            idx = j * n_workers + wid
            return pl.ds(pl.multiple_of(idx * chunk, 128), chunk)

        n_mine = jnp.where(wid < (n_chunks % n_workers),
                           n_chunks // n_workers + 1,
                           n_chunks // n_workers).astype(jnp.int32)

        def compute(in_ref, out_ref, lo, hi):
            @plsc.parallel_loop(lo, hi, step=_L, unroll=2)
            def grp(r0):
                sl = pl.ds(r0, _L)
                vs = [in_ref[d, sl] for d in range(_L)]
                outc = _factors(vs, sclip, sclip_big)
                for d in range(_L):
                    out_ref[d, sl] = vs[d] * outc

        def start_in(b, j):
            return pltpu.async_copy(w_hbm.at[:, cols(j)], in_bufs[b],
                                    in_sems[b])

        for b in range(nbuf):
            @pl.when(n_mine > b)
            def _(b=b):
                start_in(b, b)

        def iter_body(j, b):
            @pl.when(j < n_mine)
            def _():
                pltpu.make_async_copy(w_hbm.at[:, cols(j)], in_bufs[b],
                                      in_sems[b]).wait()
                @pl.when(j >= nbuf)
                def _():
                    pltpu.make_async_copy(out_bufs[b],
                                          out_hbm.at[:, cols(j - nbuf)],
                                          out_sems[b]).wait()

                compute(in_bufs[b], out_bufs[b], 0, chunk)
                pltpu.async_copy(out_bufs[b], out_hbm.at[:, cols(j)],
                                 out_sems[b])

                @pl.when(j + nbuf < n_mine)
                def _():
                    start_in(b, j + nbuf)

        @pl.loop(0, loop_hi, step=nbuf)
        def _(j):
            for b in range(nbuf):
                iter_body(j + b, b)

        for b in range(nbuf):
            @pl.when(n_mine > b)
            def _(b=b):
                pltpu.make_async_copy(out_bufs[b],
                                      out_hbm.at[:, pl.ds(0, chunk)],
                                      out_sems[b]).wait()

    return sc_kernel


@jax.jit
def kernel(embeddings_weight, scale):
    n_rows = embeddings_weight.shape[0]
    n_workers = 32
    chunk = 1024
    n_chunks = n_rows // chunk
    tail_off = n_chunks * chunk
    tail_rows = n_rows - tail_off
    scale16 = jnp.broadcast_to(scale.astype(jnp.float32), (_L,))
    wt = embeddings_weight.T
    sck = _make_sc_kernel(n_rows, chunk, n_chunks, n_workers)
    out_t = sck(wt, scale16)
    if tail_rows:
        out_t = _tail_fix(out_t, wt, scale.astype(jnp.float32),
                          tail_off, tail_rows, blk=128)
    return out_t.T

# --- scband reference (transcript-rebuilt; emitter-appended) ---
"""Pipeline reference for scband-hyper-se-36842229465392 (READ-ONLY COPY).

The authoritative reference and input builder live on the scoring server;
editing this copy changes nothing except your own understanding.
"""

import jax, jax.numpy as jnp
import numpy as np

MIN_NORM = 1e-15
NUM_NODES = 1000000
D_HYP = 16
INIT_SIZE = 1.0
MIN_SIZE = 0.01
MAX_SIZE = 0.999
K_CURV = -1.0


def project(x, k, eps):
    # Project points onto the Poincare ball of curvature k (standard geoopt-style projection)
    norm = jnp.maximum(jnp.linalg.norm(x, axis=-1, keepdims=True), MIN_NORM)
    maxnorm = (1.0 - eps) / jnp.sqrt(jnp.abs(k))
    cond = norm > maxnorm
    projected = x / norm * maxnorm
    return jnp.where(cond, projected, x)


def setup_inputs(seed: int = 0) -> dict:
    key = jax.random.key(seed)
    k1, _ = jax.random.split(key)
    # embeddings.weight init: project(scale * (2*rand - 1))
    raw = 2.0 * jax.random.uniform(k1, (NUM_NODES, D_HYP), dtype=jnp.float32) - 1.0
    scale = jnp.array([INIT_SIZE], dtype=jnp.float32)
    weight = project(scale * raw, k=jnp.array([K_CURV], dtype=jnp.float32), eps=MIN_NORM)
    return {"embeddings_weight": weight, "scale": scale}


def reference(embeddings_weight, scale):
    # normalize: F.normalize(p=2, dim=-1) then multiply by clamped scale
    norm = jnp.maximum(jnp.linalg.norm(embeddings_weight, axis=-1, keepdims=True), 1e-12)
    embeddings_normed = embeddings_weight / norm
    embedding = embeddings_normed * jnp.clip(scale, MIN_SIZE, MAX_SIZE)
    # project back onto the ball
    embedding = project(embedding, k=jnp.array([K_CURV], dtype=jnp.float32), eps=MIN_NORM)
    return embedding

if __name__ == "__main__":
    import jax
    _d = setup_inputs()
    print(jax.jit(kernel)(*tuple(_d.values())))

</pallas_src>

<mosaic_0001>
#map = affine_map<(d0, d1) -> (0, 0)>
#map1 = affine_map<(d0, d1) -> (0)>
module attributes {stable_mosaic.version = 14 : i64} {
  func.func @sc_kernel(%arg0: i32, %arg1: i32, %arg2: memref<16x1000000xf32, #tpu.memory_space<hbm>>, %arg3: memref<16xf32, #tpu.memory_space<hbm>>, %arg4: memref<16x1000000xf32, #tpu.memory_space<hbm>>, %arg5: memref<16x1024xf32, #tpu.memory_space<vmem>>, %arg6: memref<16x1024xf32, #tpu.memory_space<vmem>>, %arg7: memref<16x1024xf32, #tpu.memory_space<vmem>>, %arg8: memref<16x1024xf32, #tpu.memory_space<vmem>>, %arg9: memref<16x1024xf32, #tpu.memory_space<vmem>>, %arg10: memref<16x1024xf32, #tpu.memory_space<vmem>>, %arg11: memref<16xf32, #tpu.memory_space<vmem>>, %arg12: memref<!tpu.dma_semaphore, #tpu.memory_space<semaphore_mem>>, %arg13: memref<!tpu.dma_semaphore, #tpu.memory_space<semaphore_mem>>, %arg14: memref<!tpu.dma_semaphore, #tpu.memory_space<semaphore_mem>>, %arg15: memref<!tpu.dma_semaphore, #tpu.memory_space<semaphore_mem>>, %arg16: memref<!tpu.dma_semaphore, #tpu.memory_space<semaphore_mem>>, %arg17: memref<!tpu.dma_semaphore, #tpu.memory_space<semaphore_mem>>) attributes {dimension_semantics = [#tpu.dimension_semantics<core_parallel>, #tpu.dimension_semantics<subcore_parallel>], iteration_bounds = array<i64: 2, 16>, scalar_prefetch = 0 : i64, scratch_operands = 13 : i64, tpu.core_type = #tpu.core_type<sc_vector_subcore>, window_params = [{transform_indices = #map}, {transform_indices = #map1}, {transform_indices = #map}]} {
    %mul3A = arith.constant 2 : i32
    %mul3A_0 = arith.muli %arg1, %mul3A : i32
    %add3A = arith.addi %mul3A_0, %arg0 : i32
    "tpu.region"() ({
      %run_scoped3A = tpu.sem_alloc : memref<!tpu.dma_semaphore, #tpu.memory_space<semaphore_mem>>
      tpu.enqueue_dma source(%arg3 : memref<16xf32, #tpu.memory_space<hbm>>) target(%arg11 : memref<16xf32, #tpu.memory_space<vmem>>) target_semaphore(%run_scoped3A : memref<!tpu.dma_semaphore, #tpu.memory_space<semaphore_mem>>)
      tpu.wait_dma2 semaphore(%run_scoped3A : memref<!tpu.dma_semaphore, #tpu.memory_space<semaphore_mem>>) src(%arg3 : memref<16xf32, #tpu.memory_space<hbm>>) dst(%arg11 : memref<16xf32, #tpu.memory_space<vmem>>)
      tpu.yield
    }) : () -> ()
    %get3A = arith.constant 0 : index
    %get3A_1 = tpu.vector_load %arg11[%get3A] {strides = array<i32>} : memref<16xf32, #tpu.memory_space<vmem>>, vector<16xf32>,
    %get3A_2 = vector.shape_cast %get3A_1 : vector<16xf32> to vector<16xf32>
    %jit3A = arith.constant 0.00999999977 : f32
    %jit3A_3 = arith.constant 9.990000e-01 : f32
    %max3A = vector.broadcast %jit3A : f32 to vector<16xf32>
    %max3A_4 = arith.maximumf %max3A, %get3A_2 : vector<16xf32>
    %min3A = vector.broadcast %jit3A_3 : f32 to vector<16xf32>
    %min3A_5 = arith.minimumf %min3A, %max3A_4 : vector<16xf32>
    %mul3A_6 = arith.constant 9.99999995E+11 : f32
    %mul3A_7 = vector.broadcast %mul3A_6 : f32 to vector<16xf32>
    %mul3A_8 = arith.mulf %min3A_5, %mul3A_7 : vector<16xf32>
    %lt3A = arith.constant 16 : i32
    %lt3A_9 = arith.cmpi slt, %add3A, %lt3A : i32
    %jit3A_10 = arith.constant 31 : i32
    %jit3A_11 = arith.constant 30 : i32
    %select_n3A = arith.select %lt3A_9, %jit3A_10, %jit3A_11 : i32
    %gt3A = arith.constant 0 : i32
    %gt3A_12 = arith.cmpi sgt, %select_n3A, %gt3A : i32
    %convert_element_type3A = arith.extui %gt3A_12 : i1 to i32
    %cond3A = arith.constant 0 : i32
    %cond3A_13 = arith.cmpi ne, %convert_element_type3A, %cond3A : i32
    scf.if %cond3A_13 {
      %add3A_43 = arith.constant 0 : i32
      %add3A_44 = arith.addi %add3A_43, %add3A : i32
      %mul3A_45 = arith.constant 1024 : i32
      %mul3A_46 = arith.muli %add3A_44, %mul3A_45 : i32
      %multiple_of3A = tpu.assume_multiple %mul3A_46, 128 : i32
      %dma_start3A = arith.constant 0 : i32
      %dma_start3A_47 = tpu.memref_slice %arg2[%dma_start3A, %multiple_of3A] : memref<16x1000000xf32, #tpu.memory_space<hbm>> -> memref<16x1024xf32, #tpu.memory_space<hbm>>
      %dma_start3A_48 = arith.constant 0 : i32
      %dma_start3A_49 = tpu.memref_slice %arg2[%dma_start3A_48, %multiple_of3A] : memref<16x1000000xf32, #tpu.memory_space<hbm>> -> memref<16x1024xf32, #tpu.memory_space<hbm>>
      tpu.enqueue_dma source(%dma_start3A_49 : memref<16x1024xf32, #tpu.memory_space<hbm>>) target(%arg5 : memref<16x1024xf32, #tpu.memory_space<vmem>>) target_semaphore(%arg12 : memref<!tpu.dma_semaphore, #tpu.memory_space<semaphore_mem>>)
    } else {
    }
    %gt3A_14 = arith.constant 1 : i32
    %gt3A_15 = arith.cmpi sgt, %select_n3A, %gt3A_14 : i32
    %convert_element_type3A_16 = arith.extui %gt3A_15 : i1 to i32
    %cond3A_17 = arith.constant 0 : i32
    %cond3A_18 = arith.cmpi ne, %convert_element_type3A_16, %cond3A_17 : i32
    scf.if %cond3A_18 {
      %add3A_43 = arith.constant 32 : i32
      %add3A_44 = arith.addi %add3A_43, %add3A : i32
      %mul3A_45 = arith.constant 1024 : i32
      %mul3A_46 = arith.muli %add3A_44, %mul3A_45 : i32
      %multiple_of3A = tpu.assume_multiple %mul3A_46, 128 : i32
      %dma_start3A = arith.constant 0 : i32
      %dma_start3A_47 = tpu.memref_slice %arg2[%dma_start3A, %multiple_of3A] : memref<16x1000000xf32, #tpu.memory_space<hbm>> -> memref<16x1024xf32, #tpu.memory_space<hbm>>
      %dma_start3A_48 = arith.constant 0 : i32
      %dma_start3A_49 = tpu.memref_slice %arg2[%dma_start3A_48, %multiple_of3A] : memref<16x1000000xf32, #tpu.memory_space<hbm>> -> memref<16x1024xf32, #tpu.memory_space<hbm>>
      tpu.enqueue_dma source(%dma_start3A_49 : memref<16x1024xf32, #tpu.memory_space<hbm>>) target(%arg6 : memref<16x1024xf32, #tpu.memory_space<vmem>>) target_semaphore(%arg13 : memref<!tpu.dma_semaphore, #tpu.memory_space<semaphore_mem>>)
    } else {
    }
    %gt3A_19 = arith.constant 2 : i32
    %gt3A_20 = arith.cmpi sgt, %select_n3A, %gt3A_19 : i32
    %convert_element_type3A_21 = arith.extui %gt3A_20 : i1 to i32
    %cond3A_22 = arith.constant 0 : i32
    %cond3A_23 = arith.cmpi ne, %convert_element_type3A_21, %cond3A_22 : i32
    scf.if %cond3A_23 {
      %add3A_43 = arith.constant 64 : i32
      %add3A_44 = arith.addi %add3A_43, %add3A : i32
      %mul3A_45 = arith.constant 1024 : i32
      %mul3A_46 = arith.muli %add3A_44, %mul3A_45 : i32
      %multiple_of3A = tpu.assume_multiple %mul3A_46, 128 : i32
      %dma_start3A = arith.constant 0 : i32
      %dma_start3A_47 = tpu.memref_slice %arg2[%dma_start3A, %multiple_of3A] : memref<16x1000000xf32, #tpu.memory_space<hbm>> -> memref<16x1024xf32, #tpu.memory_space<hbm>>
      %dma_start3A_48 = arith.constant 0 : i32
      %dma_start3A_49 = tpu.memref_slice %arg2[%dma_start3A_48, %multiple_of3A] : memref<16x1000000xf32, #tpu.memory_space<hbm>> -> memref<16x1024xf32, #tpu.memory_space<hbm>>
      tpu.enqueue_dma source(%dma_start3A_49 : memref<16x1024xf32, #tpu.memory_space<hbm>>) target(%arg7 : memref<16x1024xf32, #tpu.memory_space<vmem>>) target_semaphore(%arg14 : memref<!tpu.dma_semaphore, #tpu.memory_space<semaphore_mem>>)
    } else {
    }
    %scan3A = arith.constant 0 : i32
    %scan3A_24 = arith.constant 11 : i32
    %scan3A_25 = arith.addi %scan3A, %scan3A_24 : i32
    %scan3A_26 = arith.constant 1 : i32
    scf.for %scan3A_43 = %scan3A to %scan3A_25 step %scan3A_26  : i32 {
      %mul3A_44 = arith.constant 3 : i32
      %mul3A_45 = arith.muli %scan3A_43, %mul3A_44 : i32
      %add3A_46 = arith.constant 0 : i32
      %add3A_47 = arith.addi %add3A_46, %mul3A_45 : i32
      %add3A_48 = arith.constant 0 : i32
      %add3A_49 = arith.addi %add3A_47, %add3A_48 : i32
      %lt3A_50 = arith.cmpi slt, %add3A_49, %select_n3A : i32
      %convert_element_type3A_51 = arith.extui %lt3A_50 : i1 to i32
      %cond3A_52 = arith.constant 0 : i32
      %cond3A_53 = arith.cmpi ne, %convert_element_type3A_51, %cond3A_52 : i32
      scf.if %cond3A_53 {
        %mul3A_66 = arith.constant 32 : i32
        %mul3A_67 = arith.muli %add3A_49, %mul3A_66 : i32
        %add3A_68 = arith.addi %mul3A_67, %add3A : i32
        %mul3A_69 = arith.constant 1024 : i32
        %mul3A_70 = arith.muli %add3A_68, %mul3A_69 : i32
        %multiple_of3A = tpu.assume_multiple %mul3A_70, 128 : i32
        %dma_wait3A = arith.constant 0 : i32
        %dma_wait3A_71 = tpu.memref_slice %arg2[%dma_wait3A, %multiple_of3A] : memref<16x1000000xf32, #tpu.memory_space<hbm>> -> memref<16x1024xf32, #tpu.memory_space<hbm>>
        %dma_wait3A_72 = arith.constant 0 : i32
        %dma_wait3A_73 = tpu.memref_slice %arg2[%dma_wait3A_72, %multiple_of3A] : memref<16x1000000xf32, #tpu.memory_space<hbm>> -> memref<16x1024xf32, #tpu.memory_space<hbm>>
        tpu.wait_dma2 semaphore(%arg12 : memref<!tpu.dma_semaphore, #tpu.memory_space<semaphore_mem>>) src(%dma_wait3A_73 : memref<16x1024xf32, #tpu.memory_space<hbm>>) dst(%arg5 : memref<16x1024xf32, #tpu.memory_space<vmem>>)
        %ge3A = arith.constant 3 : i32
        %ge3A_74 = arith.cmpi sge, %add3A_49, %ge3A : i32
        %convert_element_type3A_75 = arith.extui %ge3A_74 : i1 to i32
        %cond3A_76 = arith.constant 0 : i32
        %cond3A_77 = arith.cmpi ne, %convert_element_type3A_75, %cond3A_76 : i32
        scf.if %cond3A_77 {
          %sub3A = arith.constant 3 : i32
          %sub3A_95 = arith.subi %add3A_49, %sub3A : i32
          %mul3A_96 = arith.constant 32 : i32
          %mul3A_97 = arith.muli %sub3A_95, %mul3A_96 : i32
          %add3A_98 = arith.addi %mul3A_97, %add3A : i32
          %mul3A_99 = arith.constant 1024 : i32
          %mul3A_100 = arith.muli %add3A_98, %mul3A_99 : i32
          %multiple_of3A_101 = tpu.assume_multiple %mul3A_100, 128 : i32
          %dma_wait3A_102 = arith.constant 0 : i32
          %dma_wait3A_103 = tpu.memref_slice %arg4[%dma_wait3A_102, %multiple_of3A_101] : memref<16x1000000xf32, #tpu.memory_space<hbm>> -> memref<16x1024xf32, #tpu.memory_space<hbm>>
          %dma_wait3A_104 = arith.constant 0 : i32
          %dma_wait3A_105 = tpu.memref_slice %arg4[%dma_wait3A_104, %multiple_of3A_101] : memref<16x1000000xf32, #tpu.memory_space<hbm>> -> memref<16x1024xf32, #tpu.memory_space<hbm>>
          tpu.wait_dma2 semaphore(%arg15 : memref<!tpu.dma_semaphore, #tpu.memory_space<semaphore_mem>>) src(%arg8 : memref<16x1024xf32, #tpu.memory_space<vmem>>) dst(%dma_wait3A_105 : memref<16x1024xf32, #tpu.memory_space<hbm>>)
        } else {
        }
        %parallel_loop3A = arith.constant 0 : i32
        %parallel_loop3A_78 = arith.constant 1024 : i32
        %parallel_loop3A_79 = arith.constant 16 : i32
        scf.for %parallel_loop3A_95 = %parallel_loop3A to %parallel_loop3A_78 step %parallel_loop3A_79  : i32 {
          %parallel_loop3A_96 = arith.constant 0 : i32
          %parallel_loop3A_97 = arith.index_cast %parallel_loop3A_96 : i32 to index
          %parallel_loop3A_98 = arith.index_cast %parallel_loop3A_95 : i32 to index
          %parallel_loop3A_99 = tpu.vector_load %arg5[%parallel_loop3A_97, %parallel_loop3A_98] {strides = array<i32>} : memref<16x1024xf32, #tpu.memory_space<vmem>>, vector<1x16xf32>,
          %parallel_loop3A_100 = vector.shape_cast %parallel_loop3A_99 : vector<1x16xf32> to vector<16xf32>
          %parallel_loop3A_101 = arith.constant 1 : i32
          %parallel_loop3A_102 = arith.index_cast %parallel_loop3A_101 : i32 to index
          %parallel_loop3A_103 = arith.index_cast %parallel_loop3A_95 : i32 to index
          %parallel_loop3A_104 = tpu.vector_load %arg5[%parallel_loop3A_102, %parallel_loop3A_103] {strides = array<i32>} : memref<16x1024xf32, #tpu.memory_space<vmem>>, vector<1x16xf32>,
          %parallel_loop3A_105 = vector.shape_cast %parallel_loop3A_104 : vector<1x16xf32> to vector<16xf32>
          %parallel_loop3A_106 = arith.constant 2 : i32
          %parallel_loop3A_107 = arith.index_cast %parallel_loop3A_106 : i32 to index
          %parallel_loop3A_108 = arith.index_cast %parallel_loop3A_95 : i32 to index
          %parallel_loop3A_109 = tpu.vector_load %arg5[%parallel_loop3A_107, %parallel_loop3A_108] {strides = array<i32>} : memref<16x1024xf32, #tpu.memory_space<vmem>>, vector<1x16xf32>,
          %parallel_loop3A_110 = vector.shape_cast %parallel_loop3A_109 : vector<1x16xf32> to vector<16xf32>
          %parallel_loop3A_111 = arith.constant 3 : i32
          %parallel_loop3A_112 = arith.index_cast %parallel_loop3A_111 : i32 to index
          %parallel_loop3A_113 = arith.index_cast %parallel_loop3A_95 : i32 to index
          %parallel_loop3A_114 = tpu.vector_load %arg5[%parallel_loop3A_112, %parallel_loop3A_113] {strides = array<i32>} : memref<16x1024xf32, #tpu.memory_space<vmem>>, vector<1x16xf32>,
          %parallel_loop3A_115 = vector.shape_cast %parallel_loop3A_114 : vector<1x16xf32> to vector<16xf32>
          %parallel_loop3A_116 = arith.constant 4 : i32
          %parallel_loop3A_117 = arith.index_cast %parallel_loop3A_116 : i32 to index
          %parallel_loop3A_118 = arith.index_cast %parallel_loop3A_95 : i32 to index
          %parallel_loop3A_119 = tpu.vector_load %arg5[%parallel_loop3A_117, %parallel_loop3A_118] {strides = array<i32>} : memref<16x1024xf32, #tpu.memory_space<vmem>>, vector<1x16xf32>,
          %parallel_loop3A_120 = vector.shape_cast %parallel_loop3A_119 : vector<1x16xf32> to vector<16xf32>
          %parallel_loop3A_121 = arith.constant 5 : i32
          %parallel_loop3A_122 = arith.index_cast %parallel_loop3A_121 : i32 to index
          %parallel_loop3A_123 = arith.index_cast %parallel_loop3A_95 : i32 to index
          %parallel_loop3A_124 = tpu.vector_load %arg5[%parallel_loop3A_122, %parallel_loop3A_123] {strides = array<i32>} : memref<16x1024xf32, #tpu.memory_space<vmem>>, vector<1x16xf32>,
          %parallel_loop3A_125 = vector.shape_cast %parallel_loop3A_124 : vector<1x16xf32> to vector<16xf32>
          %parallel_loop3A_126 = arith.constant 6 : i32
          %parallel_loop3A_127 = arith.index_cast %parallel_loop3A_126 : i32 to index
          %parallel_loop3A_128 = arith.index_cast %parallel_loop3A_95 : i32 to index
          %parallel_loop3A_129 = tpu.vector_load %arg5[%parallel_loop3A_127, %parallel_loop3A_128] {strides = array<i32>} : memref<16x1024xf32, #tpu.memory_space<vmem>>, vector<1x16xf32>,
          %parallel_loop3A_130 = vector.shape_cast %parallel_loop3A_129 : vector<1x16xf32> to vector<16xf32>
          %parallel_loop3A_131 = arith.constant 7 : i32
          %parallel_loop3A_132 = arith.index_cast %parallel_loop3A_131 : i32 to index
          %parallel_loop3A_133 = arith.index_cast %parallel_loop3A_95 : i32 to index
          %parallel_loop3A_134 = tpu.vector_load %arg5[%parallel_loop3A_132, %parallel_loop3A_133] {strides = array<i32>} : memref<16x1024xf32, #tpu.memory_space<vmem>>, vector<1x16xf32>,
          %parallel_loop3A_135 = vector.shape_cast %parallel_loop3A_134 : vector<1x16xf32> to vector<16xf32>
          %parallel_loop3A_136 = arith.constant 8 : i32
          %parallel_loop3A_137 = arith.index_cast %parallel_loop3A_136 : i32 to index
          %parallel_loop3A_138 = arith.index_cast %parallel_loop3A_95 : i32 to index
          %parallel_loop3A_139 = tpu.vector_load %arg5[%parallel_loop3A_137, %parallel_loop3A_138] {strides = array<i32>} : memref<16x1024xf32, #tpu.memory_space<vmem>>, vector<1x16xf32>,
          %parallel_loop3A_140 = vector.shape_cast %parallel_loop3A_139 : vector<1x16xf32> to vector<16xf32>
          %parallel_loop3A_141 = arith.constant 9 : i32
          %parallel_loop3A_142 = arith.index_cast %parallel_loop3A_141 : i32 to index
          %parallel_loop3A_143 = arith.index_cast %parallel_loop3A_95 : i32 to index
          %parallel_loop3A_144 = tpu.vector_load %arg5[%parallel_loop3A_142, %parallel_loop3A_143] {strides = array<i32>} : memref<16x1024xf32, #tpu.memory_space<vmem>>, vector<1x16xf32>,
          %parallel_loop3A_145 = vector.shape_cast %parallel_loop3A_144 : vector<1x16xf32> to vector<16xf32>
          %parallel_loop3A_146 = arith.constant 10 : i32
          %parallel_loop3A_147 = arith.index_cast %parallel_loop3A_146 : i32 to index
          %parallel_loop3A_148 = arith.index_cast %parallel_loop3A_95 : i32 to index
          %parallel_loop3A_149 = tpu.vector_load %arg5[%parallel_loop3A_147, %parallel_loop3A_148] {strides = array<i32>} : memref<16x1024xf32, #tpu.memory_space<vmem>>, vector<1x16xf32>,
          %parallel_loop3A_150 = vector.shape_cast %parallel_loop3A_149 : vector<1x16xf32> to vector<16xf32>
          %parallel_loop3A_151 = arith.constant 11 : i32
          %parallel_loop3A_152 = arith.index_cast %parallel_loop3A_151 : i32 to index
          %parallel_loop3A_153 = arith.index_cast %parallel_loop3A_95 : i32 to index
          %parallel_loop3A_154 = tpu.vector_load %arg5[%parallel_loop3A_152, %parallel_loop3A_153] {strides = array<i32>} : memref<16x1024xf32, #tpu.memory_space<vmem>>, vector<1x16xf32>,
          %parallel_loop3A_155 = vector.shape_cast %parallel_loop3A_154 : vector<1x16xf32> to vector<16xf32>
          %parallel_loop3A_156 = arith.constant 12 : i32
          %parallel_loop3A_157 = arith.index_cast %parallel_loop3A_156 : i32 to index
          %parallel_loop3A_158 = arith.index_cast %parallel_loop3A_95 : i32 to index
          %parallel_loop3A_159 = tpu.vector_load %arg5[%parallel_loop3A_157, %parallel_loop3A_158] {strides = array<i32>} : memref<16x1024xf32, #tpu.memory_space<vmem>>, vector<1x16xf32>,
          %parallel_loop3A_160 = vector.shape_cast %parallel_loop3A_159 : vector<1x16xf32> to vector<16xf32>
          %parallel_loop3A_161 = arith.constant 13 : i32
          %parallel_loop3A_162 = arith.index_cast %parallel_loop3A_161 : i32 to index
          %parallel_loop3A_163 = arith.index_cast %parallel_loop3A_95 : i32 to index
          %parallel_loop3A_164 = tpu.vector_load %arg5[%parallel_loop3A_162, %parallel_loop3A_163] {strides = array<i32>} : memref<16x1024xf32, #tpu.memory_space<vmem>>, vector<1x16xf32>,
          %parallel_loop3A_165 = vector.shape_cast %parallel_loop3A_164 : vector<1x16xf32> to vector<16xf32>
          %parallel_loop3A_166 = arith.constant 14 : i32
          %parallel_loop3A_167 = arith.index_cast %parallel_loop3A_166 : i32 to index
          %parallel_loop3A_168 = arith.index_cast %parallel_loop3A_95 : i32 to index
          %parallel_loop3A_169 = tpu.vector_load %arg5[%parallel_loop3A_167, %parallel_loop3A_168] {strides = array<i32>} : memref<16x1024xf32, #tpu.memory_space<vmem>>, vector<1x16xf32>,
          %parallel_loop3A_170 = vector.shape_cast %parallel_loop3A_169 : vector<1x16xf32> to vector<16xf32>
          %parallel_loop3A_171 = arith.constant 15 : i32
          %parallel_loop3A_172 = arith.index_cast %parallel_loop3A_171 : i32 to index
          %parallel_loop3A_173 = arith.index_cast %parallel_loop3A_95 : i32 to index
          %parallel_loop3A_174 = tpu.vector_load %arg5[%parallel_loop3A_172, %parallel_loop3A_173] {strides = array<i32>} : memref<16x1024xf32, #tpu.memory_space<vmem>>, vector<1x16xf32>,
          %parallel_loop3A_175 = vector.shape_cast %parallel_loop3A_174 : vector<1x16xf32> to vector<16xf32>
          %parallel_loop3A_176 = arith.mulf %parallel_loop3A_100, %parallel_loop3A_100 : vector<16xf32>
          %parallel_loop3A_177 = arith.mulf %parallel_loop3A_105, %parallel_loop3A_105 : vector<16xf32>
          %parallel_loop3A_178 = arith.mulf %parallel_loop3A_110, %parallel_loop3A_110 : vector<16xf32>
          %parallel_loop3A_179 = arith.mulf %parallel_loop3A_115, %parallel_loop3A_115 : vector<16xf32>
          %parallel_loop3A_180 = arith.mulf %parallel_loop3A_120, %parallel_loop3A_120 : vector<16xf32>
          %parallel_loop3A_181 = arith.mulf %parallel_loop3A_125, %parallel_loop3A_125 : vector<16xf32>
          %parallel_loop3A_182 = arith.mulf %parallel_loop3A_130, %parallel_loop3A_130 : vector<16xf32>
          %parallel_loop3A_183 = arith.mulf %parallel_loop3A_135, %parallel_loop3A_135 : vector<16xf32>
          %parallel_loop3A_184 = arith.mulf %parallel_loop3A_140, %parallel_loop3A_140 : vector<16xf32>
          %parallel_loop3A_185 = arith.mulf %parallel_loop3A_145, %parallel_loop3A_145 : vector<16xf32>
          %parallel_loop3A_186 = arith.mulf %parallel_loop3A_150, %parallel_loop3A_150 : vector<16xf32>
          %parallel_loop3A_187 = arith.mulf %parallel_loop3A_155, %parallel_loop3A_155 : vector<16xf32>
          %parallel_loop3A_188 = arith.mulf %parallel_loop3A_160, %parallel_loop3A_160 : vector<16xf32>
          %parallel_loop3A_189 = arith.mulf %parallel_loop3A_165, %parallel_loop3A_165 : vector<16xf32>
          %parallel_loop3A_190 = arith.mulf %parallel_loop3A_170, %parallel_loop3A_170 : vector<16xf32>
          %parallel_loop3A_191 = arith.mulf %parallel_loop3A_175, %parallel_loop3A_175 : vector<16xf32>
          %parallel_loop3A_192 = arith.addf %parallel_loop3A_176, %parallel_loop3A_177 : vector<16xf32>
          %parallel_loop3A_193 = arith.addf %parallel_loop3A_178, %parallel_loop3A_179 : vector<16xf32>
          %parallel_loop3A_194 = arith.addf %parallel_loop3A_180, %parallel_loop3A_181 : vector<16xf32>
          %parallel_loop3A_195 = arith.addf %parallel_loop3A_182, %parallel_loop3A_183 : vector<16xf32>
          %parallel_loop3A_196 = arith.addf %parallel_loop3A_184, %parallel_loop3A_185 : vector<16xf32>
          %parallel_loop3A_197 = arith.addf %parallel_loop3A_186, %parallel_loop3A_187 : vector<16xf32>
          %parallel_loop3A_198 = arith.addf %parallel_loop3A_188, %parallel_loop3A_189 : vector<16xf32>
          %parallel_loop3A_199 = arith.addf %parallel_loop3A_190, %parallel_loop3A_191 : vector<16xf32>
          %parallel_loop3A_200 = arith.addf %parallel_loop3A_192, %parallel_loop3A_193 : vector<16xf32>
          %parallel_loop3A_201 = arith.addf %parallel_loop3A_194, %parallel_loop3A_195 : vector<16xf32>
          %parallel_loop3A_202 = arith.addf %parallel_loop3A_196, %parallel_loop3A_197 : vector<16xf32>
          %parallel_loop3A_203 = arith.addf %parallel_loop3A_198, %parallel_loop3A_199 : vector<16xf32>
          %parallel_loop3A_204 = arith.addf %parallel_loop3A_200, %parallel_loop3A_201 : vector<16xf32>
          %parallel_loop3A_205 = arith.addf %parallel_loop3A_202, %parallel_loop3A_203 : vector<16xf32>
          %parallel_loop3A_206 = arith.addf %parallel_loop3A_204, %parallel_loop3A_205 : vector<16xf32>
          %parallel_loop3A_207 = arith.constant 1.000000e-30 : f32
          %parallel_loop3A_208 = vector.broadcast %parallel_loop3A_207 : f32 to vector<16xf32>
          %parallel_loop3A_209 = arith.maximumf %parallel_loop3A_206, %parallel_loop3A_208 : vector<16xf32>
          %parallel_loop3A_210 = tpu.bitcast %parallel_loop3A_209 : vector<16xf32> -> vector<16xi32>
          %parallel_loop3A_211 = arith.constant 1 : i32
          %parallel_loop3A_212 = vector.broadcast %parallel_loop3A_211 : i32 to vector<16xi32>
          %parallel_loop3A_213 = arith.shrsi %parallel_loop3A_210, %parallel_loop3A_212 : vector<16xi32>
          %parallel_loop3A_214 = arith.constant 1597463007 : i32
          %parallel_loop3A_215 = vector.broadcast %parallel_loop3A_214 : i32 to vector<16xi32>
          %parallel_loop3A_216 = arith.subi %parallel_loop3A_215, %parallel_loop3A_213 : vector<16xi32>
          %parallel_loop3A_217 = tpu.bitcast %parallel_loop3A_216 : vector<16xi32> -> vector<16xf32>
          %parallel_loop3A_218 = arith.constant 5.000000e-01 : f32
          %parallel_loop3A_219 = vector.broadcast %parallel_loop3A_218 : f32 to vector<16xf32>
          %parallel_loop3A_220 = arith.mulf %parallel_loop3A_209, %parallel_loop3A_219 : vector<16xf32>
          %parallel_loop3A_221 = arith.mulf %parallel_loop3A_220, %parallel_loop3A_217 : vector<16xf32>
          %parallel_loop3A_222 = arith.mulf %parallel_loop3A_221, %parallel_loop3A_217 : vector<16xf32>
          %parallel_loop3A_223 = arith.constant 1.500000e+00 : f32
          %parallel_loop3A_224 = vector.broadcast %parallel_loop3A_223 : f32 to vector<16xf32>
          %parallel_loop3A_225 = arith.subf %parallel_loop3A_224, %parallel_loop3A_222 : vector<16xf32>
          %parallel_loop3A_226 = arith.mulf %parallel_loop3A_217, %parallel_loop3A_225 : vector<16xf32>
          %parallel_loop3A_227 = arith.mulf %parallel_loop3A_220, %parallel_loop3A_226 : vector<16xf32>
          %parallel_loop3A_228 = arith.mulf %parallel_loop3A_227, %parallel_loop3A_226 : vector<16xf32>
          %parallel_loop3A_229 = arith.constant 1.500000e+00 : f32
          %parallel_loop3A_230 = vector.broadcast %parallel_loop3A_229 : f32 to vector<16xf32>
          %parallel_loop3A_231 = arith.subf %parallel_loop3A_230, %parallel_loop3A_228 : vector<16xf32>
          %parallel_loop3A_232 = arith.mulf %parallel_loop3A_226, %parallel_loop3A_231 : vector<16xf32>
          %parallel_loop3A_233 = arith.mulf %parallel_loop3A_209, %parallel_loop3A_232 : vector<16xf32>
          %parallel_loop3A_234 = arith.constant 9.99999996E-13 : f32
          %parallel_loop3A_235 = vector.broadcast %parallel_loop3A_234 : f32 to vector<16xf32>
          %parallel_loop3A_236 = arith.cmpf ogt, %parallel_loop3A_233, %parallel_loop3A_235 : vector<16xf32>
          %parallel_loop3A_237 = arith.mulf %min3A_5, %parallel_loop3A_232 : vector<16xf32>
          %parallel_loop3A_238 = arith.select %parallel_loop3A_236, %parallel_loop3A_237, %mul3A_8 : vector<16xi1>, vector<16xf32>
          %parallel_loop3A_239 = arith.mulf %parallel_loop3A_238, %parallel_loop3A_233 : vector<16xf32>
          %parallel_loop3A_240 = arith.constant 1.000000e+00 : f32
          %parallel_loop3A_241 = vector.broadcast %parallel_loop3A_240 : f32 to vector<16xf32>
          %parallel_loop3A_242 = arith.cmpf ogt, %parallel_loop3A_239, %parallel_loop3A_241 : vector<16xf32>
          %parallel_loop3A_243 = arith.constant 1.000000e+00 : f32
          %parallel_loop3A_244 = vector.broadcast %parallel_loop3A_243 : f32 to vector<16xf32>
          %parallel_loop3A_245 = arith.mulf %parallel_loop3A_244, %parallel_loop3A_232 : vector<16xf32>
          %parallel_loop3A_246 = arith.select %parallel_loop3A_242, %parallel_loop3A_245, %parallel_loop3A_238 : vector<16xi1>, vector<16xf32>
          %parallel_loop3A_247 = arith.mulf %parallel_loop3A_100, %parallel_loop3A_246 : vector<16xf32>
          %parallel_loop3A_248 = arith.constant 0 : i32
          %parallel_loop3A_249 = arith.index_cast %parallel_loop3A_248 : i32 to index
          %parallel_loop3A_250 = arith.index_cast %parallel_loop3A_95 : i32 to index
          %parallel_loop3A_251 = tpu.vector_load %arg8[%parallel_loop3A_249, %parallel_loop3A_250] {strides = array<i32>} : memref<16x1024xf32, #tpu.memory_space<vmem>>, vector<1x16xf32>,
          %parallel_loop3A_252 = vector.shape_cast %parallel_loop3A_251 : vector<1x16xf32> to vector<16xf32>
          %parallel_loop3A_253 = vector.shape_cast %parallel_loop3A_247 : vector<16xf32> to vector<1x16xf32>
          tpu.vector_store %arg8[%parallel_loop3A_249, %parallel_loop3A_250], %parallel_loop3A_253 {strides = array<i32>} : memref<16x1024xf32, #tpu.memory_space<vmem>>, vector<1x16xf32>,
          %parallel_loop3A_254 = arith.mulf %parallel_loop3A_105, %parallel_loop3A_246 : vector<16xf32>
          %parallel_loop3A_255 = arith.constant 1 : i32
          %parallel_loop3A_256 = arith.index_cast %parallel_loop3A_255 : i32 to index
          %parallel_loop3A_257 = arith.index_cast %parallel_loop3A_95 : i32 to index
          %parallel_loop3A_258 = tpu.vector_load %arg8[%parallel_loop3A_256, %parallel_loop3A_257] {strides = array<i32>} : memref<16x1024xf32, #tpu.memory_space<vmem>>, vector<1x16xf32>,
          %parallel_loop3A_259 = vector.shape_cast %parallel_loop3A_258 : vector<1x16xf32> to vector<16xf32>
          %parallel_loop3A_260 = vector.shape_cast %parallel_loop3A_254 : vector<16xf32> to vector<1x16xf32>
          tpu.vector_store %arg8[%parallel_loop3A_256, %parallel_loop3A_257], %parallel_loop3A_260 {strides = array<i32>} : memref<16x1024xf32, #tpu.memory_space<vmem>>, vector<1x16xf32>,
          %parallel_loop3A_261 = arith.mulf %parallel_loop3A_110, %parallel_loop3A_246 : vector<16xf32>
          %parallel_loop3A_262 = arith.constant 2 : i32
          %parallel_loop3A_263 = arith.index_cast %parallel_loop3A_262 : i32 to index
          %parallel_loop3A_264 = arith.index_cast %parallel_loop3A_95 : i32 to index
          %parallel_loop3A_265 = tpu.vector_load %arg8[%parallel_loop3A_263, %parallel_loop3A_264] {strides = array<i32>} : memref<16x1024xf32, #tpu.memory_space<vmem>>, vector<1x16xf32>,
          %parallel_loop3A_266 = vector.shape_cast %parallel_loop3A_265 : vector<1x16xf32> to vector<16xf32>
          %parallel_loop3A_267 = vector.shape_cast %parallel_loop3A_261 : vector<16xf32> to vector<1x16xf32>
          tpu.vector_store %arg8[%parallel_loop3A_263, %parallel_loop3A_264], %parallel_loop3A_267 {strides = array<i32>} : memref<16x1024xf32, #tpu.memory_space<vmem>>, vector<1x16xf32>,
          %parallel_loop3A_268 = arith.mulf %parallel_loop3A_115, %parallel_loop3A_246 : vector<16xf32>
          %parallel_loop3A_269 = arith.constant 3 : i32
          %parallel_loop3A_270 = arith.index_cast %parallel_loop3A_269 : i32 to index
          %parallel_loop3A_271 = arith.index_cast %parallel_loop3A_95 : i32 to index
          %parallel_loop3A_272 = tpu.vector_load %arg8[%parallel_loop3A_270, %parallel_loop3A_271] {strides = array<i32>} : memref<16x1024xf32, #tpu.memory_space<vmem>>, vector<1x16xf32>,
          %parallel_loop3A_273 = vector.shape_cast %parallel_loop3A_272 : vector<1x16xf32> to vector<16xf32>
          %parallel_loop3A_274 = vector.shape_cast %parallel_loop3A_268 : vector<16xf32> to vector<1x16xf32>
          tpu.vector_store %arg8[%parallel_loop3A_270, %parallel_loop3A_271], %parallel_loop3A_274 {strides = array<i32>} : memref<16x1024xf32, #tpu.memory_space<vmem>>, vector<1x16xf32>,
          %parallel_loop3A_275 = arith.mulf %parallel_loop3A_120, %parallel_loop3A_246 : vector<16xf32>
          %parallel_loop3A_276 = arith.constant 4 : i32
          %parallel_loop3A_277 = arith.index_cast %parallel_loop3A_276 : i32 to index
          %parallel_loop3A_278 = arith.index_cast %parallel_loop3A_95 : i32 to index
          %parallel_loop3A_279 = tpu.vector_load %arg8[%parallel_loop3A_277, %parallel_loop3A_278] {strides = array<i32>} : memref<16x1024xf32, #tpu.memory_space<vmem>>, vector<1x16xf32>,
          %parallel_loop3A_280 = vector.shape_cast %parallel_loop3A_279 : vector<1x16xf32> to vector<16xf32>
          %parallel_loop3A_281 = vector.shape_cast %parallel_loop3A_275 : vector<16xf32> to vector<1x16xf32>
          tpu.vector_store %arg8[%parallel_loop3A_277, %parallel_loop3A_278], %parallel_loop3A_281 {strides = array<i32>} : memref<16x1024xf32, #tpu.memory_space<vmem>>, vector<1x16xf32>,
          %parallel_loop3A_282 = arith.mulf %parallel_loop3A_125, %parallel_loop3A_246 : vector<16xf32>
          %parallel_loop3A_283 = arith.constant 5 : i32
          %parallel_loop3A_284 = arith.index_cast %parallel_loop3A_283 : i32 to index
          %parallel_loop3A_285 = arith.index_cast %parallel_loop3A_95 : i32 to index
          %parallel_loop3A_286 = tpu.vector_load %arg8[%parallel_loop3A_284, %parallel_loop3A_285] {strides = array<i32>} : memref<16x1024xf32, #tpu.memory_space<vmem>>, vector<1x16xf32>,
          %parallel_loop3A_287 = vector.shape_cast %parallel_loop3A_286 : vector<1x16xf32> to vector<16xf32>
          %parallel_loop3A_288 = vector.shape_cast %parallel_loop3A_282 : vector<16xf32> to vector<1x16xf32>
          tpu.vector_store %arg8[%parallel_loop3A_284, %parallel_loop3A_285], %parallel_loop3A_288 {strides = array<i32>} : memref<16x1024xf32, #tpu.memory_space<vmem>>, vector<1x16xf32>,
          %parallel_loop3A_289 = arith.mulf %parallel_loop3A_130, %parallel_loop3A_246 : vector<16xf32>
          %parallel_loop3A_290 = arith.constant 6 : i32
          %parallel_loop3A_291 = arith.index_cast %parallel_loop3A_290 : i32 to index
          %parallel_loop3A_292 = arith.index_cast %parallel_loop3A_95 : i32 to index
          %parallel_loop3A_293 = tpu.vector_load %arg8[%parallel_loop3A_291, %parallel_loop3A_292] {strides = array<i32>} : memref<16x1024xf32, #tpu.memory_space<vmem>>, vector<1x16xf32>,
          %parallel_loop3A_294 = vector.shape_cast %parallel_loop3A_293 : vector<1x16xf32> to vector<16xf32>
          %parallel_loop3A_295 = vector.shape_cast %parallel_loop3A_289 : vector<16xf32> to vector<1x16xf32>
          tpu.vector_store %arg8[%parallel_loop3A_291, %parallel_loop3A_292], %parallel_loop3A_295 {strides = array<i32>} : memref<16x1024xf32, #tpu.memory_space<vmem>>, vector<1x16xf32>,
          %parallel_loop3A_296 = arith.mulf %parallel_loop3A_135, %parallel_loop3A_246 : vector<16xf32>
          %parallel_loop3A_297 = arith.constant 7 : i32
          %parallel_loop3A_298 = arith.index_cast %parallel_loop3A_297 : i32 to index
          %parallel_loop3A_299 = arith.index_cast %parallel_loop3A_95 : i32 to index
          %parallel_loop3A_300 = tpu.vector_load %arg8[%parallel_loop3A_298, %parallel_loop3A_299] {strides = array<i32>} : memref<16x1024xf32, #tpu.memory_space<vmem>>, vector<1x16xf32>,
          %parallel_loop3A_301 = vector.shape_cast %parallel_loop3A_300 : vector<1x16xf32> to vector<16xf32>
          %parallel_loop3A_302 = vector.shape_cast %parallel_loop3A_296 : vector<16xf32> to vector<1x16xf32>
          tpu.vector_store %arg8[%parallel_loop3A_298, %parallel_loop3A_299], %parallel_loop3A_302 {strides = array<i32>} : memref<16x1024xf32, #tpu.memory_space<vmem>>, vector<1x16xf32>,
          %parallel_loop3A_303 = arith.mulf %parallel_loop3A_140, %parallel_loop3A_246 : vector<16xf32>
          %parallel_loop3A_304 = arith.constant 8 : i32
          %parallel_loop3A_305 = arith.index_cast %parallel_loop3A_304 : i32 to index
          %parallel_loop3A_306 = arith.index_cast %parallel_loop3A_95 : i32 to index
          %parallel_loop3A_307 = tpu.vector_load %arg8[%parallel_loop3A_305, %parallel_loop3A_306] {strides = array<i32>} : memref<16x1024xf32, #tpu.memory_space<vmem>>, vector<1x16xf32>,
          %parallel_loop3A_308 = vector.shape_cast %parallel_loop3A_307 : vector<1x16xf32> to vector<16xf32>
          %parallel_loop3A_309 = vector.shape_cast %parallel_loop3A_303 : vector<16xf32> to vector<1x16xf32>
          tpu.vector_store %arg8[%parallel_loop3A_305, %parallel_loop3A_306], %parallel_loop3A_309 {strides = array<i32>} : memref<16x1024xf32, #tpu.memory_space<vmem>>, vector<1x16xf32>,
          %parallel_loop3A_310 = arith.mulf %parallel_loop3A_145, %parallel_loop3A_246 : vector<16xf32>
          %parallel_loop3A_311 = arith.constant 9 : i32
          %parallel_loop3A_312 = arith.index_cast %parallel_loop3A_311 : i32 to index
          %parallel_loop3A_313 = arith.index_cast %parallel_loop3A_95 : i32 to index
          %parallel_loop3A_314 = tpu.vector_load %arg8[%parallel_loop3A_312, %parallel_loop3A_313] {strides = array<i32>} : memref<16x1024xf32, #tpu.memory_space<vmem>>, vector<1x16xf32>,
          %parallel_loop3A_315 = vector.shape_cast %parallel_loop3A_314 : vector<1x16xf32> to vector<16xf32>
          %parallel_loop3A_316 = vector.shape_cast %parallel_loop3A_310 : vector<16xf32> to vector<1x16xf32>
          tpu.vector_store %arg8[%parallel_loop3A_312, %parallel_loop3A_313], %parallel_loop3A_316 {strides = array<i32>} : memref<16x1024xf32, #tpu.memory_space<vmem>>, vector<1x16xf32>,
          %parallel_loop3A_317 = arith.mulf %parallel_loop3A_150, %parallel_loop3A_246 : vector<16xf32>
          %parallel_loop3A_318 = arith.constant 10 : i32
          %parallel_loop3A_319 = arith.index_cast %parallel_loop3A_318 : i32 to index
          %parallel_loop3A_320 = arith.index_cast %parallel_loop3A_95 : i32 to index
          %parallel_loop3A_321 = tpu.vector_load %arg8[%parallel_loop3A_319, %parallel_loop3A_320] {strides = array<i32>} : memref<16x1024xf32, #tpu.memory_space<vmem>>, vector<1x16xf32>,
          %parallel_loop3A_322 = vector.shape_cast %parallel_loop3A_321 : vector<1x16xf32> to vector<16xf32>
          %parallel_loop3A_323 = vector.shape_cast %parallel_loop3A_317 : vector<16xf32> to vector<1x16xf32>
          tpu.vector_store %arg8[%parallel_loop3A_319, %parallel_loop3A_320], %parallel_loop3A_323 {strides = array<i32>} : memref<16x1024xf32, #tpu.memory_space<vmem>>, vector<1x16xf32>,
          %parallel_loop3A_324 = arith.mulf %parallel_loop3A_155, %parallel_loop3A_246 : vector<16xf32>
          %parallel_loop3A_325 = arith.constant 11 : i32
          %parallel_loop3A_326 = arith.index_cast %parallel_loop3A_325 : i32 to index
          %parallel_loop3A_327 = arith.index_cast %parallel_loop3A_95 : i32 to index
          %parallel_loop3A_328 = tpu.vector_load %arg8[%parallel_loop3A_326, %parallel_loop3A_327] {strides = array<i32>} : memref<16x1024xf32, #tpu.memory_space<vmem>>, vector<1x16xf32>,
          %parallel_loop3A_329 = vector.shape_cast %parallel_loop3A_328 : vector<1x16xf32> to vector<16xf32>
          %parallel_loop3A_330 = vector.shape_cast %parallel_loop3A_324 : vector<16xf32> to vector<1x16xf32>
          tpu.vector_store %arg8[%parallel_loop3A_326, %parallel_loop3A_327], %parallel_loop3A_330 {strides = array<i32>} : memref<16x1024xf32, #tpu.memory_space<vmem>>, vector<1x16xf32>,
          %parallel_loop3A_331 = arith.mulf %parallel_loop3A_160, %parallel_loop3A_246 : vector<16xf32>
          %parallel_loop3A_332 = arith.constant 12 : i32
          %parallel_loop3A_333 = arith.index_cast %parallel_loop3A_332 : i32 to index
          %parallel_loop3A_334 = arith.index_cast %parallel_loop3A_95 : i32 to index
          %parallel_loop3A_335 = tpu.vector_load %arg8[%parallel_loop3A_333, %parallel_loop3A_334] {strides = array<i32>} : memref<16x1024xf32, #tpu.memory_space<vmem>>, vector<1x16xf32>,
          %parallel_loop3A_336 = vector.shape_cast %parallel_loop3A_335 : vector<1x16xf32> to vector<16xf32>
          %parallel_loop3A_337 = vector.shape_cast %parallel_loop3A_331 : vector<16xf32> to vector<1x16xf32>
          tpu.vector_store %arg8[%parallel_loop3A_333, %parallel_loop3A_334], %parallel_loop3A_337 {strides = array<i32>} : memref<16x1024xf32, #tpu.memory_space<vmem>>, vector<1x16xf32>,
          %parallel_loop3A_338 = arith.mulf %parallel_loop3A_165, %parallel_loop3A_246 : vector<16xf32>
          %parallel_loop3A_339 = arith.constant 13 : i32
          %parallel_loop3A_340 = arith.index_cast %parallel_loop3A_339 : i32 to index
          %parallel_loop3A_341 = arith.index_cast %parallel_loop3A_95 : i32 to index
          %parallel_loop3A_342 = tpu.vector_load %arg8[%parallel_loop3A_340, %parallel_loop3A_341] {strides = array<i32>} : memref<16x1024xf32, #tpu.memory_space<vmem>>, vector<1x16xf32>,
          %parallel_loop3A_343 = vector.shape_cast %parallel_loop3A_342 : vector<1x16xf32> to vector<16xf32>
          %parallel_loop3A_344 = vector.shape_cast %parallel_loop3A_338 : vector<16xf32> to vector<1x16xf32>
          tpu.vector_store %arg8[%parallel_loop3A_340, %parallel_loop3A_341], %parallel_loop3A_344 {strides = array<i32>} : memref<16x1024xf32, #tpu.memory_space<vmem>>, vector<1x16xf32>,
          %parallel_loop3A_345 = arith.mulf %parallel_loop3A_170, %parallel_loop3A_246 : vector<16xf32>
          %parallel_loop3A_346 = arith.constant 14 : i32
          %parallel_loop3A_347 = arith.index_cast %parallel_loop3A_346 : i32 to index
          %parallel_loop3A_348 = arith.index_cast %parallel_loop3A_95 : i32 to index
          %parallel_loop3A_349 = tpu.vector_load %arg8[%parallel_loop3A_347, %parallel_loop3A_348] {strides = array<i32>} : memref<16x1024xf32, #tpu.memory_space<vmem>>, vector<1x16xf32>,
          %parallel_loop3A_350 = vector.shape_cast %parallel_loop3A_349 : vector<1x16xf32> to vector<16xf32>
          %parallel_loop3A_351 = vector.shape_cast %parallel_loop3A_345 : vector<16xf32> to vector<1x16xf32>
          tpu.vector_store %arg8[%parallel_loop3A_347, %parallel_loop3A_348], %parallel_loop3A_351 {strides = array<i32>} : memref<16x1024xf32, #tpu.memory_space<vmem>>, vector<1x16xf32>,
          %parallel_loop3A_352 = arith.mulf %parallel_loop3A_175, %parallel_loop3A_246 : vector<16xf32>
          %parallel_loop3A_353 = arith.constant 15 : i32
          %parallel_loop3A_354 = arith.index_cast %parallel_loop3A_353 : i32 to index
          %parallel_loop3A_355 = arith.index_cast %parallel_loop3A_95 : i32 to index
          %parallel_loop3A_356 = tpu.vector_load %arg8[%parallel_loop3A_354, %parallel_loop3A_355] {strides = array<i32>} : memref<16x1024xf32, #tpu.memory_space<vmem>>, vector<1x16xf32>,
          %parallel_loop3A_357 = vector.shape_cast %parallel_loop3A_356 : vector<1x16xf32> to vector<16xf32>
          %parallel_loop3A_358 = vector.shape_cast %parallel_loop3A_352 : vector<16xf32> to vector<1x16xf32>
          tpu.vector_store %arg8[%parallel_loop3A_354, %parallel_loop3A_355], %parallel_loop3A_358 {strides = array<i32>} : memref<16x1024xf32, #tpu.memory_space<vmem>>, vector<1x16xf32>,
        } {sc.loop_unroll_factor = 2 : i64, sc.parallel_access}
        %mul3A_80 = arith.constant 32 : i32
        %mul3A_81 = arith.muli %add3A_49, %mul3A_80 : i32
        %add3A_82 = arith.addi %mul3A_81, %add3A : i32
        %mul3A_83 = arith.constant 1024 : i32
        %mul3A_84 = arith.muli %add3A_82, %mul3A_83 : i32
        %multiple_of3A_85 = tpu.assume_multiple %mul3A_84, 128 : i32
        %dma_start3A = arith.constant 0 : i32
        %dma_start3A_86 = tpu.memref_slice %arg4[%dma_start3A, %multiple_of3A_85] : memref<16x1000000xf32, #tpu.memory_space<hbm>> -> memref<16x1024xf32, #tpu.memory_space<hbm>>
        %dma_start3A_87 = arith.constant 0 : i32
        %dma_start3A_88 = tpu.memref_slice %arg4[%dma_start3A_87, %multiple_of3A_85] : memref<16x1000000xf32, #tpu.memory_space<hbm>> -> memref<16x1024xf32, #tpu.memory_space<hbm>>
        tpu.enqueue_dma source(%arg8 : memref<16x1024xf32, #tpu.memory_space<vmem>>) target(%dma_start3A_88 : memref<16x1024xf32, #tpu.memory_space<hbm>>) target_semaphore(%arg15 : memref<!tpu.dma_semaphore, #tpu.memory_space<semaphore_mem>>)
        %add3A_89 = arith.constant 3 : i32
        %add3A_90 = arith.addi %add3A_49, %add3A_89 : i32
        %lt3A_91 = arith.cmpi slt, %add3A_90, %select_n3A : i32
        %convert_element_type3A_92 = arith.extui %lt3A_91 : i1 to i32
        %cond3A_93 = arith.constant 0 : i32
        %cond3A_94 = arith.cmpi ne, %convert_element_type3A_92, %cond3A_93 : i32
        scf.if %cond3A_94 {
          %add3A_95 = arith.constant 3 : i32
          %add3A_96 = arith.addi %add3A_49, %add3A_95 : i32
          %mul3A_97 = arith.constant 32 : i32
          %mul3A_98 = arith.muli %add3A_96, %mul3A_97 : i32
          %add3A_99 = arith.addi %mul3A_98, %add3A : i32
          %mul3A_100 = arith.constant 1024 : i32
          %mul3A_101 = arith.muli %add3A_99, %mul3A_100 : i32
          %multiple_of3A_102 = tpu.assume_multiple %mul3A_101, 128 : i32
          %dma_start3A_103 = arith.constant 0 : i32
          %dma_start3A_104 = tpu.memref_slice %arg2[%dma_start3A_103, %multiple_of3A_102] : memref<16x1000000xf32, #tpu.memory_space<hbm>> -> memref<16x1024xf32, #tpu.memory_space<hbm>>
          %dma_start3A_105 = arith.constant 0 : i32
          %dma_start3A_106 = tpu.memref_slice %arg2[%dma_start3A_105, %multiple_of3A_102] : memref<16x1000000xf32, #tpu.memory_space<hbm>> -> memref<16x1024xf32, #tpu.memory_space<hbm>>
          tpu.enqueue_dma source(%dma_start3A_106 : memref<16x1024xf32, #tpu.memory_space<hbm>>) target(%arg5 : memref<16x1024xf32, #tpu.memory_space<vmem>>) target_semaphore(%arg12 : memref<!tpu.dma_semaphore, #tpu.memory_space<semaphore_mem>>)
        } else {
        }
      } else {
      }
      %add3A_54 = arith.constant 1 : i32
      %add3A_55 = arith.addi %add3A_47, %add3A_54 : i32
      %lt3A_56 = arith.cmpi slt, %add3A_55, %select_n3A : i32
      %convert_element_type3A_57 = arith.extui %lt3A_56 : i1 to i32
      %cond3A_58 = arith.constant 0 : i32
      %cond3A_59 = arith.cmpi ne, %convert_element_type3A_57, %cond3A_58 : i32
      scf.if %cond3A_59 {
        %mul3A_66 = arith.constant 32 : i32
        %mul3A_67 = arith.muli %add3A_55, %mul3A_66 : i32
        %add3A_68 = arith.addi %mul3A_67, %add3A : i32
        %mul3A_69 = arith.constant 1024 : i32
        %mul3A_70 = arith.muli %add3A_68, %mul3A_69 : i32
        %multiple_of3A = tpu.assume_multiple %mul3A_70, 128 : i32
        %dma_wait3A = arith.constant 0 : i32
        %dma_wait3A_71 = tpu.memref_slice %arg2[%dma_wait3A, %multiple_of3A] : memref<16x1000000xf32, #tpu.memory_space<hbm>> -> memref<16x1024xf32, #tpu.memory_space<hbm>>
        %dma_wait3A_72 = arith.constant 0 : i32
        %dma_wait3A_73 = tpu.memref_slice %arg2[%dma_wait3A_72, %multiple_of3A] : memref<16x1000000xf32, #tpu.memory_space<hbm>> -> memref<16x1024xf32, #tpu.memory_space<hbm>>
        tpu.wait_dma2 semaphore(%arg13 : memref<!tpu.dma_semaphore, #tpu.memory_space<semaphore_mem>>) src(%dma_wait3A_73 : memref<16x1024xf32, #tpu.memory_space<hbm>>) dst(%arg6 : memref<16x1024xf32, #tpu.memory_space<vmem>>)
        %ge3A = arith.constant 3 : i32
        %ge3A_74 = arith.cmpi sge, %add3A_55, %ge3A : i32
        %convert_element_type3A_75 = arith.extui %ge3A_74 : i1 to i32
        %cond3A_76 = arith.constant 0 : i32
        %cond3A_77 = arith.cmpi ne, %convert_element_type3A_75, %cond3A_76 : i32
        scf.if %cond3A_77 {
          %sub3A = arith.constant 3 : i32
          %sub3A_95 = arith.subi %add3A_55, %sub3A : i32
          %mul3A_96 = arith.constant 32 : i32
          %mul3A_97 = arith.muli %sub3A_95, %mul3A_96 : i32
          %add3A_98 = arith.addi %mul3A_97, %add3A : i32
          %mul3A_99 = arith.constant 1024 : i32
          %mul3A_100 = arith.muli %add3A_98, %mul3A_99 : i32
          %multiple_of3A_101 = tpu.assume_multiple %mul3A_100, 128 : i32
          %dma_wait3A_102 = arith.constant 0 : i32
          %dma_wait3A_103 = tpu.memref_slice %arg4[%dma_wait3A_102, %multiple_of3A_101] : memref<16x1000000xf32, #tpu.memory_space<hbm>> -> memref<16x1024xf32, #tpu.memory_space<hbm>>
          %dma_wait3A_104 = arith.constant 0 : i32
          %dma_wait3A_105 = tpu.memref_slice %arg4[%dma_wait3A_104, %multiple_of3A_101] : memref<16x1000000xf32, #tpu.memory_space<hbm>> -> memref<16x1024xf32, #tpu.memory_space<hbm>>
          tpu.wait_dma2 semaphore(%arg16 : memref<!tpu.dma_semaphore, #tpu.memory_space<semaphore_mem>>) src(%arg9 : memref<16x1024xf32, #tpu.memory_space<vmem>>) dst(%dma_wait3A_105 : memref<16x1024xf32, #tpu.memory_space<hbm>>)
        } else {
        }
        %parallel_loop3A = arith.constant 0 : i32
        %parallel_loop3A_78 = arith.constant 1024 : i32
        %parallel_loop3A_79 = arith.constant 16 : i32
        scf.for %parallel_loop3A_95 = %parallel_loop3A to %parallel_loop3A_78 step %parallel_loop3A_79  : i32 {
          %parallel_loop3A_96 = arith.constant 0 : i32
          %parallel_loop3A_97 = arith.index_cast %parallel_loop3A_96 : i32 to index
          %parallel_loop3A_98 = arith.index_cast %parallel_loop3A_95 : i32 to index
          %parallel_loop3A_99 = tpu.vector_load %arg6[%parallel_loop3A_97, %parallel_loop3A_98] {strides = array<i32>} : memref<16x1024xf32, #tpu.memory_space<vmem>>, vector<1x16xf32>,
          %parallel_loop3A_100 = vector.shape_cast %parallel_loop3A_99 : vector<1x16xf32> to vector<16xf32>
          %parallel_loop3A_101 = arith.constant 1 : i32
          %parallel_loop3A_102 = arith.index_cast %parallel_loop3A_101 : i32 to index
          %parallel_loop3A_103 = arith.index_cast %parallel_loop3A_95 : i32 to index
          %parallel_loop3A_104 = tpu.vector_load %arg6[%parallel_loop3A_102, %parallel_loop3A_103] {strides = array<i32>} : memref<16x1024xf32, #tpu.memory_space<vmem>>, vector<1x16xf32>,
          %parallel_loop3A_105 = vector.shape_cast %parallel_loop3A_104 : vector<1x16xf32> to vector<16xf32>
          %parallel_loop3A_106 = arith.constant 2 : i32
          %parallel_loop3A_107 = arith.index_cast %parallel_loop3A_106 : i32 to index
          %parallel_loop3A_108 = arith.index_cast %parallel_loop3A_95 : i32 to index
          %parallel_loop3A_109 = tpu.vector_load %arg6[%parallel_loop3A_107, %parallel_loop3A_108] {strides = array<i32>} : memref<16x1024xf32, #tpu.memory_space<vmem>>, vector<1x16xf32>,
          %parallel_loop3A_110 = vector.shape_cast %parallel_loop3A_109 : vector<1x16xf32> to vector<16xf32>
          %parallel_loop3A_111 = arith.constant 3 : i32
          %parallel_loop3A_112 = arith.index_cast %parallel_loop3A_111 : i32 to index
          %parallel_loop3A_113 = arith.index_cast %parallel_loop3A_95 : i32 to index
          %parallel_loop3A_114 = tpu.vector_load %arg6[%parallel_loop3A_112, %parallel_loop3A_113] {strides = array<i32>} : memref<16x1024xf32, #tpu.memory_space<vmem>>, vector<1x16xf32>,
          %parallel_loop3A_115 = vector.shape_cast %parallel_loop3A_114 : vector<1x16xf32> to vector<16xf32>
          %parallel_loop3A_116 = arith.constant 4 : i32
          %parallel_loop3A_117 = arith.index_cast %parallel_loop3A_116 : i32 to index
          %parallel_loop3A_118 = arith.index_cast %parallel_loop3A_95 : i32 to index
          %parallel_loop3A_119 = tpu.vector_load %arg6[%parallel_loop3A_117, %parallel_loop3A_118] {strides = array<i32>} : memref<16x1024xf32, #tpu.memory_space<vmem>>, vector<1x16xf32>,
          %parallel_loop3A_120 = vector.shape_cast %parallel_loop3A_119 : vector<1x16xf32> to vector<16xf32>
          %parallel_loop3A_121 = arith.constant 5 : i32
          %parallel_loop3A_122 = arith.index_cast %parallel_loop3A_121 : i32 to index
          %parallel_loop3A_123 = arith.index_cast %parallel_loop3A_95 : i32 to index
          %parallel_loop3A_124 = tpu.vector_load %arg6[%parallel_loop3A_122, %parallel_loop3A_123] {strides = array<i32>} : memref<16x1024xf32, #tpu.memory_space<vmem>>, vector<1x16xf32>,
          %parallel_loop3A_125 = vector.shape_cast %parallel_loop3A_124 : vector<1x16xf32> to vector<16xf32>
          %parallel_loop3A_126 = arith.constant 6 : i32
          %parallel_loop3A_127 = arith.index_cast %parallel_loop3A_126 : i32 to index
          %parallel_loop3A_128 = arith.index_cast %parallel_loop3A_95 : i32 to index
          %parallel_loop3A_129 = tpu.vector_load %arg6[%parallel_loop3A_127, %parallel_loop3A_128] {strides = array<i32>} : memref<16x1024xf32, #tpu.memory_space<vmem>>, vector<1x16xf32>,
          %parallel_loop3A_130 = vector.shape_cast %parallel_loop3A_129 : vector<1x16xf32> to vector<16xf32>
          %parallel_loop3A_131 = arith.constant 7 : i32
          %parallel_loop3A_132 = arith.index_cast %parallel_loop3A_131 : i32 to index
          %parallel_loop3A_133 = arith.index_cast %parallel_loop3A_95 : i32 to index
          %parallel_loop3A_134 = tpu.vector_load %arg6[%parallel_loop3A_132, %parallel_loop3A_133] {strides = array<i32>} : memref<16x1024xf32, #tpu.memory_space<vmem>>, vector<1x16xf32>,
          %parallel_loop3A_135 = vector.shape_cast %parallel_loop3A_134 : vector<1x16xf32> to vector<16xf32>
          %parallel_loop3A_136 = arith.constant 8 : i32
          %parallel_loop3A_137 = arith.index_cast %parallel_loop3A_136 : i32 to index
          %parallel_loop3A_138 = arith.index_cast %parallel_loop3A_95 : i32 to index
          %parallel_loop3A_139 = tpu.vector_load %arg6[%parallel_loop3A_137, %parallel_loop3A_138] {strides = array<i32>} : memref<16x1024xf32, #tpu.memory_space<vmem>>, vector<1x16xf32>,
          %parallel_loop3A_140 = vector.shape_cast %parallel_loop3A_139 : vector<1x16xf32> to vector<16xf32>
          %parallel_loop3A_141 = arith.constant 9 : i32
          %parallel_loop3A_142 = arith.index_cast %parallel_loop3A_141 : i32 to index
          %parallel_loop3A_143 = arith.index_cast %parallel_loop3A_95 : i32 to index
          %parallel_loop3A_144 = tpu.vector_load %arg6[%parallel_loop3A_142, %parallel_loop3A_143] {strides = array<i32>} : memref<16x1024xf32, #tpu.memory_space<vmem>>, vector<1x16xf32>,
          %parallel_loop3A_145 = vector.shape_cast %parallel_loop3A_144 : vector<1x16xf32> to vector<16xf32>
          %parallel_loop3A_146 = arith.constant 10 : i32
          %parallel_loop3A_147 = arith.index_cast %parallel_loop3A_146 : i32 to index
          %parallel_loop3A_148 = arith.index_cast %parallel_loop3A_95 : i32 to index
          %parallel_loop3A_149 = tpu.vector_load %arg6[%parallel_loop3A_147, %parallel_loop3A_148] {strides = array<i32>} : memref<16x1024xf32, #tpu.memory_space<vmem>>, vector<1x16xf32>,
          %parallel_loop3A_150 = vector.shape_cast %parallel_loop3A_149 : vector<1x16xf32> to vector<16xf32>
          %parallel_loop3A_151 = arith.constant 11 : i32
          %parallel_loop3A_152 = arith.index_cast %parallel_loop3A_151 : i32 to index
          %parallel_loop3A_153 = arith.index_cast %parallel_loop3A_95 : i32 to index
          %parallel_loop3A_154 = tpu.vector_load %arg6[%parallel_loop3A_152, %parallel_loop3A_153] {strides = array<i32>} : memref<16x1024xf32, #tpu.memory_space<vmem>>, vector<1x16xf32>,
          %parallel_loop3A_155 = vector.shape_cast %parallel_loop3A_154 : vector<1x16xf32> to vector<16xf32>
          %parallel_loop3A_156 = arith.constant 12 : i32
          %parallel_loop3A_157 = arith.index_cast %parallel_loop3A_156 : i32 to index
          %parallel_loop3A_158 = arith.index_cast %parallel_loop3A_95 : i32 to index
          %parallel_loop3A_159 = tpu.vector_load %arg6[%parallel_loop3A_157, %parallel_loop3A_158] {strides = array<i32>} : memref<16x1024xf32, #tpu.memory_space<vmem>>, vector<1x16xf32>,
          %parallel_loop3A_160 = vector.shape_cast %parallel_loop3A_159 : vector<1x16xf32> to vector<16xf32>
          %parallel_loop3A_161 = arith.constant 13 : i32
          %parallel_loop3A_162 = arith.index_cast %parallel_loop3A_161 : i32 to index
          %parallel_loop3A_163 = arith.index_cast %parallel_loop3A_95 : i32 to index
          %parallel_loop3A_164 = tpu.vector_load %arg6[%parallel_loop3A_162, %parallel_loop3A_163] {strides = array<i32>} : memref<16x1024xf32, #tpu.memory_space<vmem>>, vector<1x16xf32>,
          %parallel_loop3A_165 = vector.shape_cast %parallel_loop3A_164 : vector<1x16xf32> to vector<16xf32>
          %parallel_loop3A_166 = arith.constant 14 : i32
          %parallel_loop3A_167 = arith.index_cast %parallel_loop3A_166 : i32 to index
          %parallel_loop3A_168 = arith.index_cast %parallel_loop3A_95 : i32 to index
          %parallel_loop3A_169 = tpu.vector_load %arg6[%parallel_loop3A_167, %parallel_loop3A_168] {strides = array<i32>} : memref<16x1024xf32, #tpu.memory_space<vmem>>, vector<1x16xf32>,
          %parallel_loop3A_170 = vector.shape_cast %parallel_loop3A_169 : vector<1x16xf32> to vector<16xf32>
          %parallel_loop3A_171 = arith.constant 15 : i32
          %parallel_loop3A_172 = arith.index_cast %parallel_loop3A_171 : i32 to index
          %parallel_loop3A_173 = arith.index_cast %parallel_loop3A_95 : i32 to index
          %parallel_loop3A_174 = tpu.vector_load %arg6[%parallel_loop3A_172, %parallel_loop3A_173] {strides = array<i32>} : memref<16x1024xf32, #tpu.memory_space<vmem>>, vector<1x16xf32>,
          %parallel_loop3A_175 = vector.shape_cast %parallel_loop3A_174 : vector<1x16xf32> to vector<16xf32>
          %parallel_loop3A_176 = arith.mulf %parallel_loop3A_100, %parallel_loop3A_100 : vector<16xf32>
          %parallel_loop3A_177 = arith.mulf %parallel_loop3A_105, %parallel_loop3A_105 : vector<16xf32>
          %parallel_loop3A_178 = arith.mulf %parallel_loop3A_110, %parallel_loop3A_110 : vector<16xf32>
          %parallel_loop3A_179 = arith.mulf %parallel_loop3A_115, %parallel_loop3A_115 : vector<16xf32>
          %parallel_loop3A_180 = arith.mulf %parallel_loop3A_120, %parallel_loop3A_120 : vector<16xf32>
          %parallel_loop3A_181 = arith.mulf %parallel_loop3A_125, %parallel_loop3A_125 : vector<16xf32>
          %parallel_loop3A_182 = arith.mulf %parallel_loop3A_130, %parallel_loop3A_130 : vector<16xf32>
          %parallel_loop3A_183 = arith.mulf %parallel_loop3A_135, %parallel_loop3A_135 : vector<16xf32>
          %parallel_loop3A_184 = arith.mulf %parallel_loop3A_140, %parallel_loop3A_140 : vector<16xf32>
          %parallel_loop3A_185 = arith.mulf %parallel_loop3A_145, %parallel_loop3A_145 : vector<16xf32>
          %parallel_loop3A_186 = arith.mulf %parallel_loop3A_150, %parallel_loop3A_150 : vector<16xf32>
          %parallel_loop3A_187 = arith.mulf %parallel_loop3A_155, %parallel_loop3A_155 : vector<16xf32>
          %parallel_loop3A_188 = arith.mulf %parallel_loop3A_160, %parallel_loop3A_160 : vector<16xf32>
          %parallel_loop3A_189 = arith.mulf %parallel_loop3A_165, %parallel_loop3A_165 : vector<16xf32>
          %parallel_loop3A_190 = arith.mulf %parallel_loop3A_170, %parallel_loop3A_170 : vector<16xf32>
          %parallel_loop3A_191 = arith.mulf %parallel_loop3A_175, %parallel_loop3A_175 : vector<16xf32>
          %parallel_loop3A_192 = arith.addf %parallel_loop3A_176, %parallel_loop3A_177 : vector<16xf32>
          %parallel_loop3A_193 = arith.addf %parallel_loop3A_178, %parallel_loop3A_179 : vector<16xf32>
          %parallel_loop3A_194 = arith.addf %parallel_loop3A_180, %parallel_loop3A_181 : vector<16xf32>
          %parallel_loop3A_195 = arith.addf %parallel_loop3A_182, %parallel_loop3A_183 : vector<16xf32>
          %parallel_loop3A_196 = arith.addf %parallel_loop3A_184, %parallel_loop3A_185 : vector<16xf32>
          %parallel_loop3A_197 = arith.addf %parallel_loop3A_186, %parallel_loop3A_187 : vector<16xf32>
          %parallel_loop3A_198 = arith.addf %parallel_loop3A_188, %parallel_loop3A_189 : vector<16xf32>
          %parallel_loop3A_199 = arith.addf %parallel_loop3A_190, %parallel_loop3A_191 : vector<16xf32>
          %parallel_loop3A_200 = arith.addf %parallel_loop3A_192, %parallel_loop3A_193 : vector<16xf32>
          %parallel_loop3A_201 = arith.addf %parallel_loop3A_194, %parallel_loop3A_195 : vector<16xf32>
          %parallel_loop3A_202 = arith.addf %parallel_loop3A_196, %parallel_loop3A_197 : vector<16xf32>
          %parallel_loop3A_203 = arith.addf %parallel_loop3A_198, %parallel_loop3A_199 : vector<16xf32>
          %parallel_loop3A_204 = arith.addf %parallel_loop3A_200, %parallel_loop3A_201 : vector<16xf32>
          %parallel_loop3A_205 = arith.addf %parallel_loop3A_202, %parallel_loop3A_203 : vector<16xf32>
          %parallel_loop3A_206 = arith.addf %parallel_loop3A_204, %parallel_loop3A_205 : vector<16xf32>
          %parallel_loop3A_207 = arith.constant 1.000000e-30 : f32
          %parallel_loop3A_208 = vector.broadcast %parallel_loop3A_207 : f32 to vector<16xf32>
          %parallel_loop3A_209 = arith.maximumf %parallel_loop3A_206, %parallel_loop3A_208 : vector<16xf32>
          %parallel_loop3A_210 = tpu.bitcast %parallel_loop3A_209 : vector<16xf32> -> vector<16xi32>
          %parallel_loop3A_211 = arith.constant 1 : i32
          %parallel_loop3A_212 = vector.broadcast %parallel_loop3A_211 : i32 to vector<16xi32>
          %parallel_loop3A_213 = arith.shrsi %parallel_loop3A_210, %parallel_loop3A_212 : vector<16xi32>
          %parallel_loop3A_214 = arith.constant 1597463007 : i32
          %parallel_loop3A_215 = vector.broadcast %parallel_loop3A_214 : i32 to vector<16xi32>
          %parallel_loop3A_216 = arith.subi %parallel_loop3A_215, %parallel_loop3A_213 : vector<16xi32>
          %parallel_loop3A_217 = tpu.bitcast %parallel_loop3A_216 : vector<16xi32> -> vector<16xf32>
          %parallel_loop3A_218 = arith.constant 5.000000e-01 : f32
          %parallel_loop3A_219 = vector.broadcast %parallel_loop3A_218 : f32 to vector<16xf32>
          %parallel_loop3A_220 = arith.mulf %parallel_loop3A_209, %parallel_loop3A_219 : vector<16xf32>
          %parallel_loop3A_221 = arith.mulf %parallel_loop3A_220, %parallel_loop3A_217 : vector<16xf32>
          %parallel_loop3A_222 = arith.mulf %parallel_loop3A_221, %parallel_loop3A_217 : vector<16xf32>
          %parallel_loop3A_223 = arith.constant 1.500000e+00 : f32
          %parallel_loop3A_224 = vector.broadcast %parallel_loop3A_223 : f32 to vector<16xf32>
          %parallel_loop3A_225 = arith.subf %parallel_loop3A_224, %parallel_loop3A_222 : vector<16xf32>
          %parallel_loop3A_226 = arith.mulf %parallel_loop3A_217, %parallel_loop3A_225 : vector<16xf32>
          %parallel_loop3A_227 = arith.mulf %parallel_loop3A_220, %parallel_loop3A_226 : vector<16xf32>
          %parallel_loop3A_228 = arith.mulf %parallel_loop3A_227, %parallel_loop3A_226 : vector<16xf32>
          %parallel_loop3A_229 = arith.constant 1.500000e+00 : f32
          %parallel_loop3A_230 = vector.broadcast %parallel_loop3A_229 : f32 to vector<16xf32>
          %parallel_loop3A_231 = arith.subf %parallel_loop3A_230, %parallel_loop3A_228 : vector<16xf32>
          %parallel_loop3A_232 = arith.mulf %parallel_loop3A_226, %parallel_loop3A_231 : vector<16xf32>
          %parallel_loop3A_233 = arith.mulf %parallel_loop3A_209, %parallel_loop3A_232 : vector<16xf32>
          %parallel_loop3A_234 = arith.constant 9.99999996E-13 : f32
          %parallel_loop3A_235 = vector.broadcast %parallel_loop3A_234 : f32 to vector<16xf32>
          %parallel_loop3A_236 = arith.cmpf ogt, %parallel_loop3A_233, %parallel_loop3A_235 : vector<16xf32>
          %parallel_loop3A_237 = arith.mulf %min3A_5, %parallel_loop3A_232 : vector<16xf32>
          %parallel_loop3A_238 = arith.select %parallel_loop3A_236, %parallel_loop3A_237, %mul3A_8 : vector<16xi1>, vector<16xf32>
          %parallel_loop3A_239 = arith.mulf %parallel_loop3A_238, %parallel_loop3A_233 : vector<16xf32>
          %parallel_loop3A_240 = arith.constant 1.000000e+00 : f32
          %parallel_loop3A_241 = vector.broadcast %parallel_loop3A_240 : f32 to vector<16xf32>
          %parallel_loop3A_242 = arith.cmpf ogt, %parallel_loop3A_239, %parallel_loop3A_241 : vector<16xf32>
          %parallel_loop3A_243 = arith.constant 1.000000e+00 : f32
          %parallel_loop3A_244 = vector.broadcast %parallel_loop3A_243 : f32 to vector<16xf32>
          %parallel_loop3A_245 = arith.mulf %parallel_loop3A_244, %parallel_loop3A_232 : vector<16xf32>
          %parallel_loop3A_246 = arith.select %parallel_loop3A_242, %parallel_loop3A_245, %parallel_loop3A_238 : vector<16xi1>, vector<16xf32>
          %parallel_loop3A_247 = arith.mulf %parallel_loop3A_100, %parallel_loop3A_246 : vector<16xf32>
          %parallel_loop3A_248 = arith.constant 0 : i32
          %parallel_loop3A_249 = arith.index_cast %parallel_loop3A_248 : i32 to index
          %parallel_loop3A_250 = arith.index_cast %parallel_loop3A_95 : i32 to index
          %parallel_loop3A_251 = tpu.vector_load %arg9[%parallel_loop3A_249, %parallel_loop3A_250] {strides = array<i32>} : memref<16x1024xf32, #tpu.memory_space<vmem>>, vector<1x16xf32>,
          %parallel_loop3A_252 = vector.shape_cast %parallel_loop3A_251 : vector<1x16xf32> to vector<16xf32>
          %parallel_loop3A_253 = vector.shape_cast %parallel_loop3A_247 : vector<16xf32> to vector<1x16xf32>
          tpu.vector_store %arg9[%parallel_loop3A_249, %parallel_loop3A_250], %parallel_loop3A_253 {strides = array<i32>} : memref<16x1024xf32, #tpu.memory_space<vmem>>, vector<1x16xf32>,
          %parallel_loop3A_254 = arith.mulf %parallel_loop3A_105, %parallel_loop3A_246 : vector<16xf32>
          %parallel_loop3A_255 = arith.constant 1 : i32
          %parallel_loop3A_256 = arith.index_cast %parallel_loop3A_255 : i32 to index
          %parallel_loop3A_257 = arith.index_cast %parallel_loop3A_95 : i32 to index
          %parallel_loop3A_258 = tpu.vector_load %arg9[%parallel_loop3A_256, %parallel_loop3A_257] {strides = array<i32>} : memref<16x1024xf32, #tpu.memory_space<vmem>>, vector<1x16xf32>,
          %parallel_loop3A_259 = vector.shape_cast %parallel_loop3A_258 : vector<1x16xf32> to vector<16xf32>
          %parallel_loop3A_260 = vector.shape_cast %parallel_loop3A_254 : vector<16xf32> to vector<1x16xf32>
          tpu.vector_store %arg9[%parallel_loop3A_256, %parallel_loop3A_257], %parallel_loop3A_260 {strides = array<i32>} : memref<16x1024xf32, #tpu.memory_space<vmem>>, vector<1x16xf32>,
          %parallel_loop3A_261 = arith.mulf %parallel_loop3A_110, %parallel_loop3A_246 : vector<16xf32>
          %parallel_loop3A_262 = arith.constant 2 : i32
          %parallel_loop3A_263 = arith.index_cast %parallel_loop3A_262 : i32 to index
          %parallel_loop3A_264 = arith.index_cast %parallel_loop3A_95 : i32 to index
          %parallel_loop3A_265 = tpu.vector_load %arg9[%parallel_loop3A_263, %parallel_loop3A_264] {strides = array<i32>} : memref<16x1024xf32, #tpu.memory_space<vmem>>, vector<1x16xf32>,
          %parallel_loop3A_266 = vector.shape_cast %parallel_loop3A_265 : vector<1x16xf32> to vector<16xf32>
          %parallel_loop3A_267 = vector.shape_cast %parallel_loop3A_261 : vector<16xf32> to vector<1x16xf32>
          tpu.vector_store %arg9[%parallel_loop3A_263, %parallel_loop3A_264], %parallel_loop3A_267 {strides = array<i32>} : memref<16x1024xf32, #tpu.memory_space<vmem>>, vector<1x16xf32>,
          %parallel_loop3A_268 = arith.mulf %parallel_loop3A_115, %parallel_loop3A_246 : vector<16xf32>
          %parallel_loop3A_269 = arith.constant 3 : i32
          %parallel_loop3A_270 = arith.index_cast %parallel_loop3A_269 : i32 to index
          %parallel_loop3A_271 = arith.index_cast %parallel_loop3A_95 : i32 to index
          %parallel_loop3A_272 = tpu.vector_load %arg9[%parallel_loop3A_270, %parallel_loop3A_271] {strides = array<i32>} : memref<16x1024xf32, #tpu.memory_space<vmem>>, vector<1x16xf32>,
          %parallel_loop3A_273 = vector.shape_cast %parallel_loop3A_272 : vector<1x16xf32> to vector<16xf32>
          %parallel_loop3A_274 = vector.shape_cast %parallel_loop3A_268 : vector<16xf32> to vector<1x16xf32>
          tpu.vector_store %arg9[%parallel_loop3A_270, %parallel_loop3A_271], %parallel_loop3A_274 {strides = array<i32>} : memref<16x1024xf32, #tpu.memory_space<vmem>>, vector<1x16xf32>,
          %parallel_loop3A_275 = arith.mulf %parallel_loop3A_120, %parallel_loop3A_246 : vector<16xf32>
          %parallel_loop3A_276 = arith.constant 4 : i32
          %parallel_loop3A_277 = arith.index_cast %parallel_loop3A_276 : i32 to index
          %parallel_loop3A_278 = arith.index_cast %parallel_loop3A_95 : i32 to index
          %parallel_loop3A_279 = tpu.vector_load %arg9[%parallel_loop3A_277, %parallel_loop3A_278] {strides = array<i32>} : memref<16x1024xf32, #tpu.memory_space<vmem>>, vector<1x16xf32>,
          %parallel_loop3A_280 = vector.shape_cast %parallel_loop3A_279 : vector<1x16xf32> to vector<16xf32>
          %parallel_loop3A_281 = vector.shape_cast %parallel_loop3A_275 : vector<16xf32> to vector<1x16xf32>
          tpu.vector_store %arg9[%parallel_loop3A_277, %parallel_loop3A_278], %parallel_loop3A_281 {strides = array<i32>} : memref<16x1024xf32, #tpu.memory_space<vmem>>, vector<1x16xf32>,
          %parallel_loop3A_282 = arith.mulf %parallel_loop3A_125, %parallel_loop3A_246 : vector<16xf32>
          %parallel_loop3A_283 = arith.constant 5 : i32
          %parallel_loop3A_284 = arith.index_cast %parallel_loop3A_283 : i32 to index
          %parallel_loop3A_285 = arith.index_cast %parallel_loop3A_95 : i32 to index
          %parallel_loop3A_286 = tpu.vector_load %arg9[%parallel_loop3A_284, %parallel_loop3A_285] {strides = array<i32>} : memref<16x1024xf32, #tpu.memory_space<vmem>>, vector<1x16xf32>,
          %parallel_loop3A_287 = vector.shape_cast %parallel_loop3A_286 : vector<1x16xf32> to vector<16xf32>
          %parallel_loop3A_288 = vector.shape_cast %parallel_loop3A_282 : vector<16xf32> to vector<1x16xf32>
          tpu.vector_store %arg9[%parallel_loop3A_284, %parallel_loop3A_285], %parallel_loop3A_288 {strides = array<i32>} : memref<16x1024xf32, #tpu.memory_space<vmem>>, vector<1x16xf32>,
          %parallel_loop3A_289 = arith.mulf %parallel_loop3A_130, %parallel_loop3A_246 : vector<16xf32>
          %parallel_loop3A_290 = arith.constant 6 : i32
          %parallel_loop3A_291 = arith.index_cast %parallel_loop3A_290 : i32 to index
          %parallel_loop3A_292 = arith.index_cast %parallel_loop3A_95 : i32 to index
          %parallel_loop3A_293 = tpu.vector_load %arg9[%parallel_loop3A_291, %parallel_loop3A_292] {strides = array<i32>} : memref<16x1024xf32, #tpu.memory_space<vmem>>, vector<1x16xf32>,
          %parallel_loop3A_294 = vector.shape_cast %parallel_loop3A_293 : vector<1x16xf32> to vector<16xf32>
          %parallel_loop3A_295 = vector.shape_cast %parallel_loop3A_289 : vector<16xf32> to vector<1x16xf32>
          tpu.vector_store %arg9[%parallel_loop3A_291, %parallel_loop3A_292], %parallel_loop3A_295 {strides = array<i32>} : memref<16x1024xf32, #tpu.memory_space<vmem>>, vector<1x16xf32>,
          %parallel_loop3A_296 = arith.mulf %parallel_loop3A_135, %parallel_loop3A_246 : vector<16xf32>
          %parallel_loop3A_297 = arith.constant 7 : i32
          %parallel_loop3A_298 = arith.index_cast %parallel_loop3A_297 : i32 to index
          %parallel_loop3A_299 = arith.index_cast %parallel_loop3A_95 : i32 to index
          %parallel_loop3A_300 = tpu.vector_load %arg9[%parallel_loop3A_298, %parallel_loop3A_299] {strides = array<i32>} : memref<16x1024xf32, #tpu.memory_space<vmem>>, vector<1x16xf32>,
          %parallel_loop3A_301 = vector.shape_cast %parallel_loop3A_300 : vector<1x16xf32> to vector<16xf32>
          %parallel_loop3A_302 = vector.shape_cast %parallel_loop3A_296 : vector<16xf32> to vector<1x16xf32>
          tpu.vector_store %arg9[%parallel_loop3A_298, %parallel_loop3A_299], %parallel_loop3A_302 {strides = array<i32>} : memref<16x1024xf32, #tpu.memory_space<vmem>>, vector<1x16xf32>,
          %parallel_loop3A_303 = arith.mulf %parallel_loop3A_140, %parallel_loop3A_246 : vector<16xf32>
          %parallel_loop3A_304 = arith.constant 8 : i32
          %parallel_loop3A_305 = arith.index_cast %parallel_loop3A_304 : i32 to index
          %parallel_loop3A_306 = arith.index_cast %parallel_loop3A_95 : i32 to index
          %parallel_loop3A_307 = tpu.vector_load %arg9[%parallel_loop3A_305, %parallel_loop3A_306] {strides = array<i32>} : memref<16x1024xf32, #tpu.memory_space<vmem>>, vector<1x16xf32>,
          %parallel_loop3A_308 = vector.shape_cast %parallel_loop3A_307 : vector<1x16xf32> to vector<16xf32>
          %parallel_loop3A_309 = vector.shape_cast %parallel_loop3A_303 : vector<16xf32> to vector<1x16xf32>
          tpu.vector_store %arg9[%parallel_loop3A_305, %parallel_loop3A_306], %parallel_loop3A_309 {strides = array<i32>} : memref<16x1024xf32, #tpu.memory_space<vmem>>, vector<1x16xf32>,
          %parallel_loop3A_310 = arith.mulf %parallel_loop3A_145, %parallel_loop3A_246 : vector<16xf32>
          %parallel_loop3A_311 = arith.constant 9 : i32
          %parallel_loop3A_312 = arith.index_cast %parallel_loop3A_311 : i32 to index
          %parallel_loop3A_313 = arith.index_cast %parallel_loop3A_95 : i32 to index
          %parallel_loop3A_314 = tpu.vector_load %arg9[%parallel_loop3A_312, %parallel_loop3A_313] {strides = array<i32>} : memref<16x1024xf32, #tpu.memory_space<vmem>>, vector<1x16xf32>,
          %parallel_loop3A_315 = vector.shape_cast %parallel_loop3A_314 : vector<1x16xf32> to vector<16xf32>
          %parallel_loop3A_316 = vector.shape_cast %parallel_loop3A_310 : vector<16xf32> to vector<1x16xf32>
          tpu.vector_store %arg9[%parallel_loop3A_312, %parallel_loop3A_313], %parallel_loop3A_316 {strides = array<i32>} : memref<16x1024xf32, #tpu.memory_space<vmem>>, vector<1x16xf32>,
          %parallel_loop3A_317 = arith.mulf %parallel_loop3A_150, %parallel_loop3A_246 : vector<16xf32>
          %parallel_loop3A_318 = arith.constant 10 : i32
          %parallel_loop3A_319 = arith.index_cast %parallel_loop3A_318 : i32 to index
          %parallel_loop3A_320 = arith.index_cast %parallel_loop3A_95 : i32 to index
          %parallel_loop3A_321 = tpu.vector_load %arg9[%parallel_loop3A_319, %parallel_loop3A_320] {strides = array<i32>} : memref<16x1024xf32, #tpu.memory_space<vmem>>, vector<1x16xf32>,
          %parallel_loop3A_322 = vector.shape_cast %parallel_loop3A_321 : vector<1x16xf32> to vector<16xf32>
          %parallel_loop3A_323 = vector.shape_cast %parallel_loop3A_317 : vector<16xf32> to vector<1x16xf32>
          tpu.vector_store %arg9[%parallel_loop3A_319, %parallel_loop3A_320], %parallel_loop3A_323 {strides = array<i32>} : memref<16x1024xf32, #tpu.memory_space<vmem>>, vector<1x16xf32>,
          %parallel_loop3A_324 = arith.mulf %parallel_loop3A_155, %parallel_loop3A_246 : vector<16xf32>
          %parallel_loop3A_325 = arith.constant 11 : i32
          %parallel_loop3A_326 = arith.index_cast %parallel_loop3A_325 : i32 to index
          %parallel_loop3A_327 = arith.index_cast %parallel_loop3A_95 : i32 to index
          %parallel_loop3A_328 = tpu.vector_load %arg9[%parallel_loop3A_326, %parallel_loop3A_327] {strides = array<i32>} : memref<16x1024xf32, #tpu.memory_space<vmem>>, vector<1x16xf32>,
          %parallel_loop3A_329 = vector.shape_cast %parallel_loop3A_328 : vector<1x16xf32> to vector<16xf32>
          %parallel_loop3A_330 = vector.shape_cast %parallel_loop3A_324 : vector<16xf32> to vector<1x16xf32>
          tpu.vector_store %arg9[%parallel_loop3A_326, %parallel_loop3A_327], %parallel_loop3A_330 {strides = array<i32>} : memref<16x1024xf32, #tpu.memory_space<vmem>>, vector<1x16xf32>,
          %parallel_loop3A_331 = arith.mulf %parallel_loop3A_160, %parallel_loop3A_246 : vector<16xf32>
          %parallel_loop3A_332 = arith.constant 12 : i32
          %parallel_loop3A_333 = arith.index_cast %parallel_loop3A_332 : i32 to index
          %parallel_loop3A_334 = arith.index_cast %parallel_loop3A_95 : i32 to index
          %parallel_loop3A_335 = tpu.vector_load %arg9[%parallel_loop3A_333, %parallel_loop3A_334] {strides = array<i32>} : memref<16x1024xf32, #tpu.memory_space<vmem>>, vector<1x16xf32>,
          %parallel_loop3A_336 = vector.shape_cast %parallel_loop3A_335 : vector<1x16xf32> to vector<16xf32>
          %parallel_loop3A_337 = vector.shape_cast %parallel_loop3A_331 : vector<16xf32> to vector<1x16xf32>
          tpu.vector_store %arg9[%parallel_loop3A_333, %parallel_loop3A_334], %parallel_loop3A_337 {strides = array<i32>} : memref<16x1024xf32, #tpu.memory_space<vmem>>, vector<1x16xf32>,
          %parallel_loop3A_338 = arith.mulf %parallel_loop3A_165, %parallel_loop3A_246 : vector<16xf32>
          %parallel_loop3A_339 = arith.constant 13 : i32
          %parallel_loop3A_340 = arith.index_cast %parallel_loop3A_339 : i32 to index
          %parallel_loop3A_341 = arith.index_cast %parallel_loop3A_95 : i32 to index
          %parallel_loop3A_342 = tpu.vector_load %arg9[%parallel_loop3A_340, %parallel_loop3A_341] {strides = array<i32>} : memref<16x1024xf32, #tpu.memory_space<vmem>>, vector<1x16xf32>,
          %parallel_loop3A_343 = vector.shape_cast %parallel_loop3A_342 : vector<1x16xf32> to vector<16xf32>
          %parallel_loop3A_344 = vector.shape_cast %parallel_loop3A_338 : vector<16xf32> to vector<1x16xf32>
          tpu.vector_store %arg9[%parallel_loop3A_340, %parallel_loop3A_341], %parallel_loop3A_344 {strides = array<i32>} : memref<16x1024xf32, #tpu.memory_space<vmem>>, vector<1x16xf32>,
          %parallel_loop3A_345 = arith.mulf %parallel_loop3A_170, %parallel_loop3A_246 : vector<16xf32>
          %parallel_loop3A_346 = arith.constant 14 : i32
          %parallel_loop3A_347 = arith.index_cast %parallel_loop3A_346 : i32 to index
          %parallel_loop3A_348 = arith.index_cast %parallel_loop3A_95 : i32 to index
          %parallel_loop3A_349 = tpu.vector_load %arg9[%parallel_loop3A_347, %parallel_loop3A_348] {strides = array<i32>} : memref<16x1024xf32, #tpu.memory_space<vmem>>, vector<1x16xf32>,
          %parallel_loop3A_350 = vector.shape_cast %parallel_loop3A_349 : vector<1x16xf32> to vector<16xf32>
          %parallel_loop3A_351 = vector.shape_cast %parallel_loop3A_345 : vector<16xf32> to vector<1x16xf32>
          tpu.vector_store %arg9[%parallel_loop3A_347, %parallel_loop3A_348], %parallel_loop3A_351 {strides = array<i32>} : memref<16x1024xf32, #tpu.memory_space<vmem>>, vector<1x16xf32>,
          %parallel_loop3A_352 = arith.mulf %parallel_loop3A_175, %parallel_loop3A_246 : vector<16xf32>
          %parallel_loop3A_353 = arith.constant 15 : i32
          %parallel_loop3A_354 = arith.index_cast %parallel_loop3A_353 : i32 to index
          %parallel_loop3A_355 = arith.index_cast %parallel_loop3A_95 : i32 to index
          %parallel_loop3A_356 = tpu.vector_load %arg9[%parallel_loop3A_354, %parallel_loop3A_355] {strides = array<i32>} : memref<16x1024xf32, #tpu.memory_space<vmem>>, vector<1x16xf32>,
          %parallel_loop3A_357 = vector.shape_cast %parallel_loop3A_356 : vector<1x16xf32> to vector<16xf32>
          %parallel_loop3A_358 = vector.shape_cast %parallel_loop3A_352 : vector<16xf32> to vector<1x16xf32>
          tpu.vector_store %arg9[%parallel_loop3A_354, %parallel_loop3A_355], %parallel_loop3A_358 {strides = array<i32>} : memref<16x1024xf32, #tpu.memory_space<vmem>>, vector<1x16xf32>,
        } {sc.loop_unroll_factor = 2 : i64, sc.parallel_access}
        %mul3A_80 = arith.constant 32 : i32
        %mul3A_81 = arith.muli %add3A_55, %mul3A_80 : i32
        %add3A_82 = arith.addi %mul3A_81, %add3A : i32
        %mul3A_83 = arith.constant 1024 : i32
        %mul3A_84 = arith.muli %add3A_82, %mul3A_83 : i32
        %multiple_of3A_85 = tpu.assume_multiple %mul3A_84, 128 : i32
        %dma_start3A = arith.constant 0 : i32
        %dma_start3A_86 = tpu.memref_slice %arg4[%dma_start3A, %multiple_of3A_85] : memref<16x1000000xf32, #tpu.memory_space<hbm>> -> memref<16x1024xf32, #tpu.memory_space<hbm>>
        %dma_start3A_87 = arith.constant 0 : i32
        %dma_start3A_88 = tpu.memref_slice %arg4[%dma_start3A_87, %multiple_of3A_85] : memref<16x1000000xf32, #tpu.memory_space<hbm>> -> memref<16x1024xf32, #tpu.memory_space<hbm>>
        tpu.enqueue_dma source(%arg9 : memref<16x1024xf32, #tpu.memory_space<vmem>>) target(%dma_start3A_88 : memref<16x1024xf32, #tpu.memory_space<hbm>>) target_semaphore(%arg16 : memref<!tpu.dma_semaphore, #tpu.memory_space<semaphore_mem>>)
        %add3A_89 = arith.constant 3 : i32
        %add3A_90 = arith.addi %add3A_55, %add3A_89 : i32
        %lt3A_91 = arith.cmpi slt, %add3A_90, %select_n3A : i32
        %convert_element_type3A_92 = arith.extui %lt3A_91 : i1 to i32
        %cond3A_93 = arith.constant 0 : i32
        %cond3A_94 = arith.cmpi ne, %convert_element_type3A_92, %cond3A_93 : i32
        scf.if %cond3A_94 {
          %add3A_95 = arith.constant 3 : i32
          %add3A_96 = arith.addi %add3A_55, %add3A_95 : i32
          %mul3A_97 = arith.constant 32 : i32
          %mul3A_98 = arith.muli %add3A_96, %mul3A_97 : i32
          %add3A_99 = arith.addi %mul3A_98, %add3A : i32
          %mul3A_100 = arith.constant 1024 : i32
          %mul3A_101 = arith.muli %add3A_99, %mul3A_100 : i32
          %multiple_of3A_102 = tpu.assume_multiple %mul3A_101, 128 : i32
          %dma_start3A_103 = arith.constant 0 : i32
          %dma_start3A_104 = tpu.memref_slice %arg2[%dma_start3A_103, %multiple_of3A_102] : memref<16x1000000xf32, #tpu.memory_space<hbm>> -> memref<16x1024xf32, #tpu.memory_space<hbm>>
          %dma_start3A_105 = arith.constant 0 : i32
          %dma_start3A_106 = tpu.memref_slice %arg2[%dma_start3A_105, %multiple_of3A_102] : memref<16x1000000xf32, #tpu.memory_space<hbm>> -> memref<16x1024xf32, #tpu.memory_space<hbm>>
          tpu.enqueue_dma source(%dma_start3A_106 : memref<16x1024xf32, #tpu.memory_space<hbm>>) target(%arg6 : memref<16x1024xf32, #tpu.memory_space<vmem>>) target_semaphore(%arg13 : memref<!tpu.dma_semaphore, #tpu.memory_space<semaphore_mem>>)
        } else {
        }
      } else {
      }
      %add3A_60 = arith.constant 2 : i32
      %add3A_61 = arith.addi %add3A_47, %add3A_60 : i32
      %lt3A_62 = arith.cmpi slt, %add3A_61, %select_n3A : i32
      %convert_element_type3A_63 = arith.extui %lt3A_62 : i1 to i32
      %cond3A_64 = arith.constant 0 : i32
      %cond3A_65 = arith.cmpi ne, %convert_element_type3A_63, %cond3A_64 : i32
      scf.if %cond3A_65 {
        %mul3A_66 = arith.constant 32 : i32
        %mul3A_67 = arith.muli %add3A_61, %mul3A_66 : i32
        %add3A_68 = arith.addi %mul3A_67, %add3A : i32
        %mul3A_69 = arith.constant 1024 : i32
        %mul3A_70 = arith.muli %add3A_68, %mul3A_69 : i32
        %multiple_of3A = tpu.assume_multiple %mul3A_70, 128 : i32
        %dma_wait3A = arith.constant 0 : i32
        %dma_wait3A_71 = tpu.memref_slice %arg2[%dma_wait3A, %multiple_of3A] : memref<16x1000000xf32, #tpu.memory_space<hbm>> -> memref<16x1024xf32, #tpu.memory_space<hbm>>
        %dma_wait3A_72 = arith.constant 0 : i32
        %dma_wait3A_73 = tpu.memref_slice %arg2[%dma_wait3A_72, %multiple_of3A] : memref<16x1000000xf32, #tpu.memory_space<hbm>> -> memref<16x1024xf32, #tpu.memory_space<hbm>>
        tpu.wait_dma2 semaphore(%arg14 : memref<!tpu.dma_semaphore, #tpu.memory_space<semaphore_mem>>) src(%dma_wait3A_73 : memref<16x1024xf32, #tpu.memory_space<hbm>>) dst(%arg7 : memref<16x1024xf32, #tpu.memory_space<vmem>>)
        %ge3A = arith.constant 3 : i32
        %ge3A_74 = arith.cmpi sge, %add3A_61, %ge3A : i32
        %convert_element_type3A_75 = arith.extui %ge3A_74 : i1 to i32
        %cond3A_76 = arith.constant 0 : i32
        %cond3A_77 = arith.cmpi ne, %convert_element_type3A_75, %cond3A_76 : i32
        scf.if %cond3A_77 {
          %sub3A = arith.constant 3 : i32
          %sub3A_95 = arith.subi %add3A_61, %sub3A : i32
          %mul3A_96 = arith.constant 32 : i32
          %mul3A_97 = arith.muli %sub3A_95, %mul3A_96 : i32
          %add3A_98 = arith.addi %mul3A_97, %add3A : i32
          %mul3A_99 = arith.constant 1024 : i32
          %mul3A_100 = arith.muli %add3A_98, %mul3A_99 : i32
          %multiple_of3A_101 = tpu.assume_multiple %mul3A_100, 128 : i32
          %dma_wait3A_102 = arith.constant 0 : i32
          %dma_wait3A_103 = tpu.memref_slice %arg4[%dma_wait3A_102, %multiple_of3A_101] : memref<16x1000000xf32, #tpu.memory_space<hbm>> -> memref<16x1024xf32, #tpu.memory_space<hbm>>
          %dma_wait3A_104 = arith.constant 0 : i32
          %dma_wait3A_105 = tpu.memref_slice %arg4[%dma_wait3A_104, %multiple_of3A_101] : memref<16x1000000xf32, #tpu.memory_space<hbm>> -> memref<16x1024xf32, #tpu.memory_space<hbm>>
          tpu.wait_dma2 semaphore(%arg17 : memref<!tpu.dma_semaphore, #tpu.memory_space<semaphore_mem>>) src(%arg10 : memref<16x1024xf32, #tpu.memory_space<vmem>>) dst(%dma_wait3A_105 : memref<16x1024xf32, #tpu.memory_space<hbm>>)
        } else {
        }
        %parallel_loop3A = arith.constant 0 : i32
        %parallel_loop3A_78 = arith.constant 1024 : i32
        %parallel_loop3A_79 = arith.constant 16 : i32
        scf.for %parallel_loop3A_95 = %parallel_loop3A to %parallel_loop3A_78 step %parallel_loop3A_79  : i32 {
          %parallel_loop3A_96 = arith.constant 0 : i32
          %parallel_loop3A_97 = arith.index_cast %parallel_loop3A_96 : i32 to index
          %parallel_loop3A_98 = arith.index_cast %parallel_loop3A_95 : i32 to index
          %parallel_loop3A_99 = tpu.vector_load %arg7[%parallel_loop3A_97, %parallel_loop3A_98] {strides = array<i32>} : memref<16x1024xf32, #tpu.memory_space<vmem>>, vector<1x16xf32>,
          %parallel_loop3A_100 = vector.shape_cast %parallel_loop3A_99 : vector<1x16xf32> to vector<16xf32>
          %parallel_loop3A_101 = arith.constant 1 : i32
          %parallel_loop3A_102 = arith.index_cast %parallel_loop3A_101 : i32 to index
          %parallel_loop3A_103 = arith.index_cast %parallel_loop3A_95 : i32 to index
          %parallel_loop3A_104 = tpu.vector_load %arg7[%parallel_loop3A_102, %parallel_loop3A_103] {strides = array<i32>} : memref<16x1024xf32, #tpu.memory_space<vmem>>, vector<1x16xf32>,
          %parallel_loop3A_105 = vector.shape_cast %parallel_loop3A_104 : vector<1x16xf32> to vector<16xf32>
          %parallel_loop3A_106 = arith.constant 2 : i32
          %parallel_loop3A_107 = arith.index_cast %parallel_loop3A_106 : i32 to index
          %parallel_loop3A_108 = arith.index_cast %parallel_loop3A_95 : i32 to index
          %parallel_loop3A_109 = tpu.vector_load %arg7[%parallel_loop3A_107, %parallel_loop3A_108] {strides = array<i32>} : memref<16x1024xf32, #tpu.memory_space<vmem>>, vector<1x16xf32>,
          %parallel_loop3A_110 = vector.shape_cast %parallel_loop3A_109 : vector<1x16xf32> to vector<16xf32>
          %parallel_loop3A_111 = arith.constant 3 : i32
          %parallel_loop3A_112 = arith.index_cast %parallel_loop3A_111 : i32 to index
          %parallel_loop3A_113 = arith.index_cast %parallel_loop3A_95 : i32 to index
          %parallel_loop3A_114 = tpu.vector_load %arg7[%parallel_loop3A_112, %parallel_loop3A_113] {strides = array<i32>} : memref<16x1024xf32, #tpu.memory_space<vmem>>, vector<1x16xf32>,
          %parallel_loop3A_115 = vector.shape_cast %parallel_loop3A_114 : vector<1x16xf32> to vector<16xf32>
          %parallel_loop3A_116 = arith.constant 4 : i32
          %parallel_loop3A_117 = arith.index_cast %parallel_loop3A_116 : i32 to index
          %parallel_loop3A_118 = arith.index_cast %parallel_loop3A_95 : i32 to index
          %parallel_loop3A_119 = tpu.vector_load %arg7[%parallel_loop3A_117, %parallel_loop3A_118] {strides = array<i32>} : memref<16x1024xf32, #tpu.memory_space<vmem>>, vector<1x16xf32>,
          %parallel_loop3A_120 = vector.shape_cast %parallel_loop3A_119 : vector<1x16xf32> to vector<16xf32>
          %parallel_loop3A_121 = arith.constant 5 : i32
          %parallel_loop3A_122 = arith.index_cast %parallel_loop3A_121 : i32 to index
          %parallel_loop3A_123 = arith.index_cast %parallel_loop3A_95 : i32 to index
          %parallel_loop3A_124 = tpu.vector_load %arg7[%parallel_loop3A_122, %parallel_loop3A_123] {strides = array<i32>} : memref<16x1024xf32, #tpu.memory_space<vmem>>, vector<1x16xf32>,
          %parallel_loop3A_125 = vector.shape_cast %parallel_loop3A_124 : vector<1x16xf32> to vector<16xf32>
          %parallel_loop3A_126 = arith.constant 6 : i32
          %parallel_loop3A_127 = arith.index_cast %parallel_loop3A_126 : i32 to index
          %parallel_loop3A_128 = arith.index_cast %parallel_loop3A_95 : i32 to index
          %parallel_loop3A_129 = tpu.vector_load %arg7[%parallel_loop3A_127, %parallel_loop3A_128] {strides = array<i32>} : memref<16x1024xf32, #tpu.memory_space<vmem>>, vector<1x16xf32>,
          %parallel_loop3A_130 = vector.shape_cast %parallel_loop3A_129 : vector<1x16xf32> to vector<16xf32>
          %parallel_loop3A_131 = arith.constant 7 : i32
          %parallel_loop3A_132 = arith.index_cast %parallel_loop3A_131 : i32 to index
          %parallel_loop3A_133 = arith.index_cast %parallel_loop3A_95 : i32 to index
          %parallel_loop3A_134 = tpu.vector_load %arg7[%parallel_loop3A_132, %parallel_loop3A_133] {strides = array<i32>} : memref<16x1024xf32, #tpu.memory_space<vmem>>, vector<1x16xf32>,
          %parallel_loop3A_135 = vector.shape_cast %parallel_loop3A_134 : vector<1x16xf32> to vector<16xf32>
          %parallel_loop3A_136 = arith.constant 8 : i32
          %parallel_loop3A_137 = arith.index_cast %parallel_loop3A_136 : i32 to index
          %parallel_loop3A_138 = arith.index_cast %parallel_loop3A_95 : i32 to index
          %parallel_loop3A_139 = tpu.vector_load %arg7[%parallel_loop3A_137, %parallel_loop3A_138] {strides = array<i32>} : memref<16x1024xf32, #tpu.memory_space<vmem>>, vector<1x16xf32>,
          %parallel_loop3A_140 = vector.shape_cast %parallel_loop3A_139 : vector<1x16xf32> to vector<16xf32>
          %parallel_loop3A_141 = arith.constant 9 : i32
          %parallel_loop3A_142 = arith.index_cast %parallel_loop3A_141 : i32 to index
          %parallel_loop3A_143 = arith.index_cast %parallel_loop3A_95 : i32 to index
          %parallel_loop3A_144 = tpu.vector_load %arg7[%parallel_loop3A_142, %parallel_loop3A_143] {strides = array<i32>} : memref<16x1024xf32, #tpu.memory_space<vmem>>, vector<1x16xf32>,
          %parallel_loop3A_145 = vector.shape_cast %parallel_loop3A_144 : vector<1x16xf32> to vector<16xf32>
          %parallel_loop3A_146 = arith.constant 10 : i32
          %parallel_loop3A_147 = arith.index_cast %parallel_loop3A_146 : i32 to index
          %parallel_loop3A_148 = arith.index_cast %parallel_loop3A_95 : i32 to index
          %parallel_loop3A_149 = tpu.vector_load %arg7[%parallel_loop3A_147, %parallel_loop3A_148] {strides = array<i32>} : memref<16x1024xf32, #tpu.memory_space<vmem>>, vector<1x16xf32>,
          %parallel_loop3A_150 = vector.shape_cast %parallel_loop3A_149 : vector<1x16xf32> to vector<16xf32>
          %parallel_loop3A_151 = arith.constant 11 : i32
          %parallel_loop3A_152 = arith.index_cast %parallel_loop3A_151 : i32 to index
          %parallel_loop3A_153 = arith.index_cast %parallel_loop3A_95 : i32 to index
          %parallel_loop3A_154 = tpu.vector_load %arg7[%parallel_loop3A_152, %parallel_loop3A_153] {strides = array<i32>} : memref<16x1024xf32, #tpu.memory_space<vmem>>, vector<1x16xf32>,
          %parallel_loop3A_155 = vector.shape_cast %parallel_loop3A_154 : vector<1x16xf32> to vector<16xf32>
          %parallel_loop3A_156 = arith.constant 12 : i32
          %parallel_loop3A_157 = arith.index_cast %parallel_loop3A_156 : i32 to index
          %parallel_loop3A_158 = arith.index_cast %parallel_loop3A_95 : i32 to index
          %parallel_loop3A_159 = tpu.vector_load %arg7[%parallel_loop3A_157, %parallel_loop3A_158] {strides = array<i32>} : memref<16x1024xf32, #tpu.memory_space<vmem>>, vector<1x16xf32>,
          %parallel_loop3A_160 = vector.shape_cast %parallel_loop3A_159 : vector<1x16xf32> to vector<16xf32>
          %parallel_loop3A_161 = arith.constant 13 : i32
          %parallel_loop3A_162 = arith.index_cast %parallel_loop3A_161 : i32 to index
          %parallel_loop3A_163 = arith.index_cast %parallel_loop3A_95 : i32 to index
          %parallel_loop3A_164 = tpu.vector_load %arg7[%parallel_loop3A_162, %parallel_loop3A_163] {strides = array<i32>} : memref<16x1024xf32, #tpu.memory_space<vmem>>, vector<1x16xf32>,
          %parallel_loop3A_165 = vector.shape_cast %parallel_loop3A_164 : vector<1x16xf32> to vector<16xf32>
          %parallel_loop3A_166 = arith.constant 14 : i32
          %parallel_loop3A_167 = arith.index_cast %parallel_loop3A_166 : i32 to index
          %parallel_loop3A_168 = arith.index_cast %parallel_loop3A_95 : i32 to index
          %parallel_loop3A_169 = tpu.vector_load %arg7[%parallel_loop3A_167, %parallel_loop3A_168] {strides = array<i32>} : memref<16x1024xf32, #tpu.memory_space<vmem>>, vector<1x16xf32>,
          %parallel_loop3A_170 = vector.shape_cast %parallel_loop3A_169 : vector<1x16xf32> to vector<16xf32>
          %parallel_loop3A_171 = arith.constant 15 : i32
          %parallel_loop3A_172 = arith.index_cast %parallel_loop3A_171 : i32 to index
          %parallel_loop3A_173 = arith.index_cast %parallel_loop3A_95 : i32 to index
          %parallel_loop3A_174 = tpu.vector_load %arg7[%parallel_loop3A_172, %parallel_loop3A_173] {strides = array<i32>} : memref<16x1024xf32, #tpu.memory_space<vmem>>, vector<1x16xf32>,
          %parallel_loop3A_175 = vector.shape_cast %parallel_loop3A_174 : vector<1x16xf32> to vector<16xf32>
          %parallel_loop3A_176 = arith.mulf %parallel_loop3A_100, %parallel_loop3A_100 : vector<16xf32>
          %parallel_loop3A_177 = arith.mulf %parallel_loop3A_105, %parallel_loop3A_105 : vector<16xf32>
          %parallel_loop3A_178 = arith.mulf %parallel_loop3A_110, %parallel_loop3A_110 : vector<16xf32>
          %parallel_loop3A_179 = arith.mulf %parallel_loop3A_115, %parallel_loop3A_115 : vector<16xf32>
          %parallel_loop3A_180 = arith.mulf %parallel_loop3A_120, %parallel_loop3A_120 : vector<16xf32>
          %parallel_loop3A_181 = arith.mulf %parallel_loop3A_125, %parallel_loop3A_125 : vector<16xf32>
          %parallel_loop3A_182 = arith.mulf %parallel_loop3A_130, %parallel_loop3A_130 : vector<16xf32>
          %parallel_loop3A_183 = arith.mulf %parallel_loop3A_135, %parallel_loop3A_135 : vector<16xf32>
          %parallel_loop3A_184 = arith.mulf %parallel_loop3A_140, %parallel_loop3A_140 : vector<16xf32>
          %parallel_loop3A_185 = arith.mulf %parallel_loop3A_145, %parallel_loop3A_145 : vector<16xf32>
          %parallel_loop3A_186 = arith.mulf %parallel_loop3A_150, %parallel_loop3A_150 : vector<16xf32>
          %parallel_loop3A_187 = arith.mulf %parallel_loop3A_155, %parallel_loop3A_155 : vector<16xf32>
          %parallel_loop3A_188 = arith.mulf %parallel_loop3A_160, %parallel_loop3A_160 : vector<16xf32>
          %parallel_loop3A_189 = arith.mulf %parallel_loop3A_165, %parallel_loop3A_165 : vector<16xf32>
          %parallel_loop3A_190 = arith.mulf %parallel_loop3A_170, %parallel_loop3A_170 : vector<16xf32>
          %parallel_loop3A_191 = arith.mulf %parallel_loop3A_175, %parallel_loop3A_175 : vector<16xf32>
          %parallel_loop3A_192 = arith.addf %parallel_loop3A_176, %parallel_loop3A_177 : vector<16xf32>
          %parallel_loop3A_193 = arith.addf %parallel_loop3A_178, %parallel_loop3A_179 : vector<16xf32>
          %parallel_loop3A_194 = arith.addf %parallel_loop3A_180, %parallel_loop3A_181 : vector<16xf32>
          %parallel_loop3A_195 = arith.addf %parallel_loop3A_182, %parallel_loop3A_183 : vector<16xf32>
          %parallel_loop3A_196 = arith.addf %parallel_loop3A_184, %parallel_loop3A_185 : vector<16xf32>
          %parallel_loop3A_197 = arith.addf %parallel_loop3A_186, %parallel_loop3A_187 : vector<16xf32>
          %parallel_loop3A_198 = arith.addf %parallel_loop3A_188, %parallel_loop3A_189 : vector<16xf32>
          %parallel_loop3A_199 = arith.addf %parallel_loop3A_190, %parallel_loop3A_191 : vector<16xf32>
          %parallel_loop3A_200 = arith.addf %parallel_loop3A_192, %parallel_loop3A_193 : vector<16xf32>
          %parallel_loop3A_201 = arith.addf %parallel_loop3A_194, %parallel_loop3A_195 : vector<16xf32>
          %parallel_loop3A_202 = arith.addf %parallel_loop3A_196, %parallel_loop3A_197 : vector<16xf32>
          %parallel_loop3A_203 = arith.addf %parallel_loop3A_198, %parallel_loop3A_199 : vector<16xf32>
          %parallel_loop3A_204 = arith.addf %parallel_loop3A_200, %parallel_loop3A_201 : vector<16xf32>
          %parallel_loop3A_205 = arith.addf %parallel_loop3A_202, %parallel_loop3A_203 : vector<16xf32>
          %parallel_loop3A_206 = arith.addf %parallel_loop3A_204, %parallel_loop3A_205 : vector<16xf32>
          %parallel_loop3A_207 = arith.constant 1.000000e-30 : f32
          %parallel_loop3A_208 = vector.broadcast %parallel_loop3A_207 : f32 to vector<16xf32>
          %parallel_loop3A_209 = arith.maximumf %parallel_loop3A_206, %parallel_loop3A_208 : vector<16xf32>
          %parallel_loop3A_210 = tpu.bitcast %parallel_loop3A_209 : vector<16xf32> -> vector<16xi32>
          %parallel_loop3A_211 = arith.constant 1 : i32
          %parallel_loop3A_212 = vector.broadcast %parallel_loop3A_211 : i32 to vector<16xi32>
          %parallel_loop3A_213 = arith.shrsi %parallel_loop3A_210, %parallel_loop3A_212 : vector<16xi32>
          %parallel_loop3A_214 = arith.constant 1597463007 : i32
          %parallel_loop3A_215 = vector.broadcast %parallel_loop3A_214 : i32 to vector<16xi32>
          %parallel_loop3A_216 = arith.subi %parallel_loop3A_215, %parallel_loop3A_213 : vector<16xi32>
          %parallel_loop3A_217 = tpu.bitcast %parallel_loop3A_216 : vector<16xi32> -> vector<16xf32>
          %parallel_loop3A_218 = arith.constant 5.000000e-01 : f32
          %parallel_loop3A_219 = vector.broadcast %parallel_loop3A_218 : f32 to vector<16xf32>
          %parallel_loop3A_220 = arith.mulf %parallel_loop3A_209, %parallel_loop3A_219 : vector<16xf32>
          %parallel_loop3A_221 = arith.mulf %parallel_loop3A_220, %parallel_loop3A_217 : vector<16xf32>
          %parallel_loop3A_222 = arith.mulf %parallel_loop3A_221, %parallel_loop3A_217 : vector<16xf32>
          %parallel_loop3A_223 = arith.constant 1.500000e+00 : f32
          %parallel_loop3A_224 = vector.broadcast %parallel_loop3A_223 : f32 to vector<16xf32>
          %parallel_loop3A_225 = arith.subf %parallel_loop3A_224, %parallel_loop3A_222 : vector<16xf32>
          %parallel_loop3A_226 = arith.mulf %parallel_loop3A_217, %parallel_loop3A_225 : vector<16xf32>
          %parallel_loop3A_227 = arith.mulf %parallel_loop3A_220, %parallel_loop3A_226 : vector<16xf32>
          %parallel_loop3A_228 = arith.mulf %parallel_loop3A_227, %parallel_loop3A_226 : vector<16xf32>
          %parallel_loop3A_229 = arith.constant 1.500000e+00 : f32
          %parallel_loop3A_230 = vector.broadcast %parallel_loop3A_229 : f32 to vector<16xf32>
          %parallel_loop3A_231 = arith.subf %parallel_loop3A_230, %parallel_loop3A_228 : vector<16xf32>
          %parallel_loop3A_232 = arith.mulf %parallel_loop3A_226, %parallel_loop3A_231 : vector<16xf32>
          %parallel_loop3A_233 = arith.mulf %parallel_loop3A_209, %parallel_loop3A_232 : vector<16xf32>
          %parallel_loop3A_234 = arith.constant 9.99999996E-13 : f32
          %parallel_loop3A_235 = vector.broadcast %parallel_loop3A_234 : f32 to vector<16xf32>
          %parallel_loop3A_236 = arith.cmpf ogt, %parallel_loop3A_233, %parallel_loop3A_235 : vector<16xf32>
          %parallel_loop3A_237 = arith.mulf %min3A_5, %parallel_loop3A_232 : vector<16xf32>
          %parallel_loop3A_238 = arith.select %parallel_loop3A_236, %parallel_loop3A_237, %mul3A_8 : vector<16xi1>, vector<16xf32>
          %parallel_loop3A_239 = arith.mulf %parallel_loop3A_238, %parallel_loop3A_233 : vector<16xf32>
          %parallel_loop3A_240 = arith.constant 1.000000e+00 : f32
          %parallel_loop3A_241 = vector.broadcast %parallel_loop3A_240 : f32 to vector<16xf32>
          %parallel_loop3A_242 = arith.cmpf ogt, %parallel_loop3A_239, %parallel_loop3A_241 : vector<16xf32>
          %parallel_loop3A_243 = arith.constant 1.000000e+00 : f32
          %parallel_loop3A_244 = vector.broadcast %parallel_loop3A_243 : f32 to vector<16xf32>
          %parallel_loop3A_245 = arith.mulf %parallel_loop3A_244, %parallel_loop3A_232 : vector<16xf32>
          %parallel_loop3A_246 = arith.select %parallel_loop3A_242, %parallel_loop3A_245, %parallel_loop3A_238 : vector<16xi1>, vector<16xf32>
          %parallel_loop3A_247 = arith.mulf %parallel_loop3A_100, %parallel_loop3A_246 : vector<16xf32>
          %parallel_loop3A_248 = arith.constant 0 : i32
          %parallel_loop3A_249 = arith.index_cast %parallel_loop3A_248 : i32 to index
          %parallel_loop3A_250 = arith.index_cast %parallel_loop3A_95 : i32 to index
          %parallel_loop3A_251 = tpu.vector_load %arg10[%parallel_loop3A_249, %parallel_loop3A_250] {strides = array<i32>} : memref<16x1024xf32, #tpu.memory_space<vmem>>, vector<1x16xf32>,
          %parallel_loop3A_252 = vector.shape_cast %parallel_loop3A_251 : vector<1x16xf32> to vector<16xf32>
          %parallel_loop3A_253 = vector.shape_cast %parallel_loop3A_247 : vector<16xf32> to vector<1x16xf32>
          tpu.vector_store %arg10[%parallel_loop3A_249, %parallel_loop3A_250], %parallel_loop3A_253 {strides = array<i32>} : memref<16x1024xf32, #tpu.memory_space<vmem>>, vector<1x16xf32>,
          %parallel_loop3A_254 = arith.mulf %parallel_loop3A_105, %parallel_loop3A_246 : vector<16xf32>
          %parallel_loop3A_255 = arith.constant 1 : i32
          %parallel_loop3A_256 = arith.index_cast %parallel_loop3A_255 : i32 to index
          %parallel_loop3A_257 = arith.index_cast %parallel_loop3A_95 : i32 to index
          %parallel_loop3A_258 = tpu.vector_load %arg10[%parallel_loop3A_256, %parallel_loop3A_257] {strides = array<i32>} : memref<16x1024xf32, #tpu.memory_space<vmem>>, vector<1x16xf32>,
          %parallel_loop3A_259 = vector.shape_cast %parallel_loop3A_258 : vector<1x16xf32> to vector<16xf32>
          %parallel_loop3A_260 = vector.shape_cast %parallel_loop3A_254 : vector<16xf32> to vector<1x16xf32>
          tpu.vector_store %arg10[%parallel_loop3A_256, %parallel_loop3A_257], %parallel_loop3A_260 {strides = array<i32>} : memref<16x1024xf32, #tpu.memory_space<vmem>>, vector<1x16xf32>,
          %parallel_loop3A_261 = arith.mulf %parallel_loop3A_110, %parallel_loop3A_246 : vector<16xf32>
          %parallel_loop3A_262 = arith.constant 2 : i32
          %parallel_loop3A_263 = arith.index_cast %parallel_loop3A_262 : i32 to index
          %parallel_loop3A_264 = arith.index_cast %parallel_loop3A_95 : i32 to index
          %parallel_loop3A_265 = tpu.vector_load %arg10[%parallel_loop3A_263, %parallel_loop3A_264] {strides = array<i32>} : memref<16x1024xf32, #tpu.memory_space<vmem>>, vector<1x16xf32>,
          %parallel_loop3A_266 = vector.shape_cast %parallel_loop3A_265 : vector<1x16xf32> to vector<16xf32>
          %parallel_loop3A_267 = vector.shape_cast %parallel_loop3A_261 : vector<16xf32> to vector<1x16xf32>
          tpu.vector_store %arg10[%parallel_loop3A_263, %parallel_loop3A_264], %parallel_loop3A_267 {strides = array<i32>} : memref<16x1024xf32, #tpu.memory_space<vmem>>, vector<1x16xf32>,
          %parallel_loop3A_268 = arith.mulf %parallel_loop3A_115, %parallel_loop3A_246 : vector<16xf32>
          %parallel_loop3A_269 = arith.constant 3 : i32
          %parallel_loop3A_270 = arith.index_cast %parallel_loop3A_269 : i32 to index
          %parallel_loop3A_271 = arith.index_cast %parallel_loop3A_95 : i32 to index
          %parallel_loop3A_272 = tpu.vector_load %arg10[%parallel_loop3A_270, %parallel_loop3A_271] {strides = array<i32>} : memref<16x1024xf32, #tpu.memory_space<vmem>>, vector<1x16xf32>,
          %parallel_loop3A_273 = vector.shape_cast %parallel_loop3A_272 : vector<1x16xf32> to vector<16xf32>
          %parallel_loop3A_274 = vector.shape_cast %parallel_loop3A_268 : vector<16xf32> to vector<1x16xf32>
          tpu.vector_store %arg10[%parallel_loop3A_270, %parallel_loop3A_271], %parallel_loop3A_274 {strides = array<i32>} : memref<16x1024xf32, #tpu.memory_space<vmem>>, vector<1x16xf32>,
          %parallel_loop3A_275 = arith.mulf %parallel_loop3A_120, %parallel_loop3A_246 : vector<16xf32>
          %parallel_loop3A_276 = arith.constant 4 : i32
          %parallel_loop3A_277 = arith.index_cast %parallel_loop3A_276 : i32 to index
          %parallel_loop3A_278 = arith.index_cast %parallel_loop3A_95 : i32 to index
          %parallel_loop3A_279 = tpu.vector_load %arg10[%parallel_loop3A_277, %parallel_loop3A_278] {strides = array<i32>} : memref<16x1024xf32, #tpu.memory_space<vmem>>, vector<1x16xf32>,
          %parallel_loop3A_280 = vector.shape_cast %parallel_loop3A_279 : vector<1x16xf32> to vector<16xf32>
          %parallel_loop3A_281 = vector.shape_cast %parallel_loop3A_275 : vector<16xf32> to vector<1x16xf32>
          tpu.vector_store %arg10[%parallel_loop3A_277, %parallel_loop3A_278], %parallel_loop3A_281 {strides = array<i32>} : memref<16x1024xf32, #tpu.memory_space<vmem>>, vector<1x16xf32>,
          %parallel_loop3A_282 = arith.mulf %parallel_loop3A_125, %parallel_loop3A_246 : vector<16xf32>
          %parallel_loop3A_283 = arith.constant 5 : i32
          %parallel_loop3A_284 = arith.index_cast %parallel_loop3A_283 : i32 to index
          %parallel_loop3A_285 = arith.index_cast %parallel_loop3A_95 : i32 to index
          %parallel_loop3A_286 = tpu.vector_load %arg10[%parallel_loop3A_284, %parallel_loop3A_285] {strides = array<i32>} : memref<16x1024xf32, #tpu.memory_space<vmem>>, vector<1x16xf32>,
          %parallel_loop3A_287 = vector.shape_cast %parallel_loop3A_286 : vector<1x16xf32> to vector<16xf32>
          %parallel_loop3A_288 = vector.shape_cast %parallel_loop3A_282 : vector<16xf32> to vector<1x16xf32>
          tpu.vector_store %arg10[%parallel_loop3A_284, %parallel_loop3A_285], %parallel_loop3A_288 {strides = array<i32>} : memref<16x1024xf32, #tpu.memory_space<vmem>>, vector<1x16xf32>,
          %parallel_loop3A_289 = arith.mulf %parallel_loop3A_130, %parallel_loop3A_246 : vector<16xf32>
          %parallel_loop3A_290 = arith.constant 6 : i32
          %parallel_loop3A_291 = arith.index_cast %parallel_loop3A_290 : i32 to index
          %parallel_loop3A_292 = arith.index_cast %parallel_loop3A_95 : i32 to index
          %parallel_loop3A_293 = tpu.vector_load %arg10[%parallel_loop3A_291, %parallel_loop3A_292] {strides = array<i32>} : memref<16x1024xf32, #tpu.memory_space<vmem>>, vector<1x16xf32>,
          %parallel_loop3A_294 = vector.shape_cast %parallel_loop3A_293 : vector<1x16xf32> to vector<16xf32>
          %parallel_loop3A_295 = vector.shape_cast %parallel_loop3A_289 : vector<16xf32> to vector<1x16xf32>
          tpu.vector_store %arg10[%parallel_loop3A_291, %parallel_loop3A_292], %parallel_loop3A_295 {strides = array<i32>} : memref<16x1024xf32, #tpu.memory_space<vmem>>, vector<1x16xf32>,
          %parallel_loop3A_296 = arith.mulf %parallel_loop3A_135, %parallel_loop3A_246 : vector<16xf32>
          %parallel_loop3A_297 = arith.constant 7 : i32
          %parallel_loop3A_298 = arith.index_cast %parallel_loop3A_297 : i32 to index
          %parallel_loop3A_299 = arith.index_cast %parallel_loop3A_95 : i32 to index
          %parallel_loop3A_300 = tpu.vector_load %arg10[%parallel_loop3A_298, %parallel_loop3A_299] {strides = array<i32>} : memref<16x1024xf32, #tpu.memory_space<vmem>>, vector<1x16xf32>,
          %parallel_loop3A_301 = vector.shape_cast %parallel_loop3A_300 : vector<1x16xf32> to vector<16xf32>
          %parallel_loop3A_302 = vector.shape_cast %parallel_loop3A_296 : vector<16xf32> to vector<1x16xf32>
          tpu.vector_store %arg10[%parallel_loop3A_298, %parallel_loop3A_299], %parallel_loop3A_302 {strides = array<i32>} : memref<16x1024xf32, #tpu.memory_space<vmem>>, vector<1x16xf32>,
          %parallel_loop3A_303 = arith.mulf %parallel_loop3A_140, %parallel_loop3A_246 : vector<16xf32>
          %parallel_loop3A_304 = arith.constant 8 : i32
          %parallel_loop3A_305 = arith.index_cast %parallel_loop3A_304 : i32 to index
          %parallel_loop3A_306 = arith.index_cast %parallel_loop3A_95 : i32 to index
          %parallel_loop3A_307 = tpu.vector_load %arg10[%parallel_loop3A_305, %parallel_loop3A_306] {strides = array<i32>} : memref<16x1024xf32, #tpu.memory_space<vmem>>, vector<1x16xf32>,
          %parallel_loop3A_308 = vector.shape_cast %parallel_loop3A_307 : vector<1x16xf32> to vector<16xf32>
          %parallel_loop3A_309 = vector.shape_cast %parallel_loop3A_303 : vector<16xf32> to vector<1x16xf32>
          tpu.vector_store %arg10[%parallel_loop3A_305, %parallel_loop3A_306], %parallel_loop3A_309 {strides = array<i32>} : memref<16x1024xf32, #tpu.memory_space<vmem>>, vector<1x16xf32>,
          %parallel_loop3A_310 = arith.mulf %parallel_loop3A_145, %parallel_loop3A_246 : vector<16xf32>
          %parallel_loop3A_311 = arith.constant 9 : i32
          %parallel_loop3A_312 = arith.index_cast %parallel_loop3A_311 : i32 to index
          %parallel_loop3A_313 = arith.index_cast %parallel_loop3A_95 : i32 to index
          %parallel_loop3A_314 = tpu.vector_load %arg10[%parallel_loop3A_312, %parallel_loop3A_313] {strides = array<i32>} : memref<16x1024xf32, #tpu.memory_space<vmem>>, vector<1x16xf32>,
          %parallel_loop3A_315 = vector.shape_cast %parallel_loop3A_314 : vector<1x16xf32> to vector<16xf32>
          %parallel_loop3A_316 = vector.shape_cast %parallel_loop3A_310 : vector<16xf32> to vector<1x16xf32>
          tpu.vector_store %arg10[%parallel_loop3A_312, %parallel_loop3A_313], %parallel_loop3A_316 {strides = array<i32>} : memref<16x1024xf32, #tpu.memory_space<vmem>>, vector<1x16xf32>,
          %parallel_loop3A_317 = arith.mulf %parallel_loop3A_150, %parallel_loop3A_246 : vector<16xf32>
          %parallel_loop3A_318 = arith.constant 10 : i32
          %parallel_loop3A_319 = arith.index_cast %parallel_loop3A_318 : i32 to index
          %parallel_loop3A_320 = arith.index_cast %parallel_loop3A_95 : i32 to index
          %parallel_loop3A_321 = tpu.vector_load %arg10[%parallel_loop3A_319, %parallel_loop3A_320] {strides = array<i32>} : memref<16x1024xf32, #tpu.memory_space<vmem>>, vector<1x16xf32>,
          %parallel_loop3A_322 = vector.shape_cast %parallel_loop3A_321 : vector<1x16xf32> to vector<16xf32>
          %parallel_loop3A_323 = vector.shape_cast %parallel_loop3A_317 : vector<16xf32> to vector<1x16xf32>
          tpu.vector_store %arg10[%parallel_loop3A_319, %parallel_loop3A_320], %parallel_loop3A_323 {strides = array<i32>} : memref<16x1024xf32, #tpu.memory_space<vmem>>, vector<1x16xf32>,
          %parallel_loop3A_324 = arith.mulf %parallel_loop3A_155, %parallel_loop3A_246 : vector<16xf32>
          %parallel_loop3A_325 = arith.constant 11 : i32
          %parallel_loop3A_326 = arith.index_cast %parallel_loop3A_325 : i32 to index
          %parallel_loop3A_327 = arith.index_cast %parallel_loop3A_95 : i32 to index
          %parallel_loop3A_328 = tpu.vector_load %arg10[%parallel_loop3A_326, %parallel_loop3A_327] {strides = array<i32>} : memref<16x1024xf32, #tpu.memory_space<vmem>>, vector<1x16xf32>,
          %parallel_loop3A_329 = vector.shape_cast %parallel_loop3A_328 : vector<1x16xf32> to vector<16xf32>
          %parallel_loop3A_330 = vector.shape_cast %parallel_loop3A_324 : vector<16xf32> to vector<1x16xf32>
          tpu.vector_store %arg10[%parallel_loop3A_326, %parallel_loop3A_327], %parallel_loop3A_330 {strides = array<i32>} : memref<16x1024xf32, #tpu.memory_space<vmem>>, vector<1x16xf32>,
          %parallel_loop3A_331 = arith.mulf %parallel_loop3A_160, %parallel_loop3A_246 : vector<16xf32>
          %parallel_loop3A_332 = arith.constant 12 : i32
          %parallel_loop3A_333 = arith.index_cast %parallel_loop3A_332 : i32 to index
          %parallel_loop3A_334 = arith.index_cast %parallel_loop3A_95 : i32 to index
          %parallel_loop3A_335 = tpu.vector_load %arg10[%parallel_loop3A_333, %parallel_loop3A_334] {strides = array<i32>} : memref<16x1024xf32, #tpu.memory_space<vmem>>, vector<1x16xf32>,
          %parallel_loop3A_336 = vector.shape_cast %parallel_loop3A_335 : vector<1x16xf32> to vector<16xf32>
          %parallel_loop3A_337 = vector.shape_cast %parallel_loop3A_331 : vector<16xf32> to vector<1x16xf32>
          tpu.vector_store %arg10[%parallel_loop3A_333, %parallel_loop3A_334], %parallel_loop3A_337 {strides = array<i32>} : memref<16x1024xf32, #tpu.memory_space<vmem>>, vector<1x16xf32>,
          %parallel_loop3A_338 = arith.mulf %parallel_loop3A_165, %parallel_loop3A_246 : vector<16xf32>
          %parallel_loop3A_339 = arith.constant 13 : i32
          %parallel_loop3A_340 = arith.index_cast %parallel_loop3A_339 : i32 to index
          %parallel_loop3A_341 = arith.index_cast %parallel_loop3A_95 : i32 to index
          %parallel_loop3A_342 = tpu.vector_load %arg10[%parallel_loop3A_340, %parallel_loop3A_341] {strides = array<i32>} : memref<16x1024xf32, #tpu.memory_space<vmem>>, vector<1x16xf32>,
          %parallel_loop3A_343 = vector.shape_cast %parallel_loop3A_342 : vector<1x16xf32> to vector<16xf32>
          %parallel_loop3A_344 = vector.shape_cast %parallel_loop3A_338 : vector<16xf32> to vector<1x16xf32>
          tpu.vector_store %arg10[%parallel_loop3A_340, %parallel_loop3A_341], %parallel_loop3A_344 {strides = array<i32>} : memref<16x1024xf32, #tpu.memory_space<vmem>>, vector<1x16xf32>,
          %parallel_loop3A_345 = arith.mulf %parallel_loop3A_170, %parallel_loop3A_246 : vector<16xf32>
          %parallel_loop3A_346 = arith.constant 14 : i32
          %parallel_loop3A_347 = arith.index_cast %parallel_loop3A_346 : i32 to index
          %parallel_loop3A_348 = arith.index_cast %parallel_loop3A_95 : i32 to index
          %parallel_loop3A_349 = tpu.vector_load %arg10[%parallel_loop3A_347, %parallel_loop3A_348] {strides = array<i32>} : memref<16x1024xf32, #tpu.memory_space<vmem>>, vector<1x16xf32>,
          %parallel_loop3A_350 = vector.shape_cast %parallel_loop3A_349 : vector<1x16xf32> to vector<16xf32>
          %parallel_loop3A_351 = vector.shape_cast %parallel_loop3A_345 : vector<16xf32> to vector<1x16xf32>
          tpu.vector_store %arg10[%parallel_loop3A_347, %parallel_loop3A_348], %parallel_loop3A_351 {strides = array<i32>} : memref<16x1024xf32, #tpu.memory_space<vmem>>, vector<1x16xf32>,
          %parallel_loop3A_352 = arith.mulf %parallel_loop3A_175, %parallel_loop3A_246 : vector<16xf32>
          %parallel_loop3A_353 = arith.constant 15 : i32
          %parallel_loop3A_354 = arith.index_cast %parallel_loop3A_353 : i32 to index
          %parallel_loop3A_355 = arith.index_cast %parallel_loop3A_95 : i32 to index
          %parallel_loop3A_356 = tpu.vector_load %arg10[%parallel_loop3A_354, %parallel_loop3A_355] {strides = array<i32>} : memref<16x1024xf32, #tpu.memory_space<vmem>>, vector<1x16xf32>,
          %parallel_loop3A_357 = vector.shape_cast %parallel_loop3A_356 : vector<1x16xf32> to vector<16xf32>
          %parallel_loop3A_358 = vector.shape_cast %parallel_loop3A_352 : vector<16xf32> to vector<1x16xf32>
          tpu.vector_store %arg10[%parallel_loop3A_354, %parallel_loop3A_355], %parallel_loop3A_358 {strides = array<i32>} : memref<16x1024xf32, #tpu.memory_space<vmem>>, vector<1x16xf32>,
        } {sc.loop_unroll_factor = 2 : i64, sc.parallel_access}
        %mul3A_80 = arith.constant 32 : i32
        %mul3A_81 = arith.muli %add3A_61, %mul3A_80 : i32
        %add3A_82 = arith.addi %mul3A_81, %add3A : i32
        %mul3A_83 = arith.constant 1024 : i32
        %mul3A_84 = arith.muli %add3A_82, %mul3A_83 : i32
        %multiple_of3A_85 = tpu.assume_multiple %mul3A_84, 128 : i32
        %dma_start3A = arith.constant 0 : i32
        %dma_start3A_86 = tpu.memref_slice %arg4[%dma_start3A, %multiple_of3A_85] : memref<16x1000000xf32, #tpu.memory_space<hbm>> -> memref<16x1024xf32, #tpu.memory_space<hbm>>
        %dma_start3A_87 = arith.constant 0 : i32
        %dma_start3A_88 = tpu.memref_slice %arg4[%dma_start3A_87, %multiple_of3A_85] : memref<16x1000000xf32, #tpu.memory_space<hbm>> -> memref<16x1024xf32, #tpu.memory_space<hbm>>
        tpu.enqueue_dma source(%arg10 : memref<16x1024xf32, #tpu.memory_space<vmem>>) target(%dma_start3A_88 : memref<16x1024xf32, #tpu.memory_space<hbm>>) target_semaphore(%arg17 : memref<!tpu.dma_semaphore, #tpu.memory_space<semaphore_mem>>)
        %add3A_89 = arith.constant 3 : i32
        %add3A_90 = arith.addi %add3A_61, %add3A_89 : i32
        %lt3A_91 = arith.cmpi slt, %add3A_90, %select_n3A : i32
        %convert_element_type3A_92 = arith.extui %lt3A_91 : i1 to i32
        %cond3A_93 = arith.constant 0 : i32
        %cond3A_94 = arith.cmpi ne, %convert_element_type3A_92, %cond3A_93 : i32
        scf.if %cond3A_94 {
          %add3A_95 = arith.constant 3 : i32
          %add3A_96 = arith.addi %add3A_61, %add3A_95 : i32
          %mul3A_97 = arith.constant 32 : i32
          %mul3A_98 = arith.muli %add3A_96, %mul3A_97 : i32
          %add3A_99 = arith.addi %mul3A_98, %add3A : i32
          %mul3A_100 = arith.constant 1024 : i32
          %mul3A_101 = arith.muli %add3A_99, %mul3A_100 : i32
          %multiple_of3A_102 = tpu.assume_multiple %mul3A_101, 128 : i32
          %dma_start3A_103 = arith.constant 0 : i32
          %dma_start3A_104 = tpu.memref_slice %arg2[%dma_start3A_103, %multiple_of3A_102] : memref<16x1000000xf32, #tpu.memory_space<hbm>> -> memref<16x1024xf32, #tpu.memory_space<hbm>>
          %dma_start3A_105 = arith.constant 0 : i32
          %dma_start3A_106 = tpu.memref_slice %arg2[%dma_start3A_105, %multiple_of3A_102] : memref<16x1000000xf32, #tpu.memory_space<hbm>> -> memref<16x1024xf32, #tpu.memory_space<hbm>>
          tpu.enqueue_dma source(%dma_start3A_106 : memref<16x1024xf32, #tpu.memory_space<hbm>>) target(%arg7 : memref<16x1024xf32, #tpu.memory_space<vmem>>) target_semaphore(%arg14 : memref<!tpu.dma_semaphore, #tpu.memory_space<semaphore_mem>>)
        } else {
        }
      } else {
      }
    }
    %scan3A_27 = arith.constant 11 : i32
    %gt3A_28 = arith.constant 0 : i32
    %gt3A_29 = arith.cmpi sgt, %select_n3A, %gt3A_28 : i32
    %convert_element_type3A_30 = arith.extui %gt3A_29 : i1 to i32
    %cond3A_31 = arith.constant 0 : i32
    %cond3A_32 = arith.cmpi ne, %convert_element_type3A_30, %cond3A_31 : i32
    scf.if %cond3A_32 {
      %dma_wait3A = arith.constant 0 : i32
      %dma_wait3A_43 = arith.constant 0 : i32
      %dma_wait3A_44 = tpu.memref_slice %arg4[%dma_wait3A, %dma_wait3A_43] : memref<16x1000000xf32, #tpu.memory_space<hbm>> -> memref<16x1024xf32, #tpu.memory_space<hbm>>
      %dma_wait3A_45 = arith.constant 0 : i32
      %dma_wait3A_46 = arith.constant 0 : i32
      %dma_wait3A_47 = tpu.memref_slice %arg4[%dma_wait3A_45, %dma_wait3A_46] : memref<16x1000000xf32, #tpu.memory_space<hbm>> -> memref<16x1024xf32, #tpu.memory_space<hbm>>
      tpu.wait_dma2 semaphore(%arg15 : memref<!tpu.dma_semaphore, #tpu.memory_space<semaphore_mem>>) src(%arg8 : memref<16x1024xf32, #tpu.memory_space<vmem>>) dst(%dma_wait3A_47 : memref<16x1024xf32, #tpu.memory_space<hbm>>)
    } else {
    }
    %gt3A_33 = arith.constant 1 : i32
    %gt3A_34 = arith.cmpi sgt, %select_n3A, %gt3A_33 : i32
    %convert_element_type3A_35 = arith.extui %gt3A_34 : i1 to i32
    %cond3A_36 = arith.constant 0 : i32
    %cond3A_37 = arith.cmpi ne, %convert_element_type3A_35, %cond3A_36 : i32
    scf.if %cond3A_37 {
      %dma_wait3A = arith.constant 0 : i32
      %dma_wait3A_43 = arith.constant 0 : i32
      %dma_wait3A_44 = tpu.memref_slice %arg4[%dma_wait3A, %dma_wait3A_43] : memref<16x1000000xf32, #tpu.memory_space<hbm>> -> memref<16x1024xf32, #tpu.memory_space<hbm>>
      %dma_wait3A_45 = arith.constant 0 : i32
      %dma_wait3A_46 = arith.constant 0 : i32
      %dma_wait3A_47 = tpu.memref_slice %arg4[%dma_wait3A_45, %dma_wait3A_46] : memref<16x1000000xf32, #tpu.memory_space<hbm>> -> memref<16x1024xf32, #tpu.memory_space<hbm>>
      tpu.wait_dma2 semaphore(%arg16 : memref<!tpu.dma_semaphore, #tpu.memory_space<semaphore_mem>>) src(%arg9 : memref<16x1024xf32, #tpu.memory_space<vmem>>) dst(%dma_wait3A_47 : memref<16x1024xf32, #tpu.memory_space<hbm>>)
    } else {
    }
    %gt3A_38 = arith.constant 2 : i32
    %gt3A_39 = arith.cmpi sgt, %select_n3A, %gt3A_38 : i32
    %convert_element_type3A_40 = arith.extui %gt3A_39 : i1 to i32
    %cond3A_41 = arith.constant 0 : i32
    %cond3A_42 = arith.cmpi ne, %convert_element_type3A_40, %cond3A_41 : i32
    scf.if %cond3A_42 {
      %dma_wait3A = arith.constant 0 : i32
      %dma_wait3A_43 = arith.constant 0 : i32
      %dma_wait3A_44 = tpu.memref_slice %arg4[%dma_wait3A, %dma_wait3A_43] : memref<16x1000000xf32, #tpu.memory_space<hbm>> -> memref<16x1024xf32, #tpu.memory_space<hbm>>
      %dma_wait3A_45 = arith.constant 0 : i32
      %dma_wait3A_46 = arith.constant 0 : i32
      %dma_wait3A_47 = tpu.memref_slice %arg4[%dma_wait3A_45, %dma_wait3A_46] : memref<16x1000000xf32, #tpu.memory_space<hbm>> -> memref<16x1024xf32, #tpu.memory_space<hbm>>
      tpu.wait_dma2 semaphore(%arg17 : memref<!tpu.dma_semaphore, #tpu.memory_space<semaphore_mem>>) src(%arg10 : memref<16x1024xf32, #tpu.memory_space<vmem>>) dst(%dma_wait3A_47 : memref<16x1024xf32, #tpu.memory_space<hbm>>)
    } else {
    }
    return
  }
}

module attributes {stable_mosaic.version = 14 : i64} {
  func.func @body(%arg0: i32, %arg1: memref<16x128xf32, #tpu.memory_space<vmem>>, %arg2: memref<1x1xf32, #tpu.memory_space<vmem>>, %arg3: memref<16x1000000xf32, #tpu.memory_space<any>>, %arg4: memref<16x128xf32, #tpu.memory_space<vmem>>) attributes {dimension_semantics = [#tpu.dimension_semantics<arbitrary>], iteration_bounds = array<i64: 5>, scalar_prefetch = 0 : i64, scratch_operands = 0 : i64, tpu.core_type = #tpu.core_type<tc>, window_params = [{transform_indices = @transform_0, window_bounds = array<i64: 16, 128>}, {pipeline_mode = #tpu.pipeline_mode<synchronous>, transform_indices = @transform_1, window_bounds = array<i64: 1, 1>}, {}, {transform_indices = @transform_3, window_bounds = array<i64: 16, 128>}]} {
    %get3A = arith.constant 0 : index
    %get3A_0 = arith.constant 0 : index
    %get3A_1 = vector.load %arg1[%get3A, %get3A_0] : memref<16x128xf32, #tpu.memory_space<vmem>>, vector<16x128xf32>
    %get3A_2 = arith.constant 0 : index
    %get3A_3 = arith.constant 0 : index
    %get3A_4 = vector.load %arg2[%get3A_2, %get3A_3] : memref<1x1xf32, #tpu.memory_space<vmem>>, vector<1x1xf32>
    %get3A_5 = vector.extract %get3A_4[0, 0] : f32 from vector<1x1xf32>
    %jit3A = arith.constant 0.00999999977 : f32
    %jit3A_6 = arith.constant 9.990000e-01 : f32
    %max3A = arith.maximumf %jit3A, %get3A_5 : f32
    %min3A = arith.minimumf %jit3A_6, %max3A : f32
    %mul3A = arith.mulf %get3A_1, %get3A_1 : vector<16x128xf32>
    %reduce_sum3A = arith.constant dense<0.000000e+00> : vector<128xf32>
    %reduce_sum3A_7 = vector.multi_reduction <add>, %mul3A, %reduce_sum3A [0] : vector<16x128xf32> to vector<128xf32>
    %broadcast_in_dim3A = vector.shape_cast %reduce_sum3A_7 : vector<128xf32> to vector<1x128xf32>
    %sqrt3A = math.sqrt %broadcast_in_dim3A : vector<1x128xf32>
    %gt3A = arith.constant 9.99999996E-13 : f32
    %gt3A_8 = vector.broadcast %gt3A : f32 to vector<1x128xf32>
    %gt3A_9 = arith.cmpf ogt, %sqrt3A, %gt3A_8 : vector<1x128xf32>
    %div3A = vector.broadcast %min3A : f32 to vector<1x128xf32>
    %div3A_10 = arith.divf %div3A, %sqrt3A : vector<1x128xf32>
    %mul3A_11 = arith.constant 9.99999995E+11 : f32
    %mul3A_12 = arith.mulf %min3A, %mul3A_11 : f32
    %broadcast_in_dim3A_13 = vector.broadcast %mul3A_12 : f32 to vector<1x128xf32>
    %select_n3A = arith.select %gt3A_9, %div3A_10, %broadcast_in_dim3A_13 : vector<1x128xi1>, vector<1x128xf32>
    %mul3A_14 = arith.mulf %select_n3A, %sqrt3A : vector<1x128xf32>
    %gt3A_15 = arith.constant 1.000000e+00 : f32
    %gt3A_16 = vector.broadcast %gt3A_15 : f32 to vector<1x128xf32>
    %gt3A_17 = arith.cmpf ogt, %mul3A_14, %gt3A_16 : vector<1x128xf32>
    %div3A_18 = arith.constant 1.000000e+00 : f32
    %div3A_19 = vector.broadcast %div3A_18 : f32 to vector<1x128xf32>
    %div3A_20 = arith.divf %div3A_19, %sqrt3A : vector<1x128xf32>
    %select_n3A_21 = arith.select %gt3A_17, %div3A_20, %select_n3A : vector<1x128xi1>, vector<1x128xf32>
    %mul3A_22 = vector.broadcast %select_n3A_21 : vector<1x128xf32> to vector<16x128xf32>
    %mul3A_23 = arith.mulf %get3A_1, %mul3A_22 : vector<16x128xf32>
    %swap3A = arith.constant 0 : index
    %swap3A_24 = arith.constant 0 : index
    %swap3A_25 = vector.load %arg4[%swap3A, %swap3A_24] : memref<16x128xf32, #tpu.memory_space<vmem>>, vector<16x128xf32>
    tpu.vector_store %arg4[%swap3A, %swap3A_24], %mul3A_23 {strides = array<i32>} : memref<16x128xf32, #tpu.memory_space<vmem>>, vector<16x128xf32>,
    return
  }
  func.func @transform_0(%arg0: i32) -> (i32, i32) {
    %add3A = arith.constant 7808 : i32
    %add3A_0 = arith.addi %add3A, %arg0 : i32
    %c0_i32 = arith.constant 0 : i32
    %c0_i32_1 = arith.constant 0 : i32
    return %c0_i32, %add3A_0 : i32, i32
  }
  func.func @transform_1(%arg0: i32) -> (i32, i32) {
    %c0_i32 = arith.constant 0 : i32
    %c0_i32_0 = arith.constant 0 : i32
    %c0_i32_1 = arith.constant 0 : i32
    return %c0_i32, %c0_i32_0 : i32, i32
  }
  func.func @transform_3(%arg0: i32) -> (i32, i32) {
    %add3A = arith.constant 7808 : i32
    %add3A_0 = arith.addi %add3A, %arg0 : i32
    %c0_i32 = arith.constant 0 : i32
    %c0_i32_1 = arith.constant 0 : i32
    return %c0_i32, %add3A_0 : i32, i32
  }
}

</mosaic_0001>

<sc_bundles>
// kernel: kernel.4.cloned.1.call-start
scs
__scs_entry_jumppad:
0x0: {  	(pc) =	sbr.rel $0x88, $3  }
0x1: {  	(tag) =	ssettag $0x0;
	lr =	simm.s32 $0x1  }
0x2: {  	[smem:$0x3F9F] =	sst lr;
	_ =	strace $0xD0000000  }
0x3: {  	_ = 	snop  }
0x4: {  	_ = 	snop  }
0x5: {  	_ = 	snop  }
0x6: {  	_ = 	snop  }
0x7: {  	_ = 	snop  }
__scs_overlays_trampoline_lowered:
0x8: {  	[smem:$0x3FAE] =	sst s0  }
0x9: {  	[smem:$0x3FAF] =	sst s1  }
0xa: {  	[smem:$0x3FB0] =	sst s2  }
0xb: {  	[smem:$0x3FB1] =	sst s3  }
0xc: {  	[smem:$0x3FB2] =	sst s4  }
0xd: {  	[smem:$0x3FB3] =	sst s5  }
0xe: {  	[smem:$0x3FB4] =	sst s6  }
0xf: {  	[smem:$0x3FB5] =	sst s7  }
0x10: {  	[smem:$0x3FB6] =	sst s8  }
0x11: {  	[smem:$0x3FB7] =	sst s9;
	s0 =	simm.s32 @!p0 $0x0  }
0x12: {  	s1 =	sld [smem:$0x3F9D];
	s0 =	simm.s32 @p0 $0x1  }
0x13: {  	[smem:$0x3FB8] =	sst s0;
	s0 =	simm.s32 @!p1 $0x0  }
0x14: {  	s2 =	sld [smem:$0x3F9C];
	s0 =	simm.s32 @p1 $0x1  }
0x15: {  	[smem:$0x3FB9] =	sst s0;
	s0 =	simm.s32 @!p2 $0x0  }
0x16: {  	s3 =	sld [smem:$0x3FDB];
	s0 =	simm.s32 @p2 $0x1  }
0x17: {  	s4 =	simm.s32 $0x1BF5;
	[smem:$0x3FBB] =	sst s0  }
0x18: {  	s0 =	sld [smem:$0x3F9E];
	_ =	swait.ge [sflag:s4], $0x0  }
0x19: {  	s7 =	sld [smem:$0x3F9F]  }
0x1a: {  	s8 =	sadd.s32 $0xFFFFE003, lr  }
0x1b: {  	s9 =	sadd.s32 $0xFFFFFEF7, lr;
	s5 =	simm.s32 $0xFFFFFFFF;
	p2 =	slt.u32 s8, $0xFFFFF086  }
0x1c: {  	p1 =	slt.u32 s9, $0xF7A;
	s5 =	simm.s32 @!p2 $0x0  }
0x1d: {  	s5 =	simm.s32 @p1 $0x1;
	p0 =	seq.s32 s7, s2  }
0x1e: {  	s7 =	smul.u32 @!p0 $0xF7A, s2;
	p2 =	seq.s32 @!p0 s5, $0x0  }
0x1f: {  	s9 =	smul.u32 $0xF7A, s1;
	s8 =	simm.s32 @!p0 $0x1BF5;
	p2 =	por !p2, p0  }
0x20: {  	[sflag:s8] =	ssyncset.s32 @!p0 $0xFFFFF086;
	s6 =	sadd.s32 @!p0 s3, s7;
	s7 =	simm.s32 @!p0 $0x108  }
0x21: {  	s3 =	sadd.s32 s3, s9;
	s6 =	sadd.s32 @!p0 $0x88, s6;
	s7 =	simm.s32 @p2 $0x1082  }
0x22: {  	[simem:s7], [sflag:s8] =	dma.local @!p0 [hbm:s6], $0xF7A  }
0x23: {  	s9 =	sor.u32 $0xD0000000, s2;
	s6 =	simm.s32 $0x108;
	_ =	swait.ge @!p0 [sflag:s8], $0x0  }
0x24: {  	s3 =	sadd.s32 $0x88, s3;
	s6 =	simm.s32 @!p1 $0x1082;
	[sflag:s4] =	ssyncset.s32 $0xFFFFF086  }
0x25: {  	[simem:s6], [sflag:s4] =	dma.local [hbm:s3], $0xF7A  }
0x26: {  	[smem:$0x3F9F] =	sst s1;
	(tag) =	ssettag s2;
	_ =	strace s9  }
0x27: {  	s1 =	sld [smem:$0x3FAF]  }
0x28: {  	s2 =	sld [smem:$0x3FB0]  }
0x29: {  	s4 =	sld [smem:$0x3FB2]  }
0x2a: {  	p0 =	seq.s32 s5, $0x0;
	s5 =	sld [smem:$0x3FB3]  }
0x2b: {  	s6 =	sld [smem:$0x3FB4]  }
0x2c: {  	s7 =	sld [smem:$0x3FB5]  }
0x2d: {  	s3 =	simm.s32 $0x108;
	s8 =	sld [smem:$0x3FB6]  }
0x2e: {  	s3 =	simm.s32 @!p0 $0x1082;
	s9 =	sld [smem:$0x3FB7]  }
0x2f: {  	lr =	sadd.s32 s0, s3;
	s0 =	sld [smem:$0x3FAE]  }
0x30: {  	s3 =	sld [smem:$0x3FB1]  }
0x31: {  	[smem:$0x3FBA] =	sst s10  }
0x32: {  	s10 =	sld [smem:$0x3FB8];
	_ =	sdelay $0x3  }
0x33: {  	p0 =	seq.s32 s10, $0x1;
	s10 =	sld [smem:$0x3FBA];
	_ =	sdelay $0x3  }
0x34: {  	[smem:$0x3FBA] =	sst s10  }
0x35: {  	s10 =	sld [smem:$0x3FB9];
	_ =	sdelay $0x3  }
0x36: {  	p1 =	seq.s32 s10, $0x1;
	s10 =	sld [smem:$0x3FBA];
	_ =	sdelay $0x3  }
0x37: {  	[smem:$0x3FBA] =	sst s10  }
0x38: {  	s10 =	sld [smem:$0x3FBB]  }
0x39: {  	_ = 	snop;
	(pc) =	sbr.ind lr, $3  }
0x3a: {  	_ = 	snop  }
0x3b: {  	_ = 	snop  }
0x3c: {  	p2 =	seq.s32 s10, $0x1;
	s10 =	sld [smem:$0x3FBA]  }
0x3d: {  	_ =	shalt  }
0x3e: {  	_ =	shalt  }
0x3f: {  	_ =	shalt  }
0x40: {  	_ =	shalt  }
0x41: {  	_ =	shalt  }
0x42: {  	_ =	shalt  }
0x43: {  	_ =	shalt  }
0x44: {  	_ =	shalt  }
0x45: {  	_ =	shalt  }
0x46: {  	_ =	shalt  }
0x47: {  	_ =	shalt  }
0x48: {  	_ =	shalt  }
0x49: {  	_ =	shalt  }
0x4a: {  	_ =	shalt  }
0x4b: {  	_ =	shalt  }
0x4c: {  	_ =	shalt  }
0x4d: {  	_ =	shalt  }
0x4e: {  	_ =	shalt  }
0x4f: {  	_ =	shalt  }
0x50: {  	_ =	shalt  }
0x51: {  	_ =	shalt  }
0x52: {  	_ =	shalt  }
0x53: {  	_ =	shalt  }
0x54: {  	_ =	shalt  }
0x55: {  	_ =	shalt  }
0x56: {  	_ =	shalt  }
0x57: {  	_ =	shalt  }
0x58: {  	_ =	shalt  }
0x59: {  	_ =	shalt  }
0x5a: {  	_ =	shalt  }
0x5b: {  	_ =	shalt  }
0x5c: {  	_ =	shalt  }
0x5d: {  	_ =	shalt  }
0x5e: {  	_ =	shalt  }
0x5f: {  	_ =	shalt  }
0x60: {  	_ =	shalt  }
0x61: {  	_ =	shalt  }
0x62: {  	_ =	shalt  }
0x63: {  	_ =	shalt  }
0x64: {  	_ =	shalt  }
0x65: {  	_ =	shalt  }
0x66: {  	_ =	shalt  }
0x67: {  	_ =	shalt  }
0x68: {  	_ =	shalt  }
0x69: {  	_ =	shalt  }
0x6a: {  	_ =	shalt  }
0x6b: {  	_ =	shalt  }
0x6c: {  	_ =	shalt  }
0x6d: {  	_ =	shalt  }
0x6e: {  	_ =	shalt  }
0x6f: {  	_ =	shalt  }
0x70: {  	_ =	shalt  }
0x71: {  	_ =	shalt  }
0x72: {  	_ =	shalt  }
0x73: {  	_ =	shalt  }
0x74: {  	_ =	shalt  }
0x75: {  	_ =	shalt  }
0x76: {  	_ =	shalt  }
0x77: {  	_ =	shalt  }
0x78: {  	_ =	shalt  }
0x79: {  	_ =	shalt  }
0x7a: {  	_ =	shalt  }
0x7b: {  	_ =	shalt  }
0x7c: {  	_ =	shalt  }
0x7d: {  	_ =	shalt  }
0x7e: {  	_ =	shalt  }
0x7f: {  	_ =	shalt  }
0x80: {  	_ =	shalt  }
0x81: {  	_ =	shalt  }
0x82: {  	_ =	shalt  }
0x83: {  	_ =	shalt  }
0x84: {  	_ =	shalt  }
0x85: {  	_ =	shalt  }
0x86: {  	_ =	shalt  }
0x87: {  	_ =	shalt  }
.Lfunc_end0:
.L_simem_size_0:
called_computation_lowered:
.L_overlay_start_0:
0x88: {  	s2 =	sld [smem:$0x3FD9]  }
0x89: {  	s3 =	sld [smem:$0x3FFE];
	_ =	sdelay $0x1  }
0x8a: {  	s1 =	srdreg.scid  }
0x8b: {  	s0 =	sand.u32 $0x1, s1  }
0x8c: {  	s17 =	sshll.u32 s0, $0xA;
	s2 =	sadd.s32 s3, s2  }
0x8d: {  	s2 =	sadd.s32 s2, s17  }
0x8e: {  	[smem:$0x3FC6] =	sst s2  }
0x8f: {  	_ = 	snop  }
0x90: {  	s2 =	sld [smem:$0x3FC9]  }
0x91: {  	s18 =	sld [smem:$0x3FD0];
	(tm) =	ssettm $0x1  }
0x92: {  	s4 =	sld [smem:$0x3FFB];
	_ =	sdelay $0x3  }
0x93: {  	_ =	strace s4  }
0x94: {  	s4 =	sld [smem:$0x3FFC];
	_ =	sdelay $0x3  }
0x95: {  	_ =	strace s4  }
0x96: {  	s4 =	sld [smem:$0x3FFD];
	_ =	sdelay $0x3  }
0x97: {  	_ =	strace s4  }
0x98: {  	_ =	strace $0x8FFFFFFF  }
0x99: {  	s19 =	sld [smem:$0x3FDB];
	_ =	sdelay $0x1  }
0x9a: {  	s5 =	simm.s32 $_scs_section_size  }
0x9b: {  	s6 =	simm.s32 $_size__tile_overlayer_lowered;
	s7 =	simm.s32 $_tile_overlayer_lowered  }
0x9c: {  	s22 =	simm.s32 $0x1BFF;
	s21 =	sshll.u32 s7, $0x1;
	s4 =	sadd.s32 s5, s19  }
0x9d: {  	s8 =	simm.s32 $0x0;
	s20 =	sshll.u32 s6, $0x1;
	s6 =	sadd.s32 s21, s4  }
0x9e: {  	[timem:s8], [sflag:s22] =	dma.local [hbm:s6], s20  }
0x9f: {  	_ =	swait.ge [sflag:s22], s20  }
0xa0: {  	s5 =	ssub.s32 $0x0, s20;
	[sflag:s22] =	ssyncset.done $0x0  }
0xa1: {  	[sflag:s22] =	ssyncadd.s32 s5;
	_ =	sdelay $0x1  }
0xa2: {  	s23 =	simm.s32 $0x1B8B  }
0xa3: {  	_ =	swait.ge [sflag:s23], $0x1  }
0xa4: {  	[sflag:s23] =	ssyncset.done $0x0  }
0xa5: {  	s25 =	simm.s32 $0x1B8E;
	s24 =	sld [smem:$0x3FFE];
	[sflag:s23] =	ssyncadd.s32 $0xFFFFFFFF  }
0xa6: {  	s26 =	simm.s32 $execute0_lowered;
	[smem:$0x3FD2] =	sst s25  }
0xa7: {  	s6 =	sshll.u32 s26, $0x1;
	_ =	strace $0x80000046;
	[dreg:$0x1] =	wrdreg $0xFFFFFFFF  }
0xa8: {  	s28 =	simm.s32 $_size_execute0_lowered;
	s4 =	sadd.s32 s4, s6;
	[dreg:$0x0] =	wrdreg $0x0  }
0xa9: {  	s6 =	sshll.u32 s28, $0x1;
	[dreg:$0x2] =	wrdreg s4  }
0xaa: {  	[dreg:$0x3] =	wrdreg s6  }
0xab: {  	[dreg:$0x4] =	wrdreg $0xC0  }
0xac: {  	_ =	task [dreg:s8], $0x5FFFF  }
0xad: {  	[dreg:$0x1] =	wrdreg $0xFFFFFFFF  }
0xae: {  	[dreg:$0x0] =	wrdreg $0x60  }
0xaf: {  	[dreg:$0x2] =	wrdreg s2  }
0xb0: {  	[dreg:$0x3] =	wrdreg s24  }
0xb1: {  	[dreg:$0x4] =	wrdreg s18  }
0xb2: {  	[dreg:$0x5] =	wrdreg $0x9  }
0xb3: {  	_ =	task.clear_ibuf [dreg:s8], $0x6FFFF;
	_ =	strace $0x90000046  }
0xb4: {  	s29 =	simm.s32 $0x9;
	_ =	strace $0x80000048  }
0xb5: {  	_ =	swait.ge [sflag:s29], $0x1  }
0xb6: {  	[sflag:s29] =	ssyncadd.s32 $0xFFFFFFFF  }
0xb7: {  	_ =	strace $0x90000048  }
0xb8: {  	_ =	sfence  }
0xb9: {  	s30 =	sld [smem:$0x0];
	_ =	sdelay $0x2  }
0xba: {  	s31 =	sshll.u32 s1, $0xD;
	s1 =	sshrl.u32 s1, $0x2  }
0xbb: {  	s3 =	sand.u32 $0x4000, s31;
	s1 =	sadd.s32 s1, s30  }
0xbc: {  	s0 =	sor.u32 s3, s0;
	s1 =	sshll.u32 s1, $0x11  }
0xbd: {  	s0 =	sor.u32 s1, s0  }
0xbe: {  	s0 =	sadd.s32 $0x8F2B, s0  }
0xbf: {  	[sflag:s0] =	ssyncadd.remote.s32 $0x1  }
0xc0: {  	_ =	sfence.sel $0xFFFF  }
0xc1: {  	[dreg:$0x0] =	wrdreg $0xFFFFFFFF;
	(pc) =	sbr.abs _section_cstart, $3  }
0xc2: {  	[dreg:$0x1] =	wrdreg $0xFFFFFFFF  }
0xc3: {  	_ =	task.clear_ibuf [dreg:s8], $0x2FFFF;
	_ =	strace $0x9FFFFFFF  }
0xc4: {  	(tm) =	ssettm $0x7FFFFFFF  }
0xc5: {  	_ =	shalt  }
tec
execute0_lowered:
.L_overlay_start_1:
0x0: {  	(tag) =	ssettag $0x1  }
0x1: {  	s0 =	rddreg [dreg:$0x0]  }
0x2: {  	s1 =	rddreg [dreg:$0x1]  }
0x3: {  	s7 =	rddreg [dreg:$0x2]  }
0x4: {  	s2 =	srdreg.scid;
	s3 =	simm.s32 $0x0;
	s6 =	stileid.u32  }
0x5: {  	s2 =	sand.u32 $0x1, s2;
	[smem:$0x7FF] =	sst s3;
	s4 =	sshll.u32 s6, $0x1  }
0x6: {  	s1 =	sadd.s32 $0x600, s1;
	s26 =	ssub.s32 $0x2, s2;
	s2 =	sor.u32 s2, s4  }
0x7: {  	_ =	strace $0x80000047;
	[dreg:$0x4] =	wrdreg s2;
	s2 =	sshll.u32 s2, $0xA  }
0x8: {  	p0 =	slt.u32 s6, $0x8;
	[dreg:$0x5] =	wrdreg s1;
	s0 =	sadd.s32 s0, s2  }
.Ltmp0:
0x9: {  	s30 =	sadd.s32 s7, s2;
	[dreg:$0x6] =	wrdreg s0;
	(pc) =	sbr.rel .LBB2_1-.Ltmp0, $4  }
0xa: {  	s5 =	sshrl.u32 s26, $0x1;
	s29 =	sadd.s32 $0x8000, s0;
	[dreg:$0x9] =	wrdreg s30  }
0xb: {  	s28 =	ssub.s32 s26, s5;
	s0 =	sadd.s32 $0x10000, s0;
	[dreg:$0x7] =	wrdreg s29  }
0xc: {  	s6 =	simm.s32 $0x1F;
	s31 =	smax.u32 s28, $0x1;
	[dreg:$0x8] =	wrdreg s0  }
0xd: {  	s6 =	simm.s32 @!p0 $0x1E;
	s2 =	simm.s32 $0x0;
	[dreg:$0xa] =	wrdreg s31  }
.LBB2_15:
0xe: {  	s0 =	simm.s32 $0x4  }
0xf: {  	_ =	swait.ge [sflag:s0], $0x4000  }
0x10: {  	[sflag:s0] =	ssyncset.done $0x0  }
0x11: {  	s30 =	simm.s32 $0x5;
	[sflag:s0] =	ssyncadd.s32 $0xFFFFC000  }
0x12: {  	_ =	swait.ge [sflag:s30], $0x4000  }
0x13: {  	[sflag:s30] =	ssyncset.done $0x0  }
0x14: {  	s1 =	simm.s32 $0x6;
	[sflag:s30] =	ssyncadd.s32 $0xFFFFC000  }
0x15: {  	_ =	swait.ge [sflag:s1], $0x4000  }
0x16: {  	s2 =	rddreg [dreg:$0xb]  }
0x17: {  	s31 =	rddreg [dreg:$0xa];
	s2 =	sadd.s32 $0x1, s2  }
0x18: {  	p0 =	sne.s32 s2, s31  }
.Ltmp1:
0x19: {  	_ = 	snop;
	(pc) =	sbr.rel @!p0 .LBB2_16-.Ltmp1, $3  }
0x1a: {  	_ =	sdelay $0x1  }
0x1b: {  	[sflag:s1] =	ssyncset.done $0x0  }
0x1c: {  	[sflag:s1] =	ssyncadd.s32 $0xFFFFC000  }
.LBB2_1:
0x1d: {  	[dreg:$0xb] =	wrdreg s2;
	s0 =	simm.s32 $0x0  }
0x1e: {  	s1 =	rddreg [dreg:$0x5];
	s22 =	simm.s32 $0x18000;
	s23 =	simm.s32 $0x7  }
0x1f: {  	[tilespmem:s22], [sflag:$0x7] =	stream.linear.gather [hbm4b:s1+s0], $0x80, $0x38;
	[tilespmem:$0x18080] =	vst v63  }
0x20: {  	_ =	swait.ge [sflag:s23], $0x80  }
0x21: {  	[sflag:s23] =	ssyncset.done $0x0  }
0x22: {  	[sflag:s23] =	ssyncadd.s32 $0xFFFFFF80  }
0x23: {  	v0 =	vld [tilespmem:$0x18000];
	_ =	sdelay $0x2  }
0x24: {  	s25 =	simm.s32 $0x2000;
	s3 =	simm.s32 $0x7A1400;
	s24 =	rddreg [dreg:$0x6]  }
0x25: {  	[tilespmem:s0], [sflag:$0x1] =	stream.strided.gather [hbm4b:s24+s25], $0x4000, s3, s25, $0x38;
	[tilespmem:$0x18080] =	vst v63  }
.Ltmp2:
0x26: {  	s28 =	simm.s32 $0x4000;
	s26 =	rddreg [dreg:$0x7];
	v0 =	vmax.f32 v0, $9.999999770e-03;
	(pc) =	sbr.rel .LBB2_2-.Ltmp2, $4  }
0x27: {  	[tilespmem:s28], [sflag:$0x2] =	stream.strided.gather [hbm4b:s26+s25], $0x4000, s3, s25, $0x38;
	v0 =	vmin.f32 v0, $9.990000120e-01;
	[tilespmem:$0x18080] =	vst v63  }
0x28: {  	s31 =	simm.s32 $0x8000;
	s30 =	rddreg [dreg:$0x8];
	[tilespmem:$0x1FFE0] =	vst v0;
	v0 =	vmul.f32 $9.999999950e+11, v0  }
0x29: {  	[tilespmem:s31], [sflag:$0x3] =	stream.strided.gather [hbm4b:s30+s25], $0x4000, s3, s25, $0x38;
	[tilespmem:$0x18080] =	vst v63  }
0x2a: {  	s29 =	simm.s32 $0x0;
	[tilespmem:$0x1FFF0] =	vst v0  }
.LBB2_14:
0x2b: {  	s29 =	sadd.s32 $0x1, s29  }
0x2c: {  	p0 =	sne.s32 s29, $0xB  }
.Ltmp3:
0x2d: {  	_ = 	snop;
	(pc) =	sbr.rel @!p0 .LBB2_15-.Ltmp3, $1  }
0x2e: {  	_ =	sdelay $0x3  }
.LBB2_2:
0x2f: {  	s30 =	smul.u32 $0x3, s29;
	_ =	sdelay $0x1  }
0x30: {  	p0 =	sge.u32 s30, s6  }
.Ltmp4:
0x31: {  	_ = 	snop;
	(pc) =	sbr.rel @p0 .LBB2_6-.Ltmp4, $1  }
0x32: {  	_ =	sdelay $0x3  }
0x33: {  	s0 =	simm.s32 $0x1  }
0x34: {  	_ =	swait.ge [sflag:s0], $0x4000  }
0x35: {  	p0 =	seq.s32 s29, $0x0;
	[sflag:s0] =	ssyncset.done $0x0  }
0x36: {  	[sflag:s0] =	ssyncadd.s32 $0xFFFFC000;
	s0 =	simm.s32 @!p0 $0x4  }
0x37: {  	s1 =	simm.s32 $0x0;
	s2 =	simm.s32 $0x0;
	_ =	swait.ge @!p0 [sflag:s0], $0x4000  }
0x38: {  	s3 =	sand.u32 $0x60, s2;
	s4 =	sand.u32 $0x1C00, s1;
	[sflag:s0] =	ssyncset.done @!p0 $0x0  }
0x39: {  	s21 =	sor.u32 s3, s4;
	[sflag:s0] =	ssyncadd.s32 @!p0 $0xFFFFC000  }
0x3a: {  	v34 =	vld [tilespmem:s21+$0x10]  }
0x3b: {  	v35 =	vld [tilespmem:s21+$0x90]  }
0x3c: {  	v39 =	vld [tilespmem:s21+$0x110]  }
0x3d: {  	v44 =	vld [tilespmem:s21+$0x190]  }
0x3e: {  	s13 =	sand.u32 $0x3, s1;
	v45 =	vld [tilespmem:s21+$0x210]  }
0x3f: {  	s0 =	sshll.u32 s13, $0x5;
	v47 =	vld [tilespmem:s21+$0x290]  }
0x40: {  	v48 =	vld [tilespmem:s21+$0x2010];
	s0 =	sadd.s32 $0x0, s0  }
0x41: {  	v49 =	vld [tilespmem:s21+$0x2090];
	s14 =	sadd.s32 $0x10, s0  }
0x42: {  	v50 =	vld [tilespmem:s21+$0x2110];
	s9 =	sor.u32 $0x2300, s14  }
0x43: {  	v1 =	vld [tilespmem:s9+$0x0]  }
0x44: {  	v54 =	vld [tilespmem:s21+$0x2190]  }
0x45: {  	v53 =	vld [tilespmem:s21+$0x2210]  }
0x46: {  	v57 =	vld [tilespmem:s21+$0x2290];
	s19 =	sor.u32 $0x300, s14  }
0x47: {  	s13 =	sor.u32 $0x380, s14;
	v40 =	vld [tilespmem:s19+$0x0]  }
0x48: {  	s5 =	sor.u32 $0x2380, s14;
	v38 =	vld [tilespmem:s13+$0x0];
	[tilespmem:$0x1FE70] =	vst v1  }
0x49: {  	v17 =	vld [tilespmem:s5+$0x0];
	_ =	sdelay $0x4  }
0x4a: {  	s4 =	sor.u32 $0x300, s0;
	[tilespmem:$0x1FE80] =	vst v17  }
0x4b: {  	v25 =	vld [tilespmem:s4+$0x0];
	_ =	sdelay $0x4  }
0x4c: {  	s23 =	sor.u32 $0x2300, s0;
	[tilespmem:$0x1FF10] =	vst v25  }
0x4d: {  	v0 =	vld [tilespmem:s23+$0x0];
	_ =	sdelay $0x4  }
0x4e: {  	[tilespmem:$0x1FFC0] =	vst v0  }
0x4f: {  	v23 =	vld [tilespmem:s21+$0x0];
	_ =	sdelay $0x4  }
0x50: {  	[tilespmem:$0x1FEB0] =	vst v23  }
0x51: {  	v24 =	vld [tilespmem:s21+$0x80];
	_ =	sdelay $0x4  }
0x52: {  	[tilespmem:$0x1FEC0] =	vst v24  }
0x53: {  	v20 =	vld [tilespmem:s21+$0x100];
	_ =	sdelay $0x4  }
0x54: {  	[tilespmem:$0x1FED0] =	vst v20  }
0x55: {  	v22 =	vld [tilespmem:s21+$0x180];
	_ =	sdelay $0x4  }
0x56: {  	[tilespmem:$0x1FEE0] =	vst v22  }
0x57: {  	v21 =	vld [tilespmem:s21+$0x200];
	_ =	sdelay $0x4  }
0x58: {  	[tilespmem:$0x1FEF0] =	vst v21  }
0x59: {  	v19 =	vld [tilespmem:s21+$0x280];
	_ =	sdelay $0x3  }
0x5a: {  	s15 =	sor.u32 s2, s1  }
0x5b: {  	s18 =	sor.u32 $0x380, s15;
	[tilespmem:$0x1FF00] =	vst v19  }
0x5c: {  	v15 =	vld [tilespmem:s18+$0x0];
	_ =	sdelay $0x4  }
0x5d: {  	[tilespmem:$0x1FF40] =	vst v15  }
0x5e: {  	v18 =	vld [tilespmem:s21+$0x2000];
	_ =	sdelay $0x4  }
0x5f: {  	[tilespmem:$0x1FF50] =	vst v18  }
0x60: {  	v16 =	vld [tilespmem:s21+$0x2080];
	_ =	sdelay $0x3  }
0x61: {  	v6 =	vmul.f32 v45, v45;
	v7 =	vmul.f32 v47, v47  }
0x62: {  	[tilespmem:$0x1FF60] =	vst v16  }
0x63: {  	v6 =	vadd.f32 v7, v6;
	v7 =	vmul.f32 v17, v17;
	v17 =	vld [tilespmem:s21+$0x2100];
	_ =	sdelay $0x1  }
0x64: {  	v8 =	vmul.f32 v48, v48;
	v9 =	vmul.f32 v49, v49  }
0x65: {  	v10 =	vmul.f32 v50, v50;
	v11 =	vmul.f32 v54, v54  }
0x66: {  	v12 =	vmul.f32 v53, v53;
	v13 =	vmul.f32 v57, v57  }
0x67: {  	v8 =	vadd.f32 v9, v8;
	[tilespmem:$0x1FF70] =	vst v17  }
0x68: {  	v9 =	vadd.f32 v11, v10;
	v10 =	vadd.f32 v13, v12;
	v13 =	vld [tilespmem:s21+$0x2180];
	_ =	sdelay $0x4  }
0x69: {  	[tilespmem:$0x1FF80] =	vst v13  }
0x6a: {  	v58 =	vld [tilespmem:s21+$0x2200];
	_ =	sdelay $0x1  }
0x6b: {  	v2 =	vmul.f32 v34, v34;
	v3 =	vmul.f32 v35, v35;
	_ =	sdelay $0x1  }
0x6c: {  	v2 =	vadd.f32 v3, v2;
	v14 =	vmul.f32 v40, v40;
	v3 =	vmul.f32 v38, v38  }
0x6d: {  	[tilespmem:$0x1FF90] =	vst v58  }
0x6e: {  	v3 =	vadd.f32 v3, v14;
	v14 =	vld [tilespmem:s21+$0x2280];
	_ =	sdelay $0x4  }
0x6f: {  	s0 =	sor.u32 $0x2380, s15;
	[tilespmem:$0x1FFA0] =	vst v14  }
0x70: {  	v59 =	vld [tilespmem:s0+$0x0]  }
0x71: {  	v4 =	vmul.f32 v39, v39;
	v5 =	vmul.f32 v44, v44;
	_ =	sdelay $0x1  }
0x72: {  	s16 =	simm.s32 $0x20;
	s17 =	simm.s32 $0x100;
	v4 =	vadd.f32 v5, v4;
	v5 =	vmul.f32 v1, v1  }
0x73: {  	s24 =	sand.u32 $0x60, s16;
	s8 =	sand.u32 $0x1C00, s17  }
0x74: {  	s31 =	sor.u32 s24, s8;
	v5 =	vadd.f32 v7, v5;
	[tilespmem:$0x1FFD0] =	vst v59  }
0x75: {  	v2 =	vadd.f32 v4, v2;
	v4 =	vadd.f32 v9, v8;
	v42 =	vld [tilespmem:s31+$0x10]  }
0x76: {  	v3 =	vadd.f32 v3, v6;
	v5 =	vadd.f32 v5, v10;
	v43 =	vld [tilespmem:s31+$0x90]  }
0x77: {  	v33 =	vld [tilespmem:s31+$0x2090]  }
0x78: {  	v2 =	vadd.f32 v3, v2;
	v3 =	vadd.f32 v5, v4;
	v61 =	vld [tilespmem:s31+$0x110]  }
0x79: {  	v62 =	vld [tilespmem:s31+$0x190]  }
0x7a: {  	v7 =	vmul.f32 v25, v25;
	v2 =	vadd.f32 v3, v2;
	v63 =	vld [tilespmem:s31+$0x210]  }
0x7b: {  	v6 =	vmul.f32 v23, v23;
	v9 =	vmul.f32 v24, v24;
	v36 =	vld [tilespmem:s31+$0x290]  }
0x7c: {  	v32 =	vmax.f32 v2, $1.000000000e-30;
	v10 =	vmul.f32 v20, v20;
	v4 =	vmul.f32 v22, v22;
	v51 =	vld [tilespmem:s31+$0x2010];
	[tilespmem:$0x1FE90] =	vst v33  }
0x7d: {  	v6 =	vadd.f32 v9, v6;
	v5 =	vmul.f32 v21, v21;
	v9 =	vmul.f32 v19, v19;
	v46 =	vld [tilespmem:s31+$0x2110]  }
0x7e: {  	v11 =	vmul.f32 $5.000000000e-01, v32;
	v8 =	vmul.f32 v0, v0;
	v4 =	vadd.f32 v4, v10  }
0x7f: {  	v5 =	vadd.f32 v9, v5;
	v3 =	vmul.f32 v15, v15;
	v10 =	vmul.f32 v18, v18  }
0x80: {  	s25 =	simm.s32 $0x1;
	v9 =	vshra.s32 v32, $0x1;
	v60 =	vmul.f32 v16, v16;
	v12 =	vmul.f32 v17, v17  }
0x81: {  	s1 =	sand.u32 $0x3, s25;
	v3 =	vadd.f32 v3, v7;
	v7 =	vmul.f32 v13, v13;
	v13 =	vmul.f32 v58, v58  }
0x82: {  	s1 =	sshll.u32 s1, $0x5;
	v9 =	vsub.s32 $0x5F3759DF, v9;
	v14 =	vmul.f32 v14, v14;
	v15 =	vmul.f32 v59, v59;
	[tilespmem:$0x1FEA0] =	vst v46  }
0x83: {  	s26 =	sadd.s32 $0x100, s1;
	v2 =	vadd.f32 v60, v10;
	v10 =	vmul.f32 v9, v11;
	v7 =	vadd.f32 v7, v12;
	v55 =	vld [tilespmem:s31+$0x2190]  }
0x84: {  	s1 =	sadd.s32 $0x10, s26;
	v12 =	vadd.f32 v14, v13;
	v8 =	vadd.f32 v15, v8;
	v56 =	vld [tilespmem:s31+$0x2210]  }
0x85: {  	s14 =	sor.u32 $0x300, s1;
	v4 =	vadd.f32 v4, v6;
	v3 =	vadd.f32 v3, v5;
	v5 =	vmul.f32 v9, v10;
	v58 =	vld [tilespmem:s31+$0x2290]  }
0x86: {  	s28 =	sor.u32 $0x380, s1;
	v2 =	vadd.f32 v7, v2;
	v6 =	vadd.f32 v8, v12;
	v7 =	vmul.f32 v42, v42;
	v37 =	vld [tilespmem:s14+$0x0]  }
0x87: {  	s22 =	sor.u32 $0x2300, s1;
	v3 =	vadd.f32 v3, v4;
	v4 =	vmul.f32 v43, v43;
	v8 =	vmul.f32 v61, v61;
	v41 =	vld [tilespmem:s28+$0x0]  }
0x88: {  	s20 =	sor.u32 $0x2380, s1;
	v2 =	vadd.f32 v6, v2;
	v6 =	vmul.f32 v62, v62;
	v10 =	vmul.f32 v63, v63;
	v59 =	vld [tilespmem:s22+$0x0]  }
0x89: {  	v12 =	vmul.f32 v36, v36;
	v13 =	vmul.f32 v51, v51;
	v60 =	vld [tilespmem:s20+$0x0]  }
0x8a: {  	v2 =	vadd.f32 v2, v3;
	v3 =	vmul.f32 v33, v33;
	v4 =	vadd.f32 v4, v7  }
0x8b: {  	v6 =	vadd.f32 v6, v8;
	v14 =	vmul.f32 v46, v46;
	v15 =	vmul.f32 v55, v55  }
0x8c: {  	v10 =	vadd.f32 v12, v10;
	v16 =	vmul.f32 v56, v56;
	v7 =	vmul.f32 v58, v58  }
0x8d: {  	v3 =	vadd.f32 v3, v13;
	v8 =	vmul.f32 v37, v37;
	v12 =	vmul.f32 v41, v41  }
0x8e: {  	v13 =	vmul.f32 v59, v59;
	v14 =	vadd.f32 v15, v14;
	v15 =	vmul.f32 v60, v60  }
0x8f: {  	v5 =	vsub.f32 $1.500000000e+00, v5;
	v7 =	vadd.f32 v7, v16  }
0x90: {  	v8 =	vadd.f32 v12, v8;
	v12 =	vadd.f32 v15, v13  }
0x91: {  	v4 =	vadd.f32 v6, v4;
	v3 =	vadd.f32 v14, v3  }
0x92: {  	s1 =	sor.u32 $0x300, s26;
	v6 =	vadd.f32 v8, v10;
	v7 =	vadd.f32 v12, v7  }
0x93: {  	v5 =	vmul.f32 v9, v5;
	v0 =	vld [tilespmem:s1+$0x0]  }
0x94: {  	v33 =	vmax.f32 v2, $1.000000000e-30;
	v17 =	vld [tilespmem:s31+$0x0];
	v4 =	vadd.f32 v6, v4;
	v3 =	vadd.f32 v7, v3  }
0x95: {  	v46 =	vmul.f32 $5.000000000e-01, v33;
	v1 =	vld [tilespmem:s31+$0x100];
	v6 =	vshra.s32 v33, $0x1  }
0x96: {  	v52 =	vld [tilespmem:s31+$0x180];
	v8 =	vsub.s32 $0x5F3759DF, v6;
	v7 =	vmul.f32 v5, v11;
	v3 =	vadd.f32 v3, v4  }
0x97: {  	v20 =	vld [tilespmem:s31+$0x200];
	v4 =	vmul.f32 v8, v46  }
0x98: {  	v14 =	vld [tilespmem:s31+$0x280];
	v6 =	vmul.f32 v7, v5;
	v31 =	vmax.f32 v3, $1.000000000e-30  }
0x99: {  	v11 =	vld [tilespmem:s31+$0x80];
	v3 =	vmul.f32 v8, v4;
	v4 =	vshra.s32 v31, $0x1;
	v29 =	vmul.f32 $5.000000000e-01, v31  }
0x9a: {  	s2 =	sor.u32 s16, s17;
	v15 =	vld [tilespmem:s31+$0x2080];
	v7 =	vsub.s32 $0x5F3759DF, v4  }
0x9b: {  	s16 =	sor.u32 $0x380, s2;
	v12 =	vld [tilespmem:s31+$0x2000];
	v10 =	vmul.f32 v7, v29  }
0x9c: {  	s12 =	sor.u32 $0x2300, s26;
	v9 =	vsub.f32 $1.500000000e+00, v6;
	v6 =	vmov v1;
	v1 =	vld [tilespmem:s16+$0x0]  }
0x9d: {  	v19 =	vmul.f32 v7, v10;
	v10 =	vld [tilespmem:s12+$0x0];
	[tilespmem:$0x1FE20] =	vst v0  }
0x9e: {  	v26 =	vmul.f32 v9, v5;
	v5 =	vmov v11;
	v16 =	vld [tilespmem:s31+$0x2100];
	[tilespmem:$0x1FE30] =	vst v52  }
0x9f: {  	v11 =	vmul.f32 v17, v17;
	v13 =	vmul.f32 v5, v5;
	[tilespmem:$0x1FE40] =	vst v20  }
0xa0: {  	v27 =	vmul.f32 v0, v0;
	v9 =	vmul.f32 v52, v52;
	v52 =	vld [tilespmem:s31+$0x2180]  }
0xa1: {  	v3 =	vsub.f32 $1.500000000e+00, v3;
	v18 =	vmul.f32 v6, v6;
	v28 =	vadd.f32 v13, v11;
	v13 =	vld [tilespmem:s31+$0x2200];
	[tilespmem:$0x1FE50] =	vst v1  }
0xa2: {  	s17 =	sor.u32 $0x2380, s2;
	v23 =	vmul.f32 v20, v20;
	v21 =	vmul.f32 v14, v14;
	v11 =	vld [tilespmem:s31+$0x2280]  }
0xa3: {  	v25 =	vmul.f32 v8, v3;
	v24 =	vadd.f32 v9, v18;
	v22 =	vsub.f32 $1.500000000e+00, v19;
	v9 =	vld [tilespmem:s17+$0x0]  }
0xa4: {  	v18 =	vmul.f32 v15, v15;
	v20 =	vmul.f32 v1, v1  }
0xa5: {  	v19 =	vmul.f32 v12, v12;
	v24 =	vadd.f32 v24, v28;
	v22 =	vmul.f32 v7, v22  }
0xa6: {  	v20 =	vadd.f32 v20, v27;
	v7 =	vld [tilespmem:$0x1FFE0];
	v27 =	vmul.f32 v16, v16;
	v28 =	vmul.f32 v52, v52  }
0xa7: {  	v30 =	vadd.f32 v18, v19;
	v2 =	vmul.f32 v10, v10;
	v1 =	vmul.f32 v11, v11  }
0xa8: {  	v8 =	vld [tilespmem:$0x1FFF0];
	v18 =	vmul.f32 v9, v9;
	v27 =	vadd.f32 v28, v27;
	v28 =	vmul.f32 v13, v13  }
0xa9: {  	v21 =	vadd.f32 v21, v23  }
0xaa: {  	v19 =	vmul.f32 v26, v32;
	v18 =	vadd.f32 v18, v2;
	v28 =	vadd.f32 v1, v28  }
0xab: {  	v20 =	vadd.f32 v20, v21;
	v21 =	vmul.f32 v22, v29;
	v29 =	vmul.f32 v26, v7  }
0xac: {  	vm0 =	vgt.f32 v19, $9.999999960e-13;
	v27 =	vadd.f32 v27, v30;
	v18 =	vadd.f32 v18, v28  }
0xad: {  	v23 =	vmul.f32 v25, v46;
	v29 =	vsel vm0, v29, v8  }
0xae: {  	v20 =	vadd.f32 v20, v24;
	v19 =	vmul.f32 v29, v19;
	v18 =	vadd.f32 v18, v27  }
0xaf: {  	v21 =	vmul.f32 v21, v22  }
0xb0: {  	v23 =	vmul.f32 v23, v25;
	vm11 =	vgt.f32 v19, $1.000000000e+00;
	v18 =	vadd.f32 v18, v20  }
0xb1: {  	v19 =	vsub.f32 $1.500000000e+00, v21;
	v26 =	vsel vm11, v26, v29  }
0xb2: {  	v23 =	vsub.f32 $1.500000000e+00, v23;
	[tilespmem:$0x1FE60] =	vst v52;
	v21 =	vmul.f32 v26, v34;
	v52 =	vmax.f32 v18, $1.000000000e-30  }
0xb3: {  	v27 =	vmul.f32 v19, v22;
	v22 =	vmul.f32 v26, v35;
	[tilespmem:$0x1FFB0] =	vst v52  }
0xb4: {  	s11 =	simm.s32 $0x200;
	s8 =	simm.s32 $0x40;
	v28 =	vmul.f32 v23, v25;
	v23 =	vmul.f32 v26, v39;
	[tilespmem:s21+$0xC010] =	vst v21  }
0xb5: {  	s7 =	sand.u32 $0x1C00, s11;
	s3 =	sand.u32 $0x60, s8;
	v25 =	vmul.f32 v26, v44;
	v29 =	vmul.f32 v26, v45;
	[tilespmem:s21+$0xC090] =	vst v22  }
0xb6: {  	s3 =	sor.u32 s3, s7;
	v30 =	vmul.f32 v26, v47;
	v34 =	vmul.f32 v26, v40;
	[tilespmem:s21+$0xC110] =	vst v23  }
0xb7: {  	v35 =	vmul.f32 v26, v38;
	v24 =	vmul.f32 v27, v31;
	v0 =	vld [tilespmem:s3+$0x10];
	[tilespmem:s21+$0xC190] =	vst v25  }
0xb8: {  	v38 =	vmul.f32 v26, v48;
	v45 =	vmul.f32 v27, v7;
	v32 =	vld [tilespmem:$0x1FE70];
	[tilespmem:s21+$0xC210] =	vst v29  }
0xb9: {  	v40 =	vmul.f32 v26, v49;
	v49 =	vmul.f32 v26, v57;
	vm12 =	vgt.f32 v24, $9.999999960e-13;
	v57 =	vld [tilespmem:$0x1FE80];
	[tilespmem:s21+$0xC290] =	vst v30  }
0xba: {  	v44 =	vmul.f32 v26, v50;
	v50 =	vmul.f32 v28, v33;
	v1 =	vld [tilespmem:s3+$0x90];
	v45 =	vsel vm12, v45, v8;
	[tilespmem:s19+$0xC000] =	vst v34  }
0xbb: {  	v18 =	vshra.s32 v52, $0x1;
	v52 =	vmul.f32 $5.000000000e-01, v52;
	v19 =	vld [tilespmem:s3+$0x110];
	v33 =	vmul.f32 v45, v24;
	[tilespmem:s13+$0xC000] =	vst v35  }
0xbc: {  	v46 =	vmul.f32 v28, v7;
	v47 =	vmul.f32 v26, v54;
	v39 =	vsub.s32 $0x5F3759DF, v18;
	v2 =	vld [tilespmem:s3+$0x190];
	[tilespmem:s21+$0xE010] =	vst v38  }
0xbd: {  	s2 =	simm.s32 $0x2;
	vm1 =	vgt.f32 v50, $9.999999960e-13;
	v3 =	vld [tilespmem:s3+$0x210];
	v31 =	vmul.f32 v39, v52;
	vm13 =	vgt.f32 v33, $1.000000000e+00;
	[tilespmem:s21+$0xE090] =	vst v40  }
0xbe: {  	s15 =	sand.u32 $0x3, s2;
	v48 =	vmul.f32 v26, v53;
	v20 =	vld [tilespmem:s3+$0x290];
	v29 =	vsel vm13, v27, v45;
	v27 =	vsel vm1, v46, v8;
	[tilespmem:s21+$0xE110] =	vst v44  }
0xbf: {  	s15 =	sshll.u32 s15, $0x5;
	v4 =	vld [tilespmem:s3+$0x2010];
	v31 =	vmul.f32 v39, v31;
	v30 =	vmul.f32 v27, v50;
	[tilespmem:s21+$0xE190] =	vst v47  }
0xc0: {  	s15 =	sadd.s32 $0x200, s15;
	v33 =	vld [tilespmem:s3+$0x2110];
	v45 =	vmul.f32 v29, v42;
	v50 =	vmul.f32 v29, v43;
	[tilespmem:s21+$0xE210] =	vst v48  }
0xc1: {  	s10 =	sadd.s32 $0x10, s15;
	v34 =	vld [tilespmem:s3+$0x2210];
	v54 =	vmul.f32 v29, v61;
	v61 =	vmul.f32 v29, v63;
	[tilespmem:s21+$0xE290] =	vst v49  }
0xc2: {  	s25 =	sor.u32 $0x300, s10;
	v35 =	vld [tilespmem:s3+$0x2290];
	v46 =	vmul.f32 v29, v36;
	v63 =	vmul.f32 v29, v37;
	[tilespmem:s31+$0xC010] =	vst v45  }
0xc3: {  	s26 =	sor.u32 $0x380, s10;
	v23 =	vmov v0;
	v42 =	vld [tilespmem:s25+$0x0];
	v37 =	vmul.f32 v1, v1;
	v53 =	vmul.f32 v26, v32;
	[tilespmem:s31+$0xC090] =	vst v50  }
0xc4: {  	s13 =	sor.u32 $0x2300, s10;
	v43 =	vld [tilespmem:s26+$0x0];
	v0 =	vmul.f32 v26, v57;
	vm14 =	vgt.f32 v30, $1.000000000e+00;
	v30 =	vmul.f32 v23, v23;
	[tilespmem:s31+$0xC110] =	vst v54  }
0xc5: {  	s24 =	sor.u32 $0x2380, s10;
	v31 =	vsub.f32 $1.500000000e+00, v31;
	v38 =	vld [tilespmem:s13+$0x0];
	v40 =	vmul.f32 v3, v3;
	v57 =	vmul.f32 v29, v62;
	[tilespmem:s9+$0xC000] =	vst v53  }
0xc6: {  	v48 =	vmul.f32 v20, v20;
	v59 =	vmul.f32 v29, v59;
	v36 =	vadd.f32 v37, v30;
	v37 =	vld [tilespmem:s24+$0x0];
	[tilespmem:s5+$0xC000] =	vst v0  }
0xc7: {  	v32 =	vmul.f32 v19, v19;
	v24 =	vmul.f32 v39, v31;
	v31 =	vld [tilespmem:s3+$0x2190];
	v26 =	vmov v2;
	[tilespmem:s31+$0xC190] =	vst v57  }
0xc8: {  	v62 =	vsel vm14, v28, v27;
	v28 =	vmul.f32 v2, v2;
	v27 =	vmovc v3;
	v2 =	vmul.f32 v4, v4;
	v3 =	vld [tilespmem:$0x1FE90]  }
0xc9: {  	v21 =	vld [tilespmem:s3+$0x2090];
	v48 =	vadd.f32 v48, v40;
	v40 =	vmul.f32 v33, v33;
	v47 =	vmul.f32 v34, v34  }
0xca: {  	v44 =	vmul.f32 v42, v42;
	v0 =	vmul.f32 v43, v43  }
0xcb: {  	v49 =	vmul.f32 v38, v38;
	v50 =	vmul.f32 v37, v37  }
0xcc: {  	v25 =	vmovc v1;
	v53 =	vmul.f32 v31, v31;
	v54 =	vadd.f32 v0, v44;
	v0 =	vmul.f32 v29, v41;
	v41 =	vld [tilespmem:s3+$0x80]  }
0xcd: {  	v39 =	vmul.f32 v35, v35;
	v49 =	vadd.f32 v50, v49;
	v50 =	vmul.f32 v29, v3;
	v3 =	vld [tilespmem:$0x1FEA0];
	[tilespmem:s31+$0xC210] =	vst v61  }
0xce: {  	v1 =	vadd.f32 v28, v32;
	v32 =	vmul.f32 v21, v21;
	v53 =	vadd.f32 v53, v40;
	v40 =	vld [tilespmem:s3+$0x0];
	[tilespmem:s31+$0xC290] =	vst v46  }
0xcf: {  	v60 =	vmul.f32 v29, v60;
	v30 =	vmul.f32 v29, v51;
	[tilespmem:s14+$0xC000] =	vst v63  }
0xd0: {  	v47 =	vadd.f32 v39, v47;
	v39 =	vmul.f32 v29, v56;
	v32 =	vadd.f32 v32, v2;
	[tilespmem:s28+$0xC000] =	vst v0  }
0xd1: {  	v36 =	vadd.f32 v1, v36;
	v1 =	vadd.f32 v54, v48;
	v48 =	vmul.f32 v29, v58;
	[tilespmem:s31+$0xE010] =	vst v30  }
0xd2: {  	v61 =	vmul.f32 v29, v55;
	v46 =	vld [tilespmem:$0x1FEC0];
	v57 =	vmul.f32 v29, v3  }
0xd3: {  	v58 =	vmul.f32 v41, v41;
	v54 =	vmul.f32 v40, v40;
	v29 =	vadd.f32 v53, v32;
	v32 =	vld [tilespmem:$0x1FEB0];
	[tilespmem:s31+$0xE090] =	vst v50  }
0xd4: {  	v45 =	vld [tilespmem:s3+$0x180];
	[tilespmem:s31+$0xE110] =	vst v57  }
0xd5: {  	v22 =	vmov v4;
	s9 =	sor.u32 $0x2300, s15;
	v4 =	vadd.f32 v58, v54;
	v58 =	vld [tilespmem:$0x1FED0]  }
0xd6: {  	v18 =	vmov v20;
	v20 =	vld [tilespmem:s9+$0x0]  }
0xd7: {  	s5 =	sor.u32 $0x300, s15;
	v56 =	vld [tilespmem:s3+$0x280]  }
0xd8: {  	v2 =	vld [tilespmem:s5+$0x0]  }
0xd9: {  	s19 =	sor.u32 s8, s11;
	v44 =	vld [tilespmem:s3+$0x100]  }
0xda: {  	v55 =	vld [tilespmem:s3+$0x200];
	s28 =	sor.u32 $0x380, s19;
	v0 =	vmul.f32 v62, v58  }
0xdb: {  	v36 =	vadd.f32 v1, v36;
	v51 =	vadd.f32 v49, v47;
	v1 =	vld [tilespmem:s28+$0x0]  }
0xdc: {  	v3 =	vld [tilespmem:s3+$0x2000];
	[tilespmem:$0x1FF20] =	vst v0  }
0xdd: {  	v30 =	vadd.f32 v51, v29;
	v51 =	vmul.f32 v62, v46;
	v46 =	vld [tilespmem:$0x1FEE0];
	[tilespmem:s31+$0xE190] =	vst v61  }
0xde: {  	v47 =	vld [tilespmem:$0x1FEF0];
	_ =	sdelay $0x4  }
0xdf: {  	v0 =	vmul.f32 v62, v47  }
0xe0: {  	v28 =	vmov v21  }
0xe1: {  	v49 =	vmul.f32 v44, v44;
	v50 =	vmul.f32 v45, v45;
	v36 =	vadd.f32 v30, v36;
	v21 =	vld [tilespmem:s3+$0x2080];
	[tilespmem:$0x1FF30] =	vst v0  }
0xe2: {  	v54 =	vmul.f32 v55, v55;
	v63 =	vmul.f32 v62, v32;
	[tilespmem:s31+$0xE210] =	vst v39  }
0xe3: {  	v57 =	vadd.f32 v50, v49;
	v50 =	vmul.f32 v2, v2;
	v61 =	vmax.f32 v36, $1.000000000e-30;
	[tilespmem:s31+$0xE290] =	vst v48  }
0xe4: {  	v53 =	vmul.f32 v62, v46;
	v46 =	vmovc v2;
	v49 =	vshra.s32 v61, $0x1;
	v2 =	vmul.f32 $5.000000000e-01, v61;
	[tilespmem:s21+$0xC000] =	vst v63  }
0xe5: {  	v47 =	vsub.s32 $0x5F3759DF, v49;
	v0 =	vmul.f32 v1, v1;
	v48 =	vmul.f32 v56, v56;
	[tilespmem:s22+$0xC000] =	vst v59  }
0xe6: {  	v49 =	vmul.f32 v3, v3;
	v39 =	vmul.f32 v47, v2;
	[tilespmem:s20+$0xC000] =	vst v60  }
0xe7: {  	v0 =	vadd.f32 v0, v50;
	v48 =	vadd.f32 v48, v54;
	v54 =	vmul.f32 v21, v21;
	v50 =	vld [tilespmem:$0x1FF00]  }
0xe8: {  	v63 =	vld [tilespmem:$0x1FF10];
	[tilespmem:s21+$0xC080] =	vst v51  }
0xe9: {  	v51 =	vadd.f32 v54, v49;
	v49 =	vmul.f32 v47, v39;
	v39 =	vld [tilespmem:$0x1FF20];
	_ =	sdelay $0x3  }
0xea: {  	[tilespmem:s21+$0xC180] =	vst v53  }
0xeb: {  	[tilespmem:s21+$0xC100] =	vst v39  }
0xec: {  	v53 =	vadd.f32 v0, v48;
	v0 =	vld [tilespmem:$0x1FF30]  }
0xed: {  	v32 =	vld [tilespmem:s3+$0x2100]  }
0xee: {  	v36 =	vld [tilespmem:s3+$0x2180];
	v50 =	vmul.f32 v62, v50  }
0xef: {  	v58 =	vld [tilespmem:s3+$0x2200]  }
0xf0: {  	s19 =	sor.u32 $0x2380, s19;
	v59 =	vld [tilespmem:s3+$0x2280];
	v63 =	vmul.f32 v62, v63;
	[tilespmem:s21+$0xC280] =	vst v50  }
0xf1: {  	v60 =	vld [tilespmem:s19+$0x0];
	[tilespmem:s21+$0xC200] =	vst v0  }
0xf2: {  	v29 =	vmov v1;
	v1 =	vld [tilespmem:$0x1FF40];
	[tilespmem:s4+$0xC000] =	vst v63  }
0xf3: {  	v50 =	vld [tilespmem:$0x1FF50]  }
0xf4: {  	v30 =	vmovc v3;
	v3 =	vadd.f32 v57, v4;
	v54 =	vmul.f32 v32, v32;
	v57 =	vmul.f32 v36, v36  }
0xf5: {  	v48 =	vmul.f32 v58, v58;
	v39 =	vmul.f32 v59, v59  }
0xf6: {  	v54 =	vadd.f32 v57, v54;
	v57 =	vmul.f32 v20, v20;
	v0 =	vmul.f32 v60, v60  }
0xf7: {  	v39 =	vadd.f32 v39, v48;
	v48 =	vsub.f32 $1.500000000e+00, v49;
	v49 =	vmul.f32 v62, v1  }
0xf8: {  	v0 =	vadd.f32 v0, v57;
	v57 =	vmul.f32 v62, v50  }
0xf9: {  	[tilespmem:s18+$0xC000] =	vst v49  }
0xfa: {  	v49 =	vld [tilespmem:$0x1FF60];
	[tilespmem:s21+$0xE000] =	vst v57  }
0xfb: {  	v50 =	vld [tilespmem:$0x1FF70]  }
0xfc: {  	v52 =	vmul.f32 v24, v52;
	_ =	sdelay $0x1  }
0xfd: {  	v52 =	vmul.f32 v52, v24  }
0xfe: {  	v51 =	vadd.f32 v54, v51;
	v54 =	vmul.f32 v62, v49  }
0xff: {  	v52 =	vsub.f32 $1.500000000e+00, v52;
	v39 =	vadd.f32 v0, v39;
	v0 =	vmul.f32 v62, v50  }
0x100: {  	[tilespmem:s21+$0xE080] =	vst v54  }
0x101: {  	v57 =	vmul.f32 v52, v24;
	v52 =	vld [tilespmem:$0x1FF80];
	[tilespmem:s21+$0xE100] =	vst v0  }
0x102: {  	v0 =	vld [tilespmem:$0x1FF90];
	_ =	sdelay $0x3  }
0x103: {  	v63 =	vmul.f32 v47, v48;
	v48 =	vadd.f32 v53, v3;
	v53 =	vld [tilespmem:$0x1FFA0];
	v47 =	vmul.f32 v62, v52  }
0x104: {  	v0 =	vmul.f32 v62, v0  }
0x105: {  	[tilespmem:s21+$0xE180] =	vst v47  }
0x106: {  	v50 =	vld [tilespmem:$0x1FFB0];
	[tilespmem:s21+$0xE200] =	vst v0  }
0x107: {  	v52 =	vld [tilespmem:$0x1FFC0]  }
0x108: {  	v54 =	vmul.f32 v62, v53;
	_ =	sdelay $0x1  }
0x109: {  	[tilespmem:s21+$0xE280] =	vst v54  }
0x10a: {  	v39 =	vadd.f32 v39, v51;
	v54 =	vld [tilespmem:$0x1FFD0]  }
0x10b: {  	v49 =	vmul.f32 v63, v2;
	v53 =	vmul.f32 v62, v52  }
0x10c: {  	v39 =	vadd.f32 v39, v48;
	v50 =	vmul.f32 v57, v50  }
0x10d: {  	s22 =	smul.u32 $0x60, s29;
	v49 =	vmul.f32 v49, v63;
	v0 =	vmul.f32 v57, v7;
	[tilespmem:s23+$0xC000] =	vst v53  }
0x10e: {  	v39 =	vmax.f32 v39, $1.000000000e-30;
	vm15 =	vgt.f32 v50, $9.999999960e-13;
	s7 =	rddreg [dreg:$0x4]  }
0x10f: {  	v48 =	vsub.f32 $1.500000000e+00, v49;
	v47 =	vmul.f32 v62, v54;
	v49 =	vsel vm15, v0, v8;
	s4 =	sor.u32 s7, s22  }
.LBB2_4:
0x110: {  	[tilespmem:$0x1FDF0] =	vst v20  }
0x111: {  	v52 =	vshra.s32 v39, $0x1;
	v51 =	vmul.f32 $5.000000000e-01, v39;
	[tilespmem:s0+$0xC000] =	vst v47;
	v0 =	vmovc v58;
	v50 =	vmul.f32 v49, v50  }
0x112: {  	s8 =	sadd.s32 $0x20, s8;
	s11 =	sadd.s32 $0x100, s11;
	v58 =	vmov v11;
	v54 =	vmul.f32 v48, v63;
	[tilespmem:$0x1FE10] =	vst v0;
	v52 =	vsub.s32 $0x5F3759DF, v52  }
0x113: {  	[tilespmem:$0x1FDC0] =	vst v58;
	s14 =	sand.u32 $0x60, s8;
	s15 =	sand.u32 $0x1C00, s11;
	v48 =	vmov v16;
	v53 =	vmul.f32 v52, v51;
	vm0 =	vgt.f32 v50, $1.000000000e+00  }
0x114: {  	v63 =	vmovc v60;
	v16 =	vmovc v21;
	v21 =	vmov v44;
	v44 =	vld [tilespmem:$0x1FE30];
	s14 =	sor.u32 s14, s15;
	v0 =	vmul.f32 v54, v61;
	v49 =	vsel vm0, v57, v49  }
0x115: {  	v47 =	vmovc v59;
	[tilespmem:$0x1FDD0] =	vst v63;
	v59 =	vld [tilespmem:s14+$0x10];
	v62 =	vmov v9;
	v2 =	vmul.f32 v52, v53;
	v53 =	vmul.f32 v49, v17  }
0x116: {  	v1 =	vmul.f32 v54, v7;
	v61 =	vld [tilespmem:s14+$0x90];
	v63 =	vmul.f32 v49, v6;
	[tilespmem:$0x1FDE0] =	vst v62  }
0x117: {  	vm1 =	vgt.f32 v0, $9.999999960e-13;
	v62 =	vmul.f32 v49, v5;
	[tilespmem:s31+$0xC000] =	vst v53;
	v53 =	vld [tilespmem:$0x1FE40]  }
0x118: {  	v20 =	vmov v40;
	v40 =	vld [tilespmem:s14+$0x190];
	v60 =	vsel vm1, v1, v8;
	[tilespmem:s31+$0xC100] =	vst v63  }
0x119: {  	v57 =	vld [tilespmem:s14+$0x110];
	v50 =	vsub.f32 $1.500000000e+00, v2;
	v58 =	vmul.f32 v60, v0;
	v0 =	vmov v41;
	[tilespmem:s31+$0xC080] =	vst v62  }
0x11a: {  	v17 =	vmovc v15;
	v15 =	vmov v56;
	v44 =	vmul.f32 v49, v44;
	v41 =	vld [tilespmem:s14+$0x210];
	v1 =	vmov v55;
	[tilespmem:$0x1FE00] =	vst v0  }
0x11b: {  	v2 =	vmovc v45;
	[tilespmem:$0x1FE40] =	vst v1;
	v45 =	vld [tilespmem:s14+$0x290];
	v50 =	vmul.f32 v52, v50;
	v55 =	vmul.f32 v59, v59;
	vm14 =	vgt.f32 v58, $1.000000000e+00  }
0x11c: {  	s0 =	smov.u32 s17;
	s2 =	sadd.s32 $0x1, s2;
	s23 =	sor.u32 s8, s11;
	v52 =	vld [tilespmem:s14+$0x2010];
	v56 =	vmul.f32 v61, v61;
	[tilespmem:s31+$0xC180] =	vst v44;
	v54 =	vsel vm14, v54, v60;
	v0 =	vmul.f32 v49, v53  }
0x11d: {  	s7 =	sor.u32 $0x380, s23;
	s18 =	sor.u32 $0x2380, s23;
	s23 =	sand.u32 $0x3, s2;
	v24 =	vmov v59;
	v59 =	vld [tilespmem:s14+$0x2110];
	v44 =	vmul.f32 v40, v40;
	[tilespmem:$0x1FE30] =	vst v2;
	v62 =	vmul.f32 v54, v23  }
0x11e: {  	s17 =	smov.u32 s19;
	s19 =	smov.u32 s18;
	s18 =	sshll.u32 s23, $0x5;
	v58 =	vld [tilespmem:s14+$0x2090];
	v60 =	vmul.f32 v57, v57;
	v63 =	vmul.f32 v54, v25;
	[tilespmem:s31+$0xC200] =	vst v0  }
0x11f: {  	s21 =	sadd.s32 s18, s11;
	v33 =	vmul.f32 v54, v33;
	v0 =	vld [tilespmem:s14+$0x2190];
	[tilespmem:s3+$0xC010] =	vst v62;
	v62 =	vmul.f32 v54, v19  }
0x120: {  	s20 =	sor.u32 $0x300, s21;
	s18 =	sor.u32 $0x2300, s21;
	s21 =	sadd.s32 $0x10, s21;
	v23 =	vmov v57;
	v31 =	vmul.f32 v54, v31;
	v57 =	vld [tilespmem:s14+$0x2210];
	[tilespmem:s3+$0xC090] =	vst v63;
	v63 =	vmul.f32 v54, v26  }
0x121: {  	s23 =	sor.u32 $0x300, s21;
	v25 =	vmovc v61;
	v61 =	vmul.f32 v41, v41;
	v26 =	vmov v40;
	v40 =	vmul.f32 v54, v27;
	v2 =	vld [tilespmem:s14+$0x2290];
	[tilespmem:s3+$0xC110] =	vst v62  }
0x122: {  	s10 =	sor.u32 $0x380, s21;
	v1 =	vmul.f32 v45, v45;
	v27 =	vmov v41;
	v41 =	vmul.f32 v54, v18;
	v62 =	vld [tilespmem:s23+$0x0];
	[tilespmem:s3+$0xC190] =	vst v63  }
0x123: {  	s22 =	sor.u32 $0x2300, s21;
	v3 =	vmul.f32 v52, v52;
	v5 =	vmul.f32 v59, v59;
	v63 =	vld [tilespmem:s10+$0x0];
	[tilespmem:s3+$0xC210] =	vst v40  }
0x124: {  	s21 =	sor.u32 $0x2380, s21;
	v19 =	vmov v10;
	v4 =	vmul.f32 v58, v58;
	v40 =	vmul.f32 v54, v42;
	v6 =	vld [tilespmem:s22+$0x0];
	[tilespmem:s3+$0xC290] =	vst v41  }
0x125: {  	v10 =	vadd.f32 v56, v55;
	v55 =	vmul.f32 v54, v34;
	v18 =	vmovc v45;
	v45 =	vmul.f32 v54, v43;
	v7 =	vld [tilespmem:s21+$0x0]  }
0x126: {  	v3 =	vadd.f32 v4, v3;
	v4 =	vmul.f32 v54, v35;
	[tilespmem:s25+$0xC000] =	vst v40;
	v40 =	vmul.f32 v54, v22  }
0x127: {  	v60 =	vadd.f32 v44, v60;
	v8 =	vld [tilespmem:s20+$0x0];
	v42 =	vmul.f32 v0, v0;
	v43 =	vmul.f32 v57, v57;
	[tilespmem:s26+$0xC000] =	vst v45  }
0x128: {  	v44 =	vld [tilespmem:s14+$0x100];
	v1 =	vadd.f32 v1, v61;
	v9 =	vmul.f32 v2, v2;
	v45 =	vmul.f32 v54, v28;
	[tilespmem:s3+$0xE010] =	vst v40  }
0x129: {  	v41 =	vld [tilespmem:s14+$0x80];
	v28 =	vmov v58;
	v58 =	vmul.f32 v62, v62;
	[tilespmem:s3+$0xE110] =	vst v33;
	v56 =	vmul.f32 v63, v63  }
0x12a: {  	v22 =	vmov v52;
	v52 =	vld [tilespmem:s18+$0x0];
	[tilespmem:s3+$0xE190] =	vst v31;
	v11 =	vmul.f32 v6, v6;
	v61 =	vmul.f32 v7, v7  }
0x12b: {  	v5 =	vadd.f32 v42, v5;
	v40 =	vld [tilespmem:s14+$0x0];
	[tilespmem:s3+$0xE210] =	vst v55;
	v9 =	vadd.f32 v9, v43  }
0x12c: {  	v55 =	vld [tilespmem:s14+$0x200];
	[tilespmem:s3+$0xE290] =	vst v4;
	v43 =	vadd.f32 v56, v58;
	v11 =	vadd.f32 v61, v11  }
0x12d: {  	v10 =	vadd.f32 v60, v10;
	v31 =	vmul.f32 v54, v38;
	[tilespmem:s3+$0xE090] =	vst v45;
	v45 =	vld [tilespmem:s14+$0x180];
	v3 =	vadd.f32 v5, v3  }
0x12e: {  	v4 =	vmul.f32 v54, v37;
	v42 =	vmovc v62;
	v62 =	vld [tilespmem:$0x1FE20];
	v1 =	vadd.f32 v43, v1;
	v9 =	vadd.f32 v11, v9  }
0x12f: {  	v53 =	vmul.f32 v49, v14;
	[tilespmem:s13+$0xC000] =	vst v31;
	v56 =	vld [tilespmem:s14+$0x280]  }
0x130: {  	v5 =	vld [tilespmem:s7+$0x0];
	[tilespmem:s24+$0xC000] =	vst v4;
	v1 =	vadd.f32 v1, v10;
	v3 =	vadd.f32 v9, v3  }
0x131: {  	v54 =	vmul.f32 v8, v8;
	v37 =	vmul.f32 v44, v44;
	v4 =	vld [tilespmem:s14+$0x2000];
	[tilespmem:s31+$0xC280] =	vst v53  }
0x132: {  	v58 =	vmul.f32 v41, v41;
	v31 =	vmovc v0;
	v0 =	vld [tilespmem:s14+$0x2080];
	v60 =	vmul.f32 v55, v55;
	v1 =	vadd.f32 v3, v1  }
0x133: {  	v34 =	vmovc v57;
	v35 =	vmov v2;
	v2 =	vld [tilespmem:s14+$0x2180];
	v57 =	vmul.f32 v49, v62;
	v10 =	vmul.f32 v45, v45  }
0x134: {  	v33 =	vmovc v59;
	v59 =	vld [tilespmem:s14+$0x2280];
	v11 =	vmul.f32 v40, v40;
	v53 =	vmul.f32 v56, v56;
	v61 =	vmax.f32 v1, $1.000000000e-30  }
0x135: {  	v38 =	vmovc v6;
	v9 =	vld [tilespmem:s14+$0x2100];
	v10 =	vadd.f32 v10, v37;
	v37 =	vmovc v7;
	v6 =	vshra.s32 v61, $0x1;
	v7 =	vmul.f32 $5.000000000e-01, v61  }
0x136: {  	v11 =	vadd.f32 v58, v11;
	v58 =	vld [tilespmem:s14+$0x2200];
	v3 =	vmul.f32 v50, v51;
	v6 =	vsub.s32 $0x5F3759DF, v6  }
0x137: {  	v53 =	vadd.f32 v53, v60;
	v60 =	vld [tilespmem:s19+$0x0];
	[tilespmem:s1+$0xC000] =	vst v57;
	v51 =	vmul.f32 v5, v5;
	v57 =	vmul.f32 v6, v7;
	_ =	sdelay $0x1  }
0x138: {  	v51 =	vadd.f32 v51, v54;
	v57 =	vmul.f32 v6, v57  }
0x139: {  	v10 =	vadd.f32 v10, v11  }
0x13a: {  	v11 =	vadd.f32 v51, v53;
	v51 =	vsub.f32 $1.500000000e+00, v57;
	v57 =	vld [tilespmem:$0x1FE50]  }
0x13b: {  	v3 =	vmul.f32 v3, v50  }
0x13c: {  	v43 =	vmov v63;
	v62 =	vmul.f32 v4, v4;
	v1 =	vmul.f32 v0, v0  }
0x13d: {  	v63 =	vmovc v46;
	v46 =	vmovc v8;
	v54 =	vmul.f32 v2, v2;
	v8 =	vmul.f32 v9, v9;
	v3 =	vsub.f32 $1.500000000e+00, v3  }
0x13e: {  	[tilespmem:$0x1FE20] =	vst v63;
	v63 =	vmul.f32 v59, v59;
	v1 =	vadd.f32 v1, v62  }
0x13f: {  	v8 =	vadd.f32 v54, v8;
	v53 =	vmul.f32 v49, v57;
	v57 =	vmul.f32 v3, v50;
	v3 =	vld [tilespmem:$0x1FDC0]  }
0x140: {  	v14 =	vmov v12  }
0x141: {  	v62 =	vmul.f32 v58, v58;
	v1 =	vadd.f32 v8, v1;
	v8 =	vmul.f32 v49, v14  }
0x142: {  	v12 =	vmul.f32 v52, v52;
	v54 =	vmul.f32 v60, v60;
	[tilespmem:s16+$0xC000] =	vst v53  }
0x143: {  	v62 =	vadd.f32 v63, v62;
	v63 =	vmov v29;
	v29 =	vmov v5;
	[tilespmem:s31+$0xE000] =	vst v8;
	v8 =	vld [tilespmem:$0x1FE60]  }
0x144: {  	v5 =	vadd.f32 v54, v12;
	[tilespmem:$0x1FE50] =	vst v63;
	v63 =	vmul.f32 v6, v51;
	v3 =	vmul.f32 v49, v3  }
0x145: {  	v54 =	vmul.f32 v49, v17  }
0x146: {  	v12 =	vmovc v30;
	v30 =	vmov v4;
	v4 =	vadd.f32 v5, v62;
	v7 =	vmul.f32 v63, v7;
	[tilespmem:s31+$0xE280] =	vst v3;
	v3 =	vld [tilespmem:$0x1FDE0]  }
0x147: {  	v62 =	vmul.f32 v49, v13  }
0x148: {  	[tilespmem:s31+$0xE080] =	vst v54;
	v54 =	vadd.f32 v4, v1;
	v4 =	vmul.f32 v7, v63;
	v7 =	vld [tilespmem:$0x1FFE0];
	v8 =	vmul.f32 v49, v8  }
0x149: {  	[tilespmem:s31+$0xE200] =	vst v62;
	v62 =	vld [tilespmem:$0x1FE10]  }
0x14a: {  	[tilespmem:s31+$0xE180] =	vst v8;
	v8 =	vld [tilespmem:$0x1FFF0]  }
0x14b: {  	p0 =	slt.u32 s8, $0x3E0;
	v10 =	vadd.f32 v11, v10;
	v11 =	vmov v47;
	v47 =	vmul.f32 v49, v3;
	v3 =	vld [tilespmem:$0x1FDF0]  }
.Ltmp5:
0x14c: {  	v14 =	vmovc v15;
	v17 =	vmov v20;
	v15 =	vmov v16;
	v5 =	vmul.f32 v49, v48;
	(pc) =	sbr.rel @p0 .LBB2_4-.Ltmp5, $4  }
0x14d: {  	s25 =	smov.u32 s23;
	s26 =	smov.u32 s10;
	s13 =	smov.u32 s22;
	v16 =	vmovc v32;
	v32 =	vmovc v9;
	v20 =	vmov v52;
	v50 =	vmul.f32 v57, v39;
	v53 =	vmul.f32 v49, v19  }
0x14e: {  	s24 =	smov.u32 s21;
	s1 =	smov.u32 s5;
	s5 =	smov.u32 s20;
	v6 =	vmovc v21;
	[tilespmem:s31+$0xE100] =	vst v5;
	v39 =	vadd.f32 v54, v10;
	v54 =	vmov v36;
	v5 =	vmul.f32 v57, v7  }
0x14f: {  	v9 =	vld [tilespmem:$0x1FDD0];
	v21 =	vmovc v0;
	s16 =	smov.u32 s28;
	s28 =	smov.u32 s7;
	v19 =	vmovc v23;
	v23 =	vmov v24;
	vm15 =	vgt.f32 v50, $9.999999960e-13;
	v48 =	vsub.f32 $1.500000000e+00, v4;
	[tilespmem:$0x1FE60] =	vst v54;
	s31 =	smov.u32 s3  }
0x150: {  	v39 =	vmax.f32 v39, $1.000000000e-30;
	v36 =	vmovc v2;
	v13 =	vmovc v62;
	s3 =	smov.u32 s14;
	[tilespmem:s12+$0xC000] =	vst v53;
	s12 =	smov.u32 s9;
	s9 =	smov.u32 s18;
	v49 =	vsel vm15, v5, v8;
	v5 =	vld [tilespmem:$0x1FE00];
	v10 =	vmov v3  }
0x151: {  	v0 =	vmul.f32 v48, v63;
	_ =	sdelay $0x1  }
0x152: {  	v2 =	vmul.f32 v0, v61  }
0x153: {  	v1 =	vmul.f32 v49, v50;
	v3 =	vmul.f32 v0, v7  }
0x154: {  	vm1 =	vgt.f32 v2, $9.999999960e-13  }
0x155: {  	vm0 =	vgt.f32 v1, $1.000000000e+00;
	v3 =	vsel vm1, v3, v8  }
0x156: {  	v1 =	vsel vm0, v57, v49;
	v2 =	vmul.f32 v3, v2  }
0x157: {  	v4 =	vmul.f32 v1, v17  }
0x158: {  	[tilespmem:s0+$0xC000] =	vst v47;
	v5 =	vmul.f32 v1, v5;
	vm13 =	vgt.f32 v2, $1.000000000e+00  }
0x159: {  	v6 =	vmul.f32 v1, v6;
	[tilespmem:s31+$0xC000] =	vst v4;
	v0 =	vsel vm13, v0, v3  }
0x15a: {  	v4 =	vld [tilespmem:$0x1FE30];
	[tilespmem:s31+$0xC080] =	vst v5;
	v3 =	vmul.f32 v0, v23  }
0x15b: {  	v50 =	vld [tilespmem:$0x1FE40];
	[tilespmem:s31+$0xC100] =	vst v6;
	v53 =	vmul.f32 v0, v25  }
0x15c: {  	v57 =	vmul.f32 v0, v19;
	[tilespmem:s3+$0xC010] =	vst v3  }
0x15d: {  	v61 =	vmul.f32 v0, v26;
	[tilespmem:s3+$0xC090] =	vst v53  }
0x15e: {  	v62 =	vmul.f32 v0, v27;
	[tilespmem:s3+$0xC110] =	vst v57  }
0x15f: {  	v63 =	vmul.f32 v0, v18;
	[tilespmem:s3+$0xC190] =	vst v61  }
0x160: {  	v17 =	vmul.f32 v0, v42;
	[tilespmem:s3+$0xC210] =	vst v62  }
0x161: {  	v4 =	vmul.f32 v1, v4;
	[tilespmem:s3+$0xC290] =	vst v63  }
0x162: {  	v18 =	vmul.f32 v0, v43;
	[tilespmem:s25+$0xC000] =	vst v17  }
0x163: {  	v2 =	vmul.f32 v1, v50;
	[tilespmem:s31+$0xC180] =	vst v4  }
0x164: {  	v19 =	vmul.f32 v0, v22;
	[tilespmem:s26+$0xC000] =	vst v18  }
0x165: {  	v22 =	vmul.f32 v0, v28;
	[tilespmem:s31+$0xC200] =	vst v2  }
0x166: {  	v51 =	vshra.s32 v39, $0x1;
	v52 =	vmul.f32 $5.000000000e-01, v39;
	v23 =	vmul.f32 v0, v33;
	[tilespmem:s3+$0xE010] =	vst v19  }
0x167: {  	v54 =	vsub.s32 $0x5F3759DF, v51;
	v24 =	vmul.f32 v0, v31;
	[tilespmem:s3+$0xE090] =	vst v22  }
0x168: {  	v25 =	vmul.f32 v0, v34;
	v4 =	vmul.f32 v54, v52;
	[tilespmem:s3+$0xE110] =	vst v23  }
0x169: {  	v26 =	vmul.f32 v0, v35;
	[tilespmem:s3+$0xE190] =	vst v24  }
0x16a: {  	v27 =	vmul.f32 v0, v38;
	[tilespmem:s3+$0xE210] =	vst v25;
	v4 =	vmul.f32 v54, v4  }
0x16b: {  	v0 =	vmul.f32 v0, v37;
	[tilespmem:s3+$0xE290] =	vst v26  }
0x16c: {  	v31 =	vmul.f32 v1, v14;
	[tilespmem:s13+$0xC000] =	vst v27;
	v4 =	vsub.f32 $1.500000000e+00, v4  }
0x16d: {  	[tilespmem:s24+$0xC000] =	vst v0  }
0x16e: {  	v0 =	vld [tilespmem:$0x1FE20];
	[tilespmem:s31+$0xC280] =	vst v31;
	v2 =	vmul.f32 v54, v4  }
0x16f: {  	v3 =	vld [tilespmem:$0x1FE50]  }
0x170: {  	v5 =	vmul.f32 v2, v52;
	_ =	sdelay $0x1  }
0x171: {  	v5 =	vmul.f32 v5, v2  }
0x172: {  	v0 =	vmul.f32 v1, v0  }
0x173: {  	v3 =	vmul.f32 v1, v3;
	v28 =	vsub.f32 $1.500000000e+00, v5  }
0x174: {  	v33 =	vmul.f32 v1, v12;
	[tilespmem:s1+$0xC000] =	vst v0  }
0x175: {  	[tilespmem:s16+$0xC000] =	vst v3;
	v2 =	vmul.f32 v28, v2  }
0x176: {  	[tilespmem:s31+$0xE000] =	vst v33  }
0x177: {  	v6 =	vld [tilespmem:$0x1FE60];
	v4 =	vmul.f32 v2, v39  }
0x178: {  	v34 =	vmul.f32 v1, v15;
	v35 =	vmul.f32 v2, v7  }
0x179: {  	v37 =	vmul.f32 v1, v16;
	vm14 =	vgt.f32 v4, $9.999999960e-13  }
0x17a: {  	v42 =	vmul.f32 v1, v11;
	[tilespmem:s31+$0xE080] =	vst v34;
	v38 =	vsel vm14, v35, v8  }
0x17b: {  	[tilespmem:s31+$0xE100] =	vst v37;
	v39 =	vmul.f32 v1, v13;
	v4 =	vmul.f32 v38, v4  }
0x17c: {  	[tilespmem:s31+$0xE280] =	vst v42;
	v6 =	vmul.f32 v1, v6  }
0x17d: {  	v43 =	vmul.f32 v1, v10;
	[tilespmem:s31+$0xE200] =	vst v39;
	vm15 =	vgt.f32 v4, $1.000000000e+00  }
0x17e: {  	v1 =	vmul.f32 v1, v9;
	[tilespmem:s31+$0xE180] =	vst v6;
	v2 =	vsel vm15, v2, v38  }
0x17f: {  	[tilespmem:s12+$0xC000] =	vst v43;
	v47 =	vmul.f32 v2, v40  }
0x180: {  	[tilespmem:s17+$0xC000] =	vst v1;
	v48 =	vmul.f32 v2, v41  }
0x181: {  	v3 =	vmul.f32 v2, v44;
	[tilespmem:s3+$0xC000] =	vst v47  }
0x182: {  	v49 =	vmul.f32 v2, v45;
	[tilespmem:s3+$0xC080] =	vst v48  }
0x183: {  	v50 =	vmul.f32 v2, v55;
	[tilespmem:s3+$0xC100] =	vst v3  }
0x184: {  	v51 =	vmul.f32 v2, v56;
	[tilespmem:s3+$0xC180] =	vst v49  }
0x185: {  	v52 =	vmul.f32 v2, v46;
	[tilespmem:s3+$0xC200] =	vst v50  }
0x186: {  	v53 =	vmul.f32 v2, v29;
	[tilespmem:s3+$0xC280] =	vst v51  }
0x187: {  	v54 =	vmul.f32 v2, v30;
	[tilespmem:s5+$0xC000] =	vst v52  }
0x188: {  	v55 =	vmul.f32 v2, v21;
	[tilespmem:s28+$0xC000] =	vst v53  }
0x189: {  	v56 =	vmul.f32 v2, v32;
	[tilespmem:s3+$0xE000] =	vst v54  }
0x18a: {  	v57 =	vmul.f32 v2, v36;
	[tilespmem:s3+$0xE080] =	vst v55  }
0x18b: {  	v58 =	vmul.f32 v2, v58;
	[tilespmem:s3+$0xE100] =	vst v56  }
0x18c: {  	v61 =	vmul.f32 v2, v59;
	[tilespmem:s3+$0xE180] =	vst v57  }
0x18d: {  	v62 =	vmul.f32 v2, v20;
	[tilespmem:s3+$0xE200] =	vst v58  }
0x18e: {  	v63 =	vmul.f32 v2, v60;
	[tilespmem:s3+$0xE280] =	vst v61  }
0x18f: {  	s2 =	simm.s32 $0x7A1400;
	s25 =	sshll.u32 s4, $0xA;
	s26 =	rddreg [dreg:$0x2];
	[tilespmem:s9+$0xC000] =	vst v62  }
0x190: {  	s0 =	sadd.s32 s26, s25;
	s31 =	simm.s32 $0xC000;
	s28 =	simm.s32 $0x2000;
	[tilespmem:s19+$0xC000] =	vst v63  }
0x191: {  	[hbm4b:s0+s28] =	stream.strided.scatter [tilespmem:s31], [sflag:$0x4], $0x4000, s2, s28, $0x38;
	[tilespmem:$0x18080] =	vst v63  }
0x192: {  	s0 =	sadd.s32 $0x3, s30  }
0x193: {  	p0 =	sge.u32 s0, s6  }
0x194: {  	s1 =	rddreg [dreg:$0x6];
	s0 =	sshll.u32 @!p0 s0, $0xF;
	s2 =	simm.s32 @!p0 $0x7A1400  }
0x195: {  	s3 =	simm.s32 @!p0 $0x0;
	s0 =	sadd.s32 @!p0 s0, s1;
	s1 =	simm.s32 @!p0 $0x2000  }
0x196: {  	[tilespmem:s3], [sflag:$0x1] =	stream.strided.gather @!p0 [hbm4b:s0+s1], $0x4000, s2, s1, $0x38;
	[tilespmem:$0x18080] =	vst v63  }
.LBB2_6:
0x197: {  	s19 =	sadd.s32 $0x1, s30  }
0x198: {  	p0 =	sge.u32 s19, s6  }
.Ltmp6:
0x199: {  	_ = 	snop;
	(pc) =	sbr.rel @p0 .LBB2_10-.Ltmp6, $1  }
0x19a: {  	_ =	sdelay $0x3  }
0x19b: {  	s0 =	simm.s32 $0x2  }
0x19c: {  	_ =	swait.ge [sflag:s0], $0x4000  }
0x19d: {  	p0 =	seq.s32 s29, $0x0;
	[sflag:s0] =	ssyncset.done $0x0  }
0x19e: {  	[sflag:s0] =	ssyncadd.s32 $0xFFFFC000;
	s0 =	simm.s32 @!p0 $0x5  }
0x19f: {  	s1 =	simm.s32 $0x0;
	s2 =	simm.s32 $0x0;
	_ =	swait.ge @!p0 [sflag:s0], $0x4000  }
0x1a0: {  	s3 =	sand.u32 $0x60, s2;
	s4 =	sand.u32 $0x1C00, s1;
	[sflag:s0] =	ssyncset.done @!p0 $0x0  }
0x1a1: {  	s23 =	sor.u32 s3, s4;
	[sflag:s0] =	ssyncadd.s32 @!p0 $0xFFFFC000  }
0x1a2: {  	v34 =	vld [tilespmem:s23+$0x4010]  }
0x1a3: {  	v35 =	vld [tilespmem:s23+$0x4090]  }
0x1a4: {  	v39 =	vld [tilespmem:s23+$0x4110]  }
0x1a5: {  	v31 =	vld [tilespmem:s23+$0x4190]  }
0x1a6: {  	v33 =	vld [tilespmem:s23+$0x4210]  }
0x1a7: {  	s9 =	sand.u32 $0x3, s1;
	v44 =	vld [tilespmem:s23+$0x4290]  }
0x1a8: {  	s0 =	sshll.u32 s9, $0x5;
	v46 =	vld [tilespmem:s23+$0x6010]  }
0x1a9: {  	v47 =	vld [tilespmem:s23+$0x6090];
	s0 =	sadd.s32 $0x0, s0  }
0x1aa: {  	v48 =	vld [tilespmem:s23+$0x6110];
	s10 =	sadd.s32 $0x10, s0  }
0x1ab: {  	v52 =	vld [tilespmem:s23+$0x6190];
	s5 =	sor.u32 $0x2380, s10  }
0x1ac: {  	v17 =	vld [tilespmem:s5+$0x4000]  }
0x1ad: {  	v51 =	vld [tilespmem:s23+$0x6210]  }
0x1ae: {  	v53 =	vld [tilespmem:s23+$0x6290];
	s21 =	sor.u32 $0x300, s10  }
0x1af: {  	s13 =	sor.u32 $0x380, s10;
	v40 =	vld [tilespmem:s21+$0x4000]  }
0x1b0: {  	s9 =	sor.u32 $0x2300, s10;
	v38 =	vld [tilespmem:s13+$0x4000]  }
0x1b1: {  	s18 =	sor.u32 $0x300, s0;
	v57 =	vld [tilespmem:s9+$0x4000];
	[tilespmem:$0x1FC90] =	vst v17  }
0x1b2: {  	v14 =	vld [tilespmem:s18+$0x4000];
	_ =	sdelay $0x4  }
0x1b3: {  	s4 =	sor.u32 $0x2300, s0;
	[tilespmem:$0x1FD10] =	vst v14  }
0x1b4: {  	v13 =	vld [tilespmem:s4+$0x4000];
	_ =	sdelay $0x4  }
0x1b5: {  	[tilespmem:$0x1FDA0] =	vst v13  }
0x1b6: {  	v23 =	vld [tilespmem:s23+$0x4000];
	_ =	sdelay $0x4  }
0x1b7: {  	[tilespmem:$0x1FCB0] =	vst v23  }
0x1b8: {  	v24 =	vld [tilespmem:s23+$0x4080];
	_ =	sdelay $0x4  }
0x1b9: {  	[tilespmem:$0x1FCC0] =	vst v24  }
0x1ba: {  	v20 =	vld [tilespmem:s23+$0x4100];
	_ =	sdelay $0x4  }
0x1bb: {  	[tilespmem:$0x1FCD0] =	vst v20  }
0x1bc: {  	v22 =	vld [tilespmem:s23+$0x4180];
	_ =	sdelay $0x4  }
0x1bd: {  	[tilespmem:$0x1FCE0] =	vst v22  }
0x1be: {  	v21 =	vld [tilespmem:s23+$0x4200];
	_ =	sdelay $0x4  }
0x1bf: {  	[tilespmem:$0x1FCF0] =	vst v21  }
0x1c0: {  	v19 =	vld [tilespmem:s23+$0x4280];
	_ =	sdelay $0x3  }
0x1c1: {  	s11 =	sor.u32 s2, s1  }
0x1c2: {  	s20 =	sor.u32 $0x380, s11;
	[tilespmem:$0x1FD00] =	vst v19  }
0x1c3: {  	v15 =	vld [tilespmem:s20+$0x4000];
	_ =	sdelay $0x4  }
0x1c4: {  	[tilespmem:$0x1FD20] =	vst v15  }
0x1c5: {  	v18 =	vld [tilespmem:s23+$0x6000];
	_ =	sdelay $0x4  }
0x1c6: {  	[tilespmem:$0x1FD30] =	vst v18  }
0x1c7: {  	v16 =	vld [tilespmem:s23+$0x6080];
	_ =	sdelay $0x3  }
0x1c8: {  	v4 =	vmul.f32 v33, v33;
	v5 =	vmul.f32 v44, v44  }
0x1c9: {  	[tilespmem:$0x1FD40] =	vst v16  }
0x1ca: {  	v4 =	vadd.f32 v5, v4;
	v5 =	vmul.f32 v17, v17;
	v17 =	vld [tilespmem:s23+$0x6100];
	_ =	sdelay $0x1  }
0x1cb: {  	v6 =	vmul.f32 v46, v46;
	v7 =	vmul.f32 v47, v47  }
0x1cc: {  	v8 =	vmul.f32 v48, v48;
	v9 =	vmul.f32 v52, v52  }
0x1cd: {  	v10 =	vmul.f32 v51, v51;
	v11 =	vmul.f32 v53, v53  }
0x1ce: {  	v6 =	vadd.f32 v7, v6;
	[tilespmem:$0x1FD50] =	vst v17  }
0x1cf: {  	v7 =	vadd.f32 v9, v8;
	v8 =	vadd.f32 v11, v10;
	v11 =	vld [tilespmem:s23+$0x6180];
	_ =	sdelay $0x2  }
0x1d0: {  	v0 =	vmul.f32 v34, v34;
	v1 =	vmul.f32 v35, v35  }
0x1d1: {  	v12 =	vmul.f32 v40, v40;
	v49 =	vmul.f32 v38, v38  }
0x1d2: {  	[tilespmem:$0x1FD60] =	vst v11  }
0x1d3: {  	v0 =	vadd.f32 v1, v0;
	v1 =	vadd.f32 v49, v12;
	v12 =	vld [tilespmem:s23+$0x6200];
	_ =	sdelay $0x2  }
0x1d4: {  	v2 =	vmul.f32 v39, v39  }
0x1d5: {  	v3 =	vmul.f32 v31, v31;
	v50 =	vmul.f32 v57, v57  }
0x1d6: {  	[tilespmem:$0x1FD70] =	vst v12  }
0x1d7: {  	v2 =	vadd.f32 v3, v2;
	v3 =	vadd.f32 v5, v50;
	v5 =	vmul.f32 v14, v14;
	v14 =	vld [tilespmem:s23+$0x6280];
	_ =	sdelay $0x4  }
0x1d8: {  	s0 =	sor.u32 $0x2380, s11;
	[tilespmem:$0x1FD80] =	vst v14  }
0x1d9: {  	v54 =	vadd.f32 v7, v6;
	v6 =	vmul.f32 v13, v13;
	v13 =	vld [tilespmem:s0+$0x4000];
	_ =	sdelay $0x1  }
0x1da: {  	v0 =	vadd.f32 v2, v0  }
0x1db: {  	s12 =	simm.s32 $0x20;
	s16 =	simm.s32 $0x100;
	v1 =	vadd.f32 v1, v4;
	v3 =	vadd.f32 v3, v8  }
0x1dc: {  	s17 =	sand.u32 $0x60, s12;
	s8 =	sand.u32 $0x1C00, s16  }
0x1dd: {  	s31 =	sor.u32 s17, s8;
	v0 =	vadd.f32 v1, v0;
	v55 =	vadd.f32 v3, v54;
	[tilespmem:$0x1FDB0] =	vst v13  }
0x1de: {  	v4 =	vmul.f32 v23, v23;
	v7 =	vmul.f32 v24, v24;
	v42 =	vld [tilespmem:s31+$0x4010]  }
0x1df: {  	v0 =	vadd.f32 v55, v0;
	v8 =	vmul.f32 v20, v20;
	v59 =	vmul.f32 v15, v15;
	v43 =	vld [tilespmem:s31+$0x4090]  }
0x1e0: {  	v4 =	vadd.f32 v7, v4;
	v56 =	vmul.f32 v22, v22;
	v58 =	vmul.f32 v21, v21;
	v61 =	vld [tilespmem:s31+$0x4110]  }
0x1e1: {  	v7 =	vmul.f32 v19, v19;
	v1 =	vadd.f32 v59, v5;
	v5 =	vmul.f32 v11, v11;
	v62 =	vld [tilespmem:s31+$0x4190]  }
0x1e2: {  	v32 =	vmax.f32 v0, $1.000000000e-30;
	v11 =	vmul.f32 v12, v12;
	v12 =	vmul.f32 v14, v14;
	v14 =	vld [tilespmem:s31+$0x6190]  }
0x1e3: {  	v9 =	vmul.f32 $5.000000000e-01, v32;
	v63 =	vld [tilespmem:s31+$0x4210]  }
0x1e4: {  	s22 =	simm.s32 $0x1;
	v2 =	vadd.f32 v56, v8;
	v3 =	vadd.f32 v7, v58;
	v8 =	vmul.f32 v18, v18;
	v36 =	vld [tilespmem:s31+$0x4290]  }
0x1e5: {  	s1 =	sand.u32 $0x3, s22;
	v7 =	vshra.s32 v32, $0x1;
	v41 =	vmul.f32 v16, v16;
	v10 =	vmul.f32 v17, v17;
	v54 =	vld [tilespmem:s31+$0x6010]  }
0x1e6: {  	s1 =	sshll.u32 s1, $0x5;
	v7 =	vsub.s32 $0x5F3759DF, v7;
	v13 =	vmul.f32 v13, v13;
	v50 =	vld [tilespmem:s31+$0x6090]  }
0x1e7: {  	s24 =	sadd.s32 $0x100, s1;
	v0 =	vadd.f32 v41, v8;
	v8 =	vmul.f32 v7, v9;
	v5 =	vadd.f32 v5, v10;
	v49 =	vld [tilespmem:s31+$0x6110];
	[tilespmem:$0x1FCA0] =	vst v14  }
0x1e8: {  	s1 =	sadd.s32 $0x10, s24;
	v10 =	vadd.f32 v12, v11;
	v6 =	vadd.f32 v13, v6;
	v56 =	vld [tilespmem:s31+$0x6210]  }
0x1e9: {  	s28 =	sor.u32 $0x300, s1;
	v2 =	vadd.f32 v2, v4;
	v1 =	vadd.f32 v1, v3;
	v3 =	vmul.f32 v7, v8;
	v55 =	vld [tilespmem:s31+$0x6290]  }
0x1ea: {  	s15 =	sor.u32 $0x380, s1;
	v0 =	vadd.f32 v5, v0;
	v4 =	vadd.f32 v6, v10;
	v5 =	vmul.f32 v42, v42;
	v37 =	vld [tilespmem:s28+$0x4000]  }
0x1eb: {  	s14 =	sor.u32 $0x2300, s1;
	v1 =	vadd.f32 v1, v2;
	v2 =	vmul.f32 v43, v43;
	v6 =	vmul.f32 v61, v61;
	v41 =	vld [tilespmem:s15+$0x4000]  }
0x1ec: {  	s22 =	sor.u32 $0x2380, s1;
	v0 =	vadd.f32 v4, v0;
	v4 =	vmul.f32 v62, v62;
	v8 =	vmul.f32 v63, v63;
	v59 =	vld [tilespmem:s14+$0x4000]  }
0x1ed: {  	v10 =	vmul.f32 v36, v36;
	v11 =	vmul.f32 v54, v54;
	v60 =	vld [tilespmem:s22+$0x4000]  }
0x1ee: {  	v45 =	vmul.f32 v50, v50;
	v12 =	vmul.f32 v49, v49;
	v0 =	vadd.f32 v0, v1  }
0x1ef: {  	v13 =	vmul.f32 v14, v14;
	v2 =	vadd.f32 v2, v5;
	v4 =	vadd.f32 v4, v6  }
0x1f0: {  	v8 =	vadd.f32 v10, v8;
	v14 =	vmul.f32 v56, v56;
	v5 =	vmul.f32 v55, v55  }
0x1f1: {  	v1 =	vadd.f32 v45, v11;
	v6 =	vmul.f32 v37, v37;
	v10 =	vmul.f32 v41, v41  }
0x1f2: {  	v12 =	vadd.f32 v13, v12;
	v11 =	vmul.f32 v59, v59;
	v13 =	vmul.f32 v60, v60  }
0x1f3: {  	v3 =	vsub.f32 $1.500000000e+00, v3;
	v5 =	vadd.f32 v5, v14  }
0x1f4: {  	v6 =	vadd.f32 v10, v6;
	v10 =	vadd.f32 v13, v11  }
0x1f5: {  	s1 =	sor.u32 $0x300, s24;
	v4 =	vadd.f32 v4, v2;
	v1 =	vadd.f32 v12, v1  }
0x1f6: {  	v3 =	vmul.f32 v7, v3;
	v58 =	vld [tilespmem:s1+$0x4000];
	v6 =	vadd.f32 v6, v8;
	v5 =	vadd.f32 v10, v5  }
0x1f7: {  	v17 =	vld [tilespmem:s31+$0x4000];
	v30 =	vmax.f32 v0, $1.000000000e-30  }
0x1f8: {  	v12 =	vld [tilespmem:s31+$0x4280];
	v4 =	vadd.f32 v6, v4;
	v1 =	vadd.f32 v5, v1;
	v6 =	vmul.f32 v3, v9  }
0x1f9: {  	v45 =	vmul.f32 $5.000000000e-01, v30;
	v11 =	vld [tilespmem:s31+$0x4080];
	v5 =	vshra.s32 v30, $0x1  }
0x1fa: {  	v13 =	vld [tilespmem:s31+$0x4180];
	v7 =	vsub.s32 $0x5F3759DF, v5;
	v1 =	vadd.f32 v1, v4;
	v5 =	vmul.f32 v6, v3  }
0x1fb: {  	v8 =	vld [tilespmem:s31+$0x4100]  }
0x1fc: {  	s2 =	sor.u32 s12, s16;
	s12 =	sor.u32 $0x2300, s24;
	v14 =	vld [tilespmem:s31+$0x4200];
	v4 =	vmul.f32 v7, v45;
	v29 =	vmax.f32 v1, $1.000000000e-30;
	v5 =	vsub.f32 $1.500000000e+00, v5  }
0x1fd: {  	v10 =	vld [tilespmem:s12+$0x4000];
	v6 =	vshra.s32 v29, $0x1  }
0x1fe: {  	v4 =	vmul.f32 v7, v4;
	v23 =	vmul.f32 v5, v3;
	v3 =	vld [tilespmem:s31+$0x6000]  }
0x1ff: {  	s16 =	sor.u32 $0x380, s2;
	v27 =	vmul.f32 $5.000000000e-01, v29;
	v5 =	vld [tilespmem:s31+$0x6080]  }
0x200: {  	v0 =	vsub.s32 $0x5F3759DF, v6;
	v6 =	vmov v8;
	v8 =	vsub.f32 $1.500000000e+00, v4;
	v4 =	vld [tilespmem:s16+$0x4000];
	[tilespmem:$0x1FC30] =	vst v11  }
0x201: {  	v25 =	vmul.f32 v58, v58;
	v9 =	vmul.f32 v0, v27;
	[tilespmem:$0x1FC40] =	vst v58  }
0x202: {  	v11 =	vmul.f32 v11, v11;
	v15 =	vld [tilespmem:s31+$0x6100];
	[tilespmem:$0x1FC50] =	vst v13;
	v24 =	vmul.f32 v7, v8  }
0x203: {  	[tilespmem:$0x1FC60] =	vst v14;
	v7 =	vmul.f32 v0, v9;
	v9 =	vmul.f32 v17, v17  }
0x204: {  	v19 =	vmul.f32 v12, v12;
	v21 =	vmul.f32 v14, v14;
	v16 =	vld [tilespmem:s31+$0x6180]  }
0x205: {  	v58 =	vmul.f32 v6, v6;
	v14 =	vld [tilespmem:s31+$0x6200];
	v26 =	vadd.f32 v11, v9;
	v9 =	vmul.f32 v13, v13;
	[tilespmem:$0x1FC70] =	vst v4  }
0x206: {  	s17 =	sor.u32 $0x2380, s2;
	v20 =	vsub.f32 $1.500000000e+00, v7;
	v7 =	vmul.f32 v4, v4;
	v13 =	vld [tilespmem:s31+$0x6280];
	[tilespmem:$0x1FC80] =	vst v3  }
0x207: {  	v19 =	vadd.f32 v19, v21;
	v18 =	vmul.f32 v3, v3;
	v22 =	vadd.f32 v9, v58;
	v9 =	vld [tilespmem:s17+$0x4000]  }
0x208: {  	v58 =	vmul.f32 v5, v5;
	v0 =	vmul.f32 v0, v20;
	v21 =	vadd.f32 v7, v25;
	v7 =	vld [tilespmem:$0x1FFE0]  }
0x209: {  	v25 =	vmul.f32 v15, v15;
	v22 =	vadd.f32 v22, v26;
	v26 =	vmul.f32 v16, v16  }
0x20a: {  	v8 =	vld [tilespmem:$0x1FFF0];
	v20 =	vmul.f32 v24, v45;
	v45 =	vmul.f32 v10, v10;
	v28 =	vadd.f32 v58, v18  }
0x20b: {  	v18 =	vmul.f32 v23, v32;
	v25 =	vadd.f32 v26, v25;
	v26 =	vmul.f32 v14, v14  }
0x20c: {  	v32 =	vmul.f32 v13, v13;
	v58 =	vmul.f32 v9, v9  }
0x20d: {  	v19 =	vadd.f32 v21, v19;
	v21 =	vmul.f32 v0, v27;
	v27 =	vmul.f32 v23, v7  }
0x20e: {  	vm0 =	vgt.f32 v18, $9.999999960e-13;
	v26 =	vadd.f32 v32, v26;
	v1 =	vadd.f32 v58, v45  }
0x20f: {  	v20 =	vmul.f32 v20, v24;
	v21 =	vmul.f32 v21, v0;
	v27 =	vsel vm0, v27, v8  }
0x210: {  	v25 =	vadd.f32 v25, v28;
	v18 =	vmul.f32 v27, v18;
	v1 =	vadd.f32 v1, v26  }
0x211: {  	v20 =	vsub.f32 $1.500000000e+00, v20;
	v19 =	vadd.f32 v19, v22  }
0x212: {  	vm11 =	vgt.f32 v18, $1.000000000e+00;
	v18 =	vsub.f32 $1.500000000e+00, v21;
	v1 =	vadd.f32 v1, v25  }
0x213: {  	v26 =	vsel vm11, v23, v27;
	v27 =	vmul.f32 v20, v24  }
0x214: {  	v0 =	vmul.f32 v18, v0;
	v21 =	vmul.f32 v26, v34;
	v1 =	vadd.f32 v1, v19  }
0x215: {  	v22 =	vmul.f32 v26, v35;
	v23 =	vmul.f32 v26, v39  }
0x216: {  	s8 =	simm.s32 $0x40;
	s11 =	simm.s32 $0x200;
	v25 =	vmul.f32 v26, v31;
	v28 =	vmul.f32 v26, v33;
	v1 =	vmax.f32 v1, $1.000000000e-30  }
0x217: {  	s25 =	sand.u32 $0x60, s8;
	s26 =	sand.u32 $0x1C00, s11;
	v31 =	vmul.f32 v26, v44;
	v34 =	vmul.f32 v26, v40;
	[tilespmem:$0x1FD90] =	vst v1  }
0x218: {  	s3 =	sor.u32 s25, s26;
	v35 =	vmul.f32 v26, v38;
	v38 =	vmul.f32 v26, v46;
	[tilespmem:s23+$0x10010] =	vst v21  }
0x219: {  	v40 =	vmul.f32 v26, v48;
	v24 =	vmul.f32 v0, v29;
	v3 =	vld [tilespmem:s3+$0x4010];
	[tilespmem:s23+$0x10090] =	vst v22  }
0x21a: {  	v44 =	vmul.f32 v26, v52;
	v48 =	vmul.f32 v0, v7;
	v4 =	vld [tilespmem:s3+$0x4090];
	[tilespmem:s23+$0x10110] =	vst v23  }
0x21b: {  	v46 =	vmul.f32 v26, v51;
	v51 =	vmul.f32 v26, v57;
	vm12 =	vgt.f32 v24, $9.999999960e-13;
	v2 =	vld [tilespmem:s3+$0x4110];
	[tilespmem:s23+$0x10190] =	vst v25  }
0x21c: {  	v11 =	vmovc v5;
	v18 =	vshra.s32 v1, $0x1;
	v32 =	vmul.f32 $5.000000000e-01, v1;
	v5 =	vld [tilespmem:s3+$0x4190];
	v48 =	vsel vm12, v48, v8;
	[tilespmem:s23+$0x10210] =	vst v28  }
0x21d: {  	s2 =	simm.s32 $0x2;
	v19 =	vmul.f32 v26, v47;
	v33 =	vsub.s32 $0x5F3759DF, v18;
	v39 =	vmul.f32 v48, v24;
	v58 =	vld [tilespmem:$0x1FC90];
	[tilespmem:s23+$0x10290] =	vst v31  }
0x21e: {  	s10 =	sand.u32 $0x3, s2;
	v30 =	vmul.f32 v27, v30;
	v18 =	vld [tilespmem:s3+$0x4210];
	v29 =	vmul.f32 v33, v32;
	[tilespmem:s21+$0x10000] =	vst v34  }
0x21f: {  	s10 =	sshll.u32 s10, $0x5;
	v47 =	vmul.f32 v26, v53;
	v52 =	vmul.f32 v27, v7;
	v45 =	vld [tilespmem:s3+$0x6010];
	vm13 =	vgt.f32 v39, $1.000000000e+00;
	[tilespmem:s13+$0x10000] =	vst v35  }
0x220: {  	s7 =	sadd.s32 $0x200, s10;
	vm1 =	vgt.f32 v30, $9.999999960e-13;
	v24 =	vld [tilespmem:s3+$0x4290];
	v29 =	vmul.f32 v33, v29;
	v0 =	vsel vm13, v0, v48;
	[tilespmem:s23+$0x12010] =	vst v38  }
0x221: {  	s10 =	sadd.s32 $0x10, s7;
	v28 =	vsel vm1, v52, v8;
	v31 =	vld [tilespmem:s3+$0x6190];
	[tilespmem:s23+$0x12090] =	vst v19;
	v48 =	vmul.f32 v0, v43;
	v52 =	vmul.f32 v0, v61  }
0x222: {  	v39 =	vld [tilespmem:s3+$0x6090];
	s13 =	sor.u32 $0x2300, s10;
	[tilespmem:s23+$0x12110] =	vst v40;
	v29 =	vsub.f32 $1.500000000e+00, v29;
	v53 =	vmul.f32 v0, v62;
	v57 =	vmul.f32 v0, v63  }
0x223: {  	s26 =	sor.u32 $0x380, s10;
	[tilespmem:s23+$0x12190] =	vst v44;
	v38 =	vld [tilespmem:s13+$0x4000];
	v63 =	vmul.f32 v0, v36;
	v1 =	vmul.f32 v26, v58  }
0x224: {  	[tilespmem:s23+$0x12210] =	vst v46;
	v43 =	vld [tilespmem:s26+$0x4000];
	v58 =	vmul.f32 v33, v29;
	v29 =	vmul.f32 v28, v30  }
0x225: {  	s25 =	sor.u32 $0x300, s10;
	[tilespmem:s23+$0x12290] =	vst v47;
	v36 =	vmul.f32 v0, v37;
	v33 =	vld [tilespmem:s3+$0x6110];
	v30 =	vmul.f32 v0, v42  }
0x226: {  	s24 =	sor.u32 $0x2380, s10;
	v20 =	vmovc v3;
	v19 =	vmovc v2;
	v42 =	vld [tilespmem:s25+$0x4000];
	vm14 =	vgt.f32 v29, $1.000000000e+00;
	v29 =	vmul.f32 v3, v3;
	v3 =	vmul.f32 v4, v4  }
0x227: {  	v37 =	vld [tilespmem:s24+$0x4000];
	[tilespmem:s9+$0x10000] =	vst v51;
	v62 =	vsel vm14, v27, v28;
	v27 =	vmul.f32 v2, v2;
	v28 =	vmul.f32 v5, v5  }
0x228: {  	[tilespmem:s31+$0x10090] =	vst v48;
	v2 =	vmul.f32 v18, v18;
	v29 =	vadd.f32 v3, v29;
	v3 =	vmul.f32 v24, v24  }
0x229: {  	[tilespmem:s31+$0x10110] =	vst v52;
	v61 =	vmul.f32 v39, v39;
	v27 =	vadd.f32 v28, v27;
	v28 =	vmul.f32 v45, v45  }
0x22a: {  	v34 =	vld [tilespmem:s3+$0x6210];
	[tilespmem:s31+$0x10190] =	vst v53;
	v51 =	vadd.f32 v3, v2;
	v2 =	vmul.f32 v33, v33;
	v3 =	vmul.f32 v31, v31  }
0x22b: {  	v35 =	vld [tilespmem:s3+$0x6290];
	[tilespmem:s5+$0x10000] =	vst v1;
	v1 =	vmul.f32 v38, v38;
	v44 =	vmul.f32 v42, v42;
	v28 =	vadd.f32 v61, v28  }
0x22c: {  	v40 =	vld [tilespmem:s3+$0x4000];
	[tilespmem:s31+$0x10010] =	vst v30;
	v61 =	vmul.f32 v43, v43;
	v30 =	vadd.f32 v3, v2;
	v3 =	vmul.f32 v37, v37  }
0x22d: {  	v47 =	vld [tilespmem:s3+$0x4180];
	[tilespmem:s31+$0x10210] =	vst v57  }
0x22e: {  	v52 =	vadd.f32 v61, v44;
	v61 =	vmul.f32 v0, v41;
	v48 =	vadd.f32 v3, v1;
	v1 =	vld [tilespmem:$0x1FCA0];
	[tilespmem:s31+$0x10290] =	vst v63  }
0x22f: {  	v54 =	vmul.f32 v0, v54;
	v50 =	vmul.f32 v0, v50;
	v41 =	vld [tilespmem:s3+$0x4080];
	[tilespmem:s28+$0x10000] =	vst v36  }
0x230: {  	v46 =	vmul.f32 v34, v34;
	v26 =	vmov v39;
	v39 =	vmul.f32 v35, v35;
	v44 =	vld [tilespmem:s3+$0x4100];
	[tilespmem:s15+$0x10000] =	vst v61  }
0x231: {  	v25 =	vmovc v24;
	v24 =	vmov v45;
	v29 =	vadd.f32 v27, v29;
	v45 =	vadd.f32 v52, v51;
	[tilespmem:s31+$0x12010] =	vst v54  }
0x232: {  	v49 =	vmul.f32 v0, v49;
	v57 =	vmul.f32 v0, v56;
	v46 =	vadd.f32 v39, v46;
	v39 =	vld [tilespmem:$0x1FCB0]  }
0x233: {  	v52 =	vmul.f32 v0, v59;
	v53 =	vmul.f32 v0, v1;
	v1 =	vadd.f32 v45, v29;
	v45 =	vld [tilespmem:$0x1FCC0];
	[tilespmem:s31+$0x12090] =	vst v50  }
0x234: {  	v28 =	vadd.f32 v30, v28;
	v59 =	vmul.f32 v41, v41;
	v29 =	vmul.f32 v40, v40;
	[tilespmem:s31+$0x12110] =	vst v49  }
0x235: {  	v30 =	vadd.f32 v48, v46;
	v46 =	vmul.f32 v47, v47;
	v36 =	vmul.f32 v44, v44;
	v61 =	vld [tilespmem:$0x1FCE0]  }
0x236: {  	v22 =	vmov v5;
	v51 =	vmul.f32 v0, v55;
	v5 =	vadd.f32 v59, v29;
	v59 =	vld [tilespmem:$0x1FCD0];
	[tilespmem:s31+$0x12190] =	vst v53  }
0x237: {  	v53 =	vadd.f32 v46, v36;
	v36 =	vld [tilespmem:$0x1FCF0];
	[tilespmem:s31+$0x12210] =	vst v57  }
0x238: {  	s21 =	sor.u32 s8, s11;
	v60 =	vmul.f32 v0, v60;
	s5 =	sor.u32 $0x300, s7;
	[tilespmem:s31+$0x12290] =	vst v51  }
0x239: {  	v2 =	vld [tilespmem:s5+$0x4000];
	s28 =	sor.u32 $0x380, s21;
	v63 =	vmul.f32 v62, v39;
	[tilespmem:s14+$0x10000] =	vst v52  }
0x23a: {  	v30 =	vadd.f32 v30, v28;
	v28 =	vld [tilespmem:s28+$0x4000];
	[tilespmem:s22+$0x10000] =	vst v60  }
0x23b: {  	[tilespmem:s23+$0x10000] =	vst v63  }
0x23c: {  	v63 =	vld [tilespmem:$0x1FD00]  }
0x23d: {  	v56 =	vld [tilespmem:s3+$0x4280];
	v1 =	vadd.f32 v30, v1  }
0x23e: {  	s9 =	sor.u32 $0x2300, s7;
	v55 =	vld [tilespmem:s3+$0x4200];
	v27 =	vmov v2;
	v2 =	vmul.f32 v2, v2  }
0x23f: {  	v23 =	vmovc v18;
	v18 =	vld [tilespmem:s9+$0x4000];
	v50 =	vmul.f32 v62, v61;
	v61 =	vmax.f32 v1, $1.000000000e-30;
	v1 =	vmul.f32 v28, v28  }
0x240: {  	v48 =	vmul.f32 v58, v32;
	v32 =	vld [tilespmem:s3+$0x6100]  }
0x241: {  	v45 =	vmul.f32 v62, v45;
	v1 =	vadd.f32 v1, v2;
	v2 =	vmul.f32 v62, v63;
	v63 =	vld [tilespmem:$0x1FD10]  }
0x242: {  	v21 =	vmov v4;
	v4 =	vmov v58;
	v58 =	vld [tilespmem:s3+$0x6200];
	v49 =	vmul.f32 v62, v59  }
0x243: {  	v29 =	vld [tilespmem:s3+$0x6000];
	v57 =	vmul.f32 v55, v55;
	[tilespmem:s23+$0x10080] =	vst v45  }
0x244: {  	v30 =	vld [tilespmem:s3+$0x6080];
	v51 =	vmul.f32 v56, v56;
	v54 =	vmul.f32 v62, v36;
	[tilespmem:s23+$0x10100] =	vst v49  }
0x245: {  	v36 =	vld [tilespmem:s3+$0x6180];
	[tilespmem:s23+$0x10180] =	vst v50  }
0x246: {  	s21 =	sor.u32 $0x2380, s21;
	v51 =	vadd.f32 v51, v57;
	v59 =	vld [tilespmem:s3+$0x6280];
	[tilespmem:s23+$0x10200] =	vst v54;
	v63 =	vmul.f32 v62, v63  }
0x247: {  	v60 =	vld [tilespmem:s21+$0x4000];
	[tilespmem:s23+$0x10280] =	vst v2  }
0x248: {  	v39 =	vshra.s32 v61, $0x1;
	v1 =	vadd.f32 v1, v51;
	v51 =	vld [tilespmem:$0x1FD20];
	[tilespmem:s18+$0x10000] =	vst v63  }
0x249: {  	v57 =	vmul.f32 v30, v30;
	v52 =	vsub.s32 $0x5F3759DF, v39;
	v39 =	vmul.f32 v29, v29;
	v63 =	vld [tilespmem:$0x1FD30]  }
0x24a: {  	v49 =	vadd.f32 v53, v5;
	v53 =	vmul.f32 v32, v32;
	v45 =	vmul.f32 v36, v36  }
0x24b: {  	v50 =	vmul.f32 v58, v58;
	v3 =	vmul.f32 v59, v59  }
0x24c: {  	v54 =	vmul.f32 v18, v18;
	v53 =	vadd.f32 v45, v53;
	v45 =	vmul.f32 v60, v60  }
0x24d: {  	v46 =	vmul.f32 $5.000000000e-01, v61;
	v2 =	vadd.f32 v3, v50;
	v50 =	vmul.f32 v62, v51  }
0x24e: {  	v39 =	vadd.f32 v57, v39;
	v57 =	vadd.f32 v45, v54;
	v45 =	vmul.f32 v62, v63  }
0x24f: {  	v0 =	vmul.f32 v52, v46;
	[tilespmem:s20+$0x10000] =	vst v50  }
0x250: {  	v50 =	vld [tilespmem:$0x1FD40];
	[tilespmem:s23+$0x12000] =	vst v45  }
0x251: {  	v0 =	vmul.f32 v52, v0;
	v51 =	vld [tilespmem:$0x1FD50];
	_ =	sdelay $0x1  }
0x252: {  	v0 =	vsub.f32 $1.500000000e+00, v0;
	_ =	sdelay $0x1  }
0x253: {  	v63 =	vmul.f32 v52, v0;
	v0 =	vmul.f32 v62, v50  }
0x254: {  	v52 =	vmul.f32 v62, v51  }
0x255: {  	[tilespmem:s23+$0x12080] =	vst v0  }
0x256: {  	v0 =	vld [tilespmem:$0x1FD60];
	[tilespmem:s23+$0x12100] =	vst v52  }
0x257: {  	v39 =	vadd.f32 v53, v39;
	v53 =	vld [tilespmem:$0x1FD70];
	_ =	sdelay $0x1  }
0x258: {  	v54 =	vld [tilespmem:$0x1FD80]  }
0x259: {  	v2 =	vadd.f32 v57, v2  }
0x25a: {  	v0 =	vmul.f32 v62, v0  }
0x25b: {  	v39 =	vadd.f32 v2, v39;
	v2 =	vmul.f32 v62, v53  }
0x25c: {  	v48 =	vmul.f32 v48, v4;
	[tilespmem:s23+$0x12180] =	vst v0  }
0x25d: {  	v51 =	vld [tilespmem:$0x1FD90];
	v45 =	vmul.f32 v62, v54;
	[tilespmem:s23+$0x12200] =	vst v2  }
0x25e: {  	v48 =	vsub.f32 $1.500000000e+00, v48;
	v52 =	vld [tilespmem:$0x1FDA0]  }
0x25f: {  	[tilespmem:s23+$0x12280] =	vst v45  }
0x260: {  	v1 =	vadd.f32 v1, v49;
	v57 =	vmul.f32 v48, v4;
	v46 =	vmul.f32 v63, v46;
	v54 =	vld [tilespmem:$0x1FDB0];
	_ =	sdelay $0x1  }
0x261: {  	v1 =	vadd.f32 v39, v1;
	v0 =	vmul.f32 v46, v63;
	v50 =	vmul.f32 v57, v51  }
0x262: {  	v2 =	vmul.f32 v57, v7;
	v53 =	vmul.f32 v62, v52  }
0x263: {  	v39 =	vmax.f32 v1, $1.000000000e-30;
	vm15 =	vgt.f32 v50, $9.999999960e-13  }
0x264: {  	v48 =	vsub.f32 $1.500000000e+00, v0;
	v49 =	vsel vm15, v2, v8;
	v46 =	vmul.f32 v62, v54;
	[tilespmem:s4+$0x10000] =	vst v53;
	s4 =	sshll.u32 s19, $0xF  }
.LBB2_8:
0x265: {  	s8 =	sadd.s32 $0x20, s8;
	s11 =	sadd.s32 $0x100, s11;
	v50 =	vmul.f32 v49, v50  }
0x266: {  	v0 =	vshra.s32 v39, $0x1;
	v51 =	vmul.f32 $5.000000000e-01, v39;
	s10 =	sand.u32 $0x60, s8;
	s14 =	sand.u32 $0x1C00, s11  }
0x267: {  	v1 =	vmul.f32 v48, v63;
	v5 =	vmovc v58;
	v62 =	vld [tilespmem:$0x1FC30];
	[tilespmem:s0+$0x10000] =	vst v46;
	v0 =	vsub.s32 $0x5F3759DF, v0;
	s14 =	sor.u32 s10, s14;
	vm0 =	vgt.f32 v50, $1.000000000e+00  }
0x268: {  	v3 =	vmov v59;
	[tilespmem:$0x1FC20] =	vst v5;
	v52 =	vmul.f32 v0, v51;
	v54 =	vld [tilespmem:s14+$0x4010];
	v49 =	vsel vm0, v57, v49  }
0x269: {  	v2 =	vmov v9;
	[tilespmem:$0x1FC00] =	vst v3;
	v53 =	vmul.f32 v1, v61;
	v59 =	vld [tilespmem:s14+$0x4090];
	v58 =	vmul.f32 v49, v17  }
0x26a: {  	v63 =	vmovc v41;
	[tilespmem:$0x1FC10] =	vst v2;
	v46 =	vmovc v14;
	v14 =	vmov v18;
	v18 =	vmov v40;
	v3 =	vmul.f32 v1, v7;
	v40 =	vld [tilespmem:s14+$0x4190]  }
0x26b: {  	v45 =	vmul.f32 v0, v52;
	vm1 =	vgt.f32 v53, $9.999999960e-13;
	[tilespmem:s31+$0x10000] =	vst v58;
	v58 =	vld [tilespmem:$0x1FC60]  }
0x26c: {  	[tilespmem:$0x1FC30] =	vst v63;
	v41 =	vld [tilespmem:s14+$0x4210];
	v4 =	vmov v13;
	v57 =	vsel vm1, v3, v8  }
0x26d: {  	v63 =	vmovc v55;
	v52 =	vld [tilespmem:s14+$0x4110];
	v61 =	vmul.f32 v49, v6;
	[tilespmem:$0x1FBF0] =	vst v4;
	v50 =	vsub.f32 $1.500000000e+00, v45;
	v53 =	vmul.f32 v57, v53  }
0x26e: {  	v48 =	vmov v60;
	v60 =	vmul.f32 v49, v62;
	v62 =	vmov v47;
	v47 =	vld [tilespmem:s14+$0x4290];
	[tilespmem:$0x1FC60] =	vst v63  }
0x26f: {  	[tilespmem:s31+$0x10100] =	vst v61;
	v45 =	vmovc v44;
	v44 =	vld [tilespmem:$0x1FC50];
	v50 =	vmul.f32 v0, v50;
	vm14 =	vgt.f32 v53, $1.000000000e+00;
	v53 =	vmul.f32 v49, v12  }
0x270: {  	s2 =	sadd.s32 $0x1, s2;
	[tilespmem:s31+$0x10080] =	vst v60;
	v0 =	vld [tilespmem:s14+$0x6010];
	v55 =	vmul.f32 v54, v54;
	v1 =	vsel vm14, v1, v57;
	v58 =	vmul.f32 v49, v58  }
0x271: {  	s23 =	sand.u32 $0x3, s2;
	v13 =	vmov v56;
	[tilespmem:$0x1FC50] =	vst v62;
	v56 =	vmul.f32 v59, v59;
	v57 =	vld [tilespmem:s14+$0x6090];
	v3 =	vmul.f32 v1, v20  }
0x272: {  	s10 =	sshll.u32 s23, $0x5;
	v60 =	vmul.f32 v52, v52;
	v20 =	vmov v54;
	v54 =	vld [tilespmem:s14+$0x6110];
	v62 =	vmul.f32 v1, v21;
	[tilespmem:s31+$0x10200] =	vst v58  }
0x273: {  	s10 =	sadd.s32 s10, s11;
	v21 =	vmov v59;
	v59 =	vmul.f32 v41, v41;
	v61 =	vmul.f32 v1, v19;
	v58 =	vld [tilespmem:s14+$0x6190];
	[tilespmem:s3+$0x10010] =	vst v3  }
0x274: {  	s19 =	sor.u32 $0x300, s10;
	s18 =	sor.u32 $0x2300, s10;
	s10 =	sadd.s32 $0x10, s10;
	v12 =	vmov v10;
	v2 =	vmul.f32 v47, v47;
	v44 =	vmul.f32 v49, v44;
	v63 =	vld [tilespmem:s14+$0x6210];
	[tilespmem:s3+$0x10090] =	vst v62  }
0x275: {  	s23 =	sor.u32 $0x300, s10;
	v19 =	vmovc v52;
	v52 =	vmul.f32 v1, v22;
	v22 =	vmov v40;
	v33 =	vmul.f32 v1, v33;
	v62 =	vld [tilespmem:s14+$0x6290];
	[tilespmem:s3+$0x10110] =	vst v61  }
0x276: {  	s20 =	sor.u32 s8, s11;
	v10 =	vadd.f32 v56, v55;
	[tilespmem:s31+$0x10180] =	vst v44;
	v44 =	vmul.f32 v40, v40;
	v40 =	vmul.f32 v1, v23;
	v61 =	vld [tilespmem:s23+$0x4000]  }
0x277: {  	s0 =	smov.u32 s17;
	s22 =	sor.u32 $0x2380, s20;
	s7 =	sor.u32 $0x380, s10;
	v31 =	vmul.f32 v1, v31;
	v23 =	vmov v41;
	[tilespmem:s3+$0x10190] =	vst v52;
	v52 =	vmul.f32 v1, v25;
	v41 =	vld [tilespmem:s14+$0x4080]  }
0x278: {  	s17 =	smov.u32 s21;
	s21 =	smov.u32 s22;
	s22 =	sor.u32 $0x2300, s10;
	v55 =	vmul.f32 v1, v34;
	v25 =	vmov v47;
	v47 =	vmul.f32 v1, v42;
	v5 =	vld [tilespmem:s7+$0x4000];
	[tilespmem:s3+$0x10210] =	vst v40  }
0x279: {  	s15 =	sor.u32 $0x380, s20;
	s20 =	sor.u32 $0x2380, s10;
	v3 =	vmul.f32 v0, v0;
	v7 =	vld [tilespmem:s22+$0x4000];
	[tilespmem:s3+$0x10290] =	vst v52;
	v52 =	vmul.f32 v1, v43  }
0x27a: {  	v4 =	vmul.f32 v57, v57;
	v40 =	vmul.f32 v1, v24;
	v8 =	vld [tilespmem:s20+$0x4000];
	[tilespmem:s25+$0x10000] =	vst v47  }
0x27b: {  	v17 =	vmovc v15;
	v6 =	vmul.f32 v54, v54;
	v24 =	vmov v0;
	v0 =	vld [tilespmem:s19+$0x4000];
	v47 =	vmul.f32 v1, v26;
	[tilespmem:s26+$0x10000] =	vst v52  }
0x27c: {  	v3 =	vadd.f32 v4, v3;
	v60 =	vadd.f32 v44, v60;
	v44 =	vld [tilespmem:s14+$0x4100];
	v42 =	vmul.f32 v58, v58;
	[tilespmem:s3+$0x12010] =	vst v40  }
0x27d: {  	v15 =	vmovc v11;
	v4 =	vmul.f32 v1, v35;
	v43 =	vmul.f32 v63, v63;
	v26 =	vmov v57;
	v52 =	vld [tilespmem:s18+$0x4000];
	[tilespmem:s3+$0x12090] =	vst v47  }
0x27e: {  	v9 =	vmul.f32 v62, v62;
	v6 =	vadd.f32 v42, v6;
	v57 =	vmul.f32 v61, v61;
	v40 =	vld [tilespmem:s14+$0x4000];
	[tilespmem:s3+$0x12110] =	vst v33  }
0x27f: {  	v2 =	vadd.f32 v2, v59;
	[tilespmem:s3+$0x12190] =	vst v31;
	v47 =	vld [tilespmem:s14+$0x4180];
	v31 =	vmul.f32 v1, v38;
	v56 =	vmul.f32 v5, v5  }
0x280: {  	[tilespmem:s3+$0x12210] =	vst v55;
	v55 =	vld [tilespmem:s14+$0x4200];
	v1 =	vmul.f32 v1, v37;
	v9 =	vadd.f32 v9, v43;
	v3 =	vadd.f32 v6, v3  }
0x281: {  	[tilespmem:s3+$0x12290] =	vst v4;
	v6 =	vld [tilespmem:s15+$0x4000];
	v11 =	vmul.f32 v7, v7;
	v59 =	vmul.f32 v8, v8;
	v43 =	vadd.f32 v56, v57  }
0x282: {  	[tilespmem:s13+$0x10000] =	vst v31;
	v56 =	vld [tilespmem:s14+$0x4280]  }
0x283: {  	[tilespmem:s24+$0x10000] =	vst v1;
	v11 =	vadd.f32 v59, v11;
	v2 =	vadd.f32 v43, v2;
	v43 =	vld [tilespmem:$0x1FC40]  }
0x284: {  	v10 =	vadd.f32 v60, v10;
	v60 =	vmul.f32 v41, v41;
	v1 =	vld [tilespmem:s14+$0x6000];
	[tilespmem:s31+$0x10280] =	vst v53  }
0x285: {  	v4 =	vmul.f32 v0, v0;
	v53 =	vld [tilespmem:s14+$0x6080];
	v9 =	vadd.f32 v11, v9;
	v11 =	vmul.f32 v40, v40  }
0x286: {  	v35 =	vmovc v62;
	v37 =	vmul.f32 v44, v44;
	v59 =	vld [tilespmem:s14+$0x6280];
	v2 =	vadd.f32 v2, v10;
	v10 =	vmul.f32 v47, v47  }
0x287: {  	v33 =	vmovc v54;
	v54 =	vld [tilespmem:s14+$0x6180];
	v38 =	vmul.f32 v55, v55;
	v3 =	vadd.f32 v9, v3;
	v11 =	vadd.f32 v60, v11  }
0x288: {  	v31 =	vmovc v58;
	v58 =	vld [tilespmem:s14+$0x6200];
	v60 =	vmul.f32 v56, v56;
	v10 =	vadd.f32 v10, v37;
	v62 =	vmul.f32 v49, v43  }
0x289: {  	v34 =	vmovc v63;
	v9 =	vld [tilespmem:s14+$0x6100];
	v2 =	vadd.f32 v3, v2;
	v3 =	vmul.f32 v50, v51;
	v51 =	vmul.f32 v6, v6  }
0x28a: {  	v57 =	vmul.f32 v52, v52;
	v43 =	vmovc v5;
	v5 =	vmul.f32 v1, v1;
	v63 =	vadd.f32 v60, v38;
	v60 =	vld [tilespmem:s21+$0x4000]  }
0x28b: {  	v42 =	vmovc v61;
	v10 =	vadd.f32 v10, v11;
	v11 =	vmul.f32 v59, v59;
	v4 =	vadd.f32 v51, v4  }
0x28c: {  	[tilespmem:s1+$0x10000] =	vst v62;
	v61 =	vmax.f32 v2, $1.000000000e-30;
	v2 =	vmul.f32 v53, v53;
	v51 =	vmul.f32 v54, v54;
	v62 =	vmovc v27  }
0x28d: {  	v38 =	vmovc v7;
	v7 =	vshra.s32 v61, $0x1;
	[tilespmem:$0x1FC40] =	vst v62;
	v62 =	vmul.f32 v58, v58;
	v4 =	vadd.f32 v4, v63  }
0x28e: {  	v37 =	vmovc v8;
	v8 =	vmul.f32 $5.000000000e-01, v61;
	v27 =	vmovc v0;
	v0 =	vmul.f32 v9, v9;
	v7 =	vsub.s32 $0x5F3759DF, v7  }
0x28f: {  	v63 =	vmul.f32 v60, v60;
	v4 =	vadd.f32 v4, v10;
	v10 =	vadd.f32 v11, v62;
	v11 =	vld [tilespmem:$0x1FC70]  }
0x290: {  	v2 =	vadd.f32 v2, v5;
	v5 =	vmul.f32 v7, v8;
	v62 =	vld [tilespmem:$0x1FC80]  }
0x291: {  	v0 =	vadd.f32 v51, v0;
	v51 =	vmovc v28;
	v28 =	vmov v6;
	v6 =	vadd.f32 v63, v57  }
0x292: {  	v5 =	vmul.f32 v7, v5  }
0x293: {  	[tilespmem:$0x1FC70] =	vst v51;
	v0 =	vadd.f32 v0, v2;
	v51 =	vadd.f32 v6, v10  }
0x294: {  	v5 =	vsub.f32 $1.500000000e+00, v5;
	v63 =	vmov v29;
	v11 =	vmul.f32 v49, v11  }
0x295: {  	[tilespmem:$0x1FC80] =	vst v63;
	v2 =	vmul.f32 v49, v62;
	v0 =	vadd.f32 v51, v0;
	v51 =	vld [tilespmem:$0x1FBF0]  }
0x296: {  	v63 =	vmul.f32 v7, v5;
	v5 =	vmul.f32 v49, v15;
	[tilespmem:s16+$0x10000] =	vst v11  }
0x297: {  	v62 =	vmul.f32 v49, v17;
	[tilespmem:s31+$0x12000] =	vst v2  }
0x298: {  	v10 =	vmul.f32 v49, v16;
	v7 =	vmul.f32 v63, v8;
	[tilespmem:s31+$0x12080] =	vst v5  }
0x299: {  	v46 =	vmul.f32 v49, v46;
	v3 =	vmul.f32 v3, v50;
	[tilespmem:s31+$0x12100] =	vst v62  }
0x29a: {  	v8 =	vld [tilespmem:$0x1FFF0];
	[tilespmem:s31+$0x12180] =	vst v10;
	v11 =	vmovc v30;
	v30 =	vmov v53;
	v53 =	vmul.f32 v7, v63;
	v2 =	vmul.f32 v49, v51  }
0x29b: {  	v3 =	vsub.f32 $1.500000000e+00, v3;
	[tilespmem:s31+$0x12200] =	vst v46;
	v62 =	vmul.f32 v49, v12;
	v7 =	vld [tilespmem:$0x1FFE0]  }
0x29c: {  	v15 =	vmovc v32;
	v32 =	vmov v9;
	v9 =	vmov v48;
	v48 =	vsub.f32 $1.500000000e+00, v53;
	v53 =	vld [tilespmem:$0x1FC10];
	[tilespmem:s31+$0x12280] =	vst v2  }
0x29d: {  	p0 =	slt.u32 s8, $0x3E0;
	v57 =	vmul.f32 v3, v50;
	[tilespmem:s12+$0x10000] =	vst v62;
	v62 =	vld [tilespmem:$0x1FC20]  }
.Ltmp7:
0x29e: {  	_ = 	snop;
	(pc) =	sbr.rel @p0 .LBB2_8-.Ltmp7, $4  }
0x29f: {  	s25 =	smov.u32 s23;
	s26 =	smov.u32 s7;
	s13 =	smov.u32 s22;
	v50 =	vmul.f32 v57, v39  }
0x2a0: {  	s24 =	smov.u32 s20;
	s1 =	smov.u32 s5;
	s5 =	smov.u32 s19;
	v29 =	vmovc v1;
	v16 =	vmovc v36;
	v36 =	vmov v54;
	v0 =	vadd.f32 v0, v4;
	v4 =	vmul.f32 v57, v7  }
0x2a1: {  	v17 =	vmovc v18;
	v6 =	vmovc v45;
	vm15 =	vgt.f32 v50, $9.999999960e-13;
	v18 =	vmov v52;
	s16 =	smov.u32 s28;
	s28 =	smov.u32 s15;
	v12 =	vmov v13;
	s31 =	smov.u32 s3  }
0x2a2: {  	v13 =	vld [tilespmem:$0x1FC00];
	v10 =	vmovc v14;
	v39 =	vmax.f32 v0, $1.000000000e-30;
	s3 =	smov.u32 s14;
	s12 =	smov.u32 s9;
	s9 =	smov.u32 s18;
	v46 =	vmul.f32 v49, v53;
	v49 =	vsel vm15, v4, v8;
	v14 =	vmovc v62  }
0x2a3: {  	v0 =	vmul.f32 v48, v63;
	_ =	sdelay $0x1  }
0x2a4: {  	[tilespmem:s0+$0x10000] =	vst v46;
	v2 =	vmul.f32 v0, v61  }
0x2a5: {  	v1 =	vmul.f32 v49, v50;
	v3 =	vmul.f32 v0, v7;
	v5 =	vld [tilespmem:$0x1FC30]  }
0x2a6: {  	vm1 =	vgt.f32 v2, $9.999999960e-13  }
0x2a7: {  	vm0 =	vgt.f32 v1, $1.000000000e+00;
	v3 =	vsel vm1, v3, v8  }
0x2a8: {  	v1 =	vsel vm0, v57, v49;
	v2 =	vmul.f32 v3, v2  }
0x2a9: {  	v4 =	vmul.f32 v1, v17  }
0x2aa: {  	v5 =	vmul.f32 v1, v5;
	vm13 =	vgt.f32 v2, $1.000000000e+00  }
0x2ab: {  	v6 =	vmul.f32 v1, v6;
	[tilespmem:s31+$0x10000] =	vst v4;
	v0 =	vsel vm13, v0, v3  }
0x2ac: {  	v4 =	vld [tilespmem:$0x1FC50];
	[tilespmem:s31+$0x10080] =	vst v5;
	v3 =	vmul.f32 v0, v20  }
0x2ad: {  	v50 =	vld [tilespmem:$0x1FC60];
	[tilespmem:s31+$0x10100] =	vst v6;
	v53 =	vmul.f32 v0, v21  }
0x2ae: {  	v57 =	vmul.f32 v0, v19;
	[tilespmem:s3+$0x10010] =	vst v3  }
0x2af: {  	v61 =	vmul.f32 v0, v22;
	[tilespmem:s3+$0x10090] =	vst v53  }
0x2b0: {  	v62 =	vmul.f32 v0, v23;
	[tilespmem:s3+$0x10110] =	vst v57  }
0x2b1: {  	v63 =	vmul.f32 v0, v25;
	[tilespmem:s3+$0x10190] =	vst v61  }
0x2b2: {  	v17 =	vmul.f32 v0, v42;
	[tilespmem:s3+$0x10210] =	vst v62  }
0x2b3: {  	v4 =	vmul.f32 v1, v4;
	[tilespmem:s3+$0x10290] =	vst v63  }
0x2b4: {  	v19 =	vmul.f32 v0, v43;
	[tilespmem:s25+$0x10000] =	vst v17  }
0x2b5: {  	v20 =	vmul.f32 v0, v24;
	[tilespmem:s31+$0x10180] =	vst v4  }
0x2b6: {  	v51 =	vshra.s32 v39, $0x1;
	v52 =	vmul.f32 $5.000000000e-01, v39;
	v21 =	vmul.f32 v0, v26;
	[tilespmem:s26+$0x10000] =	vst v19  }
0x2b7: {  	v54 =	vsub.s32 $0x5F3759DF, v51;
	v22 =	vmul.f32 v0, v33;
	[tilespmem:s3+$0x12010] =	vst v20  }
0x2b8: {  	v23 =	vmul.f32 v0, v31;
	v4 =	vmul.f32 v54, v52;
	[tilespmem:s3+$0x12090] =	vst v21  }
0x2b9: {  	v24 =	vmul.f32 v0, v34;
	[tilespmem:s3+$0x12110] =	vst v22  }
0x2ba: {  	v25 =	vmul.f32 v0, v35;
	[tilespmem:s3+$0x12190] =	vst v23;
	v4 =	vmul.f32 v54, v4  }
0x2bb: {  	v26 =	vmul.f32 v0, v38;
	[tilespmem:s3+$0x12210] =	vst v24  }
0x2bc: {  	v2 =	vmul.f32 v1, v50;
	[tilespmem:s3+$0x12290] =	vst v25;
	v4 =	vsub.f32 $1.500000000e+00, v4  }
0x2bd: {  	v0 =	vmul.f32 v0, v37;
	[tilespmem:s13+$0x10000] =	vst v26  }
0x2be: {  	[tilespmem:s31+$0x10200] =	vst v2;
	v2 =	vmul.f32 v54, v4  }
0x2bf: {  	v33 =	vmul.f32 v1, v12;
	[tilespmem:s24+$0x10000] =	vst v0  }
0x2c0: {  	v0 =	vld [tilespmem:$0x1FC40];
	v5 =	vmul.f32 v2, v52  }
0x2c1: {  	[tilespmem:s31+$0x10280] =	vst v33  }
0x2c2: {  	v3 =	vld [tilespmem:$0x1FC70];
	v5 =	vmul.f32 v5, v2;
	_ =	sdelay $0x1  }
0x2c3: {  	v31 =	vsub.f32 $1.500000000e+00, v5  }
0x2c4: {  	v0 =	vmul.f32 v1, v0  }
0x2c5: {  	v2 =	vmul.f32 v31, v2  }
0x2c6: {  	v3 =	vmul.f32 v1, v3;
	[tilespmem:s1+$0x10000] =	vst v0  }
0x2c7: {  	v34 =	vmul.f32 v1, v11;
	v0 =	vld [tilespmem:$0x1FC80];
	v4 =	vmul.f32 v2, v39  }
0x2c8: {  	v37 =	vmul.f32 v1, v15;
	[tilespmem:s16+$0x10000] =	vst v3;
	v35 =	vmul.f32 v2, v7  }
0x2c9: {  	v38 =	vmul.f32 v1, v16;
	[tilespmem:s31+$0x12080] =	vst v34;
	vm14 =	vgt.f32 v4, $9.999999960e-13  }
0x2ca: {  	v42 =	vmul.f32 v1, v14;
	[tilespmem:s31+$0x12100] =	vst v37;
	v39 =	vsel vm14, v35, v8  }
0x2cb: {  	v43 =	vmul.f32 v1, v13;
	[tilespmem:s31+$0x12180] =	vst v38;
	v4 =	vmul.f32 v39, v4  }
0x2cc: {  	[tilespmem:s31+$0x12200] =	vst v42;
	v0 =	vmul.f32 v1, v0  }
0x2cd: {  	v45 =	vmul.f32 v1, v10;
	[tilespmem:s31+$0x12280] =	vst v43;
	vm15 =	vgt.f32 v4, $1.000000000e+00  }
0x2ce: {  	v1 =	vmul.f32 v1, v9;
	[tilespmem:s31+$0x12000] =	vst v0;
	v2 =	vsel vm15, v2, v39  }
0x2cf: {  	[tilespmem:s12+$0x10000] =	vst v45;
	v46 =	vmul.f32 v2, v40  }
0x2d0: {  	[tilespmem:s17+$0x10000] =	vst v1;
	v48 =	vmul.f32 v2, v41  }
0x2d1: {  	v3 =	vmul.f32 v2, v44;
	[tilespmem:s3+$0x10000] =	vst v46  }
0x2d2: {  	v49 =	vmul.f32 v2, v47;
	[tilespmem:s3+$0x10080] =	vst v48  }
0x2d3: {  	v50 =	vmul.f32 v2, v55;
	[tilespmem:s3+$0x10100] =	vst v3  }
0x2d4: {  	v51 =	vmul.f32 v2, v56;
	[tilespmem:s3+$0x10180] =	vst v49  }
0x2d5: {  	v52 =	vmul.f32 v2, v27;
	[tilespmem:s3+$0x10200] =	vst v50  }
0x2d6: {  	v53 =	vmul.f32 v2, v28;
	[tilespmem:s3+$0x10280] =	vst v51  }
0x2d7: {  	v54 =	vmul.f32 v2, v29;
	[tilespmem:s5+$0x10000] =	vst v52  }
0x2d8: {  	v55 =	vmul.f32 v2, v30;
	[tilespmem:s28+$0x10000] =	vst v53  }
0x2d9: {  	v56 =	vmul.f32 v2, v32;
	[tilespmem:s3+$0x12000] =	vst v54  }
0x2da: {  	v57 =	vmul.f32 v2, v36;
	[tilespmem:s3+$0x12080] =	vst v55  }
0x2db: {  	v58 =	vmul.f32 v2, v58;
	[tilespmem:s3+$0x12100] =	vst v56  }
0x2dc: {  	v61 =	vmul.f32 v2, v59;
	[tilespmem:s3+$0x12180] =	vst v57  }
0x2dd: {  	v62 =	vmul.f32 v2, v18;
	[tilespmem:s3+$0x12200] =	vst v58  }
0x2de: {  	v63 =	vmul.f32 v2, v60;
	[tilespmem:s3+$0x12280] =	vst v61  }
0x2df: {  	[tilespmem:s9+$0x10000] =	vst v62  }
0x2e0: {  	[tilespmem:s21+$0x10000] =	vst v63  }
0x2e1: {  	s2 =	simm.s32 $0x7A1400;
	s0 =	rddreg [dreg:$0x9]  }
0x2e2: {  	s31 =	simm.s32 $0x10000;
	s28 =	simm.s32 $0x2000;
	s0 =	sadd.s32 s4, s0  }
0x2e3: {  	[hbm4b:s0+s28] =	stream.strided.scatter [tilespmem:s31], [sflag:$0x5], $0x4000, s2, s28, $0x38;
	[tilespmem:$0x18080] =	vst v63  }
0x2e4: {  	s0 =	sadd.s32 $0x4, s30  }
0x2e5: {  	p0 =	sge.u32 s0, s6  }
0x2e6: {  	s1 =	rddreg [dreg:$0x6];
	s0 =	sshll.u32 @!p0 s0, $0xF;
	s2 =	simm.s32 @!p0 $0x7A1400  }
0x2e7: {  	s3 =	simm.s32 @!p0 $0x4000;
	s0 =	sadd.s32 @!p0 s0, s1;
	s1 =	simm.s32 @!p0 $0x2000  }
0x2e8: {  	[tilespmem:s3], [sflag:$0x2] =	stream.strided.gather @!p0 [hbm4b:s0+s1], $0x4000, s2, s1, $0x38;
	[tilespmem:$0x18080] =	vst v63  }
.LBB2_10:
0x2e9: {  	s19 =	sadd.s32 $0x2, s30  }
0x2ea: {  	p0 =	sge.u32 s19, s6  }
.Ltmp8:
0x2eb: {  	_ = 	snop;
	(pc) =	sbr.rel @p0 .LBB2_14-.Ltmp8, $1  }
0x2ec: {  	_ =	sdelay $0x3  }
0x2ed: {  	s0 =	simm.s32 $0x3  }
0x2ee: {  	_ =	swait.ge [sflag:s0], $0x4000  }
0x2ef: {  	p0 =	seq.s32 s29, $0x0;
	[sflag:s0] =	ssyncset.done $0x0  }
0x2f0: {  	[sflag:s0] =	ssyncadd.s32 $0xFFFFC000;
	s0 =	simm.s32 @!p0 $0x6  }
0x2f1: {  	s1 =	simm.s32 $0x0;
	s2 =	simm.s32 $0x0;
	_ =	swait.ge @!p0 [sflag:s0], $0x4000  }
0x2f2: {  	s3 =	sand.u32 $0x60, s2;
	s4 =	sand.u32 $0x1C00, s1;
	[sflag:s0] =	ssyncset.done @!p0 $0x0  }
0x2f3: {  	s23 =	sor.u32 s3, s4;
	[sflag:s0] =	ssyncadd.s32 @!p0 $0xFFFFC000  }
0x2f4: {  	v34 =	vld [tilespmem:s23+$0x8010]  }
0x2f5: {  	v35 =	vld [tilespmem:s23+$0x8090]  }
0x2f6: {  	v39 =	vld [tilespmem:s23+$0x8110]  }
0x2f7: {  	v31 =	vld [tilespmem:s23+$0x8190]  }
0x2f8: {  	v33 =	vld [tilespmem:s23+$0x8210]  }
0x2f9: {  	s9 =	sand.u32 $0x3, s1;
	v44 =	vld [tilespmem:s23+$0x8290]  }
0x2fa: {  	s0 =	sshll.u32 s9, $0x5;
	v46 =	vld [tilespmem:s23+$0xA010]  }
0x2fb: {  	v47 =	vld [tilespmem:s23+$0xA090];
	s0 =	sadd.s32 $0x0, s0  }
0x2fc: {  	v48 =	vld [tilespmem:s23+$0xA110];
	s10 =	sadd.s32 $0x10, s0  }
0x2fd: {  	v52 =	vld [tilespmem:s23+$0xA190];
	s5 =	sor.u32 $0x2380, s10  }
0x2fe: {  	v17 =	vld [tilespmem:s5+$0x8000]  }
0x2ff: {  	v51 =	vld [tilespmem:s23+$0xA210]  }
0x300: {  	v53 =	vld [tilespmem:s23+$0xA290];
	s21 =	sor.u32 $0x300, s10  }
0x301: {  	s13 =	sor.u32 $0x380, s10;
	v40 =	vld [tilespmem:s21+$0x8000]  }
0x302: {  	s9 =	sor.u32 $0x2300, s10;
	v38 =	vld [tilespmem:s13+$0x8000]  }
0x303: {  	s18 =	sor.u32 $0x300, s0;
	v57 =	vld [tilespmem:s9+$0x8000];
	[tilespmem:$0x1FAC0] =	vst v17  }
0x304: {  	v14 =	vld [tilespmem:s18+$0x8000];
	_ =	sdelay $0x4  }
0x305: {  	s4 =	sor.u32 $0x2300, s0;
	[tilespmem:$0x1FB40] =	vst v14  }
0x306: {  	v13 =	vld [tilespmem:s4+$0x8000];
	_ =	sdelay $0x4  }
0x307: {  	[tilespmem:$0x1FBD0] =	vst v13  }
0x308: {  	v23 =	vld [tilespmem:s23+$0x8000];
	_ =	sdelay $0x4  }
0x309: {  	[tilespmem:$0x1FAE0] =	vst v23  }
0x30a: {  	v24 =	vld [tilespmem:s23+$0x8080];
	_ =	sdelay $0x4  }
0x30b: {  	[tilespmem:$0x1FAF0] =	vst v24  }
0x30c: {  	v20 =	vld [tilespmem:s23+$0x8100];
	_ =	sdelay $0x4  }
0x30d: {  	[tilespmem:$0x1FB00] =	vst v20  }
0x30e: {  	v22 =	vld [tilespmem:s23+$0x8180];
	_ =	sdelay $0x4  }
0x30f: {  	[tilespmem:$0x1FB10] =	vst v22  }
0x310: {  	v21 =	vld [tilespmem:s23+$0x8200];
	_ =	sdelay $0x4  }
0x311: {  	[tilespmem:$0x1FB20] =	vst v21  }
0x312: {  	v19 =	vld [tilespmem:s23+$0x8280];
	_ =	sdelay $0x3  }
0x313: {  	s11 =	sor.u32 s2, s1  }
0x314: {  	s20 =	sor.u32 $0x380, s11;
	[tilespmem:$0x1FB30] =	vst v19  }
0x315: {  	v15 =	vld [tilespmem:s20+$0x8000];
	_ =	sdelay $0x4  }
0x316: {  	[tilespmem:$0x1FB50] =	vst v15  }
0x317: {  	v18 =	vld [tilespmem:s23+$0xA000];
	_ =	sdelay $0x4  }
0x318: {  	[tilespmem:$0x1FB60] =	vst v18  }
0x319: {  	v16 =	vld [tilespmem:s23+$0xA080];
	_ =	sdelay $0x3  }
0x31a: {  	v4 =	vmul.f32 v33, v33;
	v5 =	vmul.f32 v44, v44  }
0x31b: {  	[tilespmem:$0x1FB70] =	vst v16  }
0x31c: {  	v4 =	vadd.f32 v5, v4;
	v5 =	vmul.f32 v17, v17;
	v17 =	vld [tilespmem:s23+$0xA100];
	_ =	sdelay $0x1  }
0x31d: {  	v6 =	vmul.f32 v46, v46;
	v7 =	vmul.f32 v47, v47  }
0x31e: {  	v8 =	vmul.f32 v48, v48;
	v9 =	vmul.f32 v52, v52  }
0x31f: {  	v10 =	vmul.f32 v51, v51;
	v11 =	vmul.f32 v53, v53  }
0x320: {  	v6 =	vadd.f32 v7, v6;
	[tilespmem:$0x1FB80] =	vst v17  }
0x321: {  	v7 =	vadd.f32 v9, v8;
	v8 =	vadd.f32 v11, v10;
	v11 =	vld [tilespmem:s23+$0xA180];
	_ =	sdelay $0x2  }
0x322: {  	v0 =	vmul.f32 v34, v34;
	v1 =	vmul.f32 v35, v35  }
0x323: {  	v12 =	vmul.f32 v40, v40;
	v49 =	vmul.f32 v38, v38  }
0x324: {  	[tilespmem:$0x1FB90] =	vst v11  }
0x325: {  	v0 =	vadd.f32 v1, v0;
	v1 =	vadd.f32 v49, v12;
	v12 =	vld [tilespmem:s23+$0xA200];
	_ =	sdelay $0x2  }
0x326: {  	v2 =	vmul.f32 v39, v39  }
0x327: {  	v3 =	vmul.f32 v31, v31;
	v50 =	vmul.f32 v57, v57  }
0x328: {  	[tilespmem:$0x1FBA0] =	vst v12  }
0x329: {  	v2 =	vadd.f32 v3, v2;
	v3 =	vadd.f32 v5, v50;
	v5 =	vmul.f32 v14, v14;
	v14 =	vld [tilespmem:s23+$0xA280];
	_ =	sdelay $0x4  }
0x32a: {  	s0 =	sor.u32 $0x2380, s11;
	[tilespmem:$0x1FBB0] =	vst v14  }
0x32b: {  	v54 =	vadd.f32 v7, v6;
	v6 =	vmul.f32 v13, v13;
	v13 =	vld [tilespmem:s0+$0x8000];
	_ =	sdelay $0x1  }
0x32c: {  	v0 =	vadd.f32 v2, v0  }
0x32d: {  	s12 =	simm.s32 $0x20;
	s16 =	simm.s32 $0x100;
	v1 =	vadd.f32 v1, v4;
	v3 =	vadd.f32 v3, v8  }
0x32e: {  	s17 =	sand.u32 $0x60, s12;
	s7 =	sand.u32 $0x1C00, s16  }
0x32f: {  	s31 =	sor.u32 s17, s7;
	v0 =	vadd.f32 v1, v0;
	v55 =	vadd.f32 v3, v54;
	[tilespmem:$0x1FBE0] =	vst v13  }
0x330: {  	v4 =	vmul.f32 v23, v23;
	v7 =	vmul.f32 v24, v24;
	v42 =	vld [tilespmem:s31+$0x8010]  }
0x331: {  	v0 =	vadd.f32 v55, v0;
	v8 =	vmul.f32 v20, v20;
	v59 =	vmul.f32 v15, v15;
	v43 =	vld [tilespmem:s31+$0x8090]  }
0x332: {  	v4 =	vadd.f32 v7, v4;
	v56 =	vmul.f32 v22, v22;
	v58 =	vmul.f32 v21, v21;
	v61 =	vld [tilespmem:s31+$0x8110]  }
0x333: {  	v7 =	vmul.f32 v19, v19;
	v1 =	vadd.f32 v59, v5;
	v5 =	vmul.f32 v11, v11;
	v62 =	vld [tilespmem:s31+$0x8190]  }
0x334: {  	v32 =	vmax.f32 v0, $1.000000000e-30;
	v11 =	vmul.f32 v12, v12;
	v12 =	vmul.f32 v14, v14;
	v14 =	vld [tilespmem:s31+$0xA190]  }
0x335: {  	v9 =	vmul.f32 $5.000000000e-01, v32;
	v63 =	vld [tilespmem:s31+$0x8210]  }
0x336: {  	s22 =	simm.s32 $0x1;
	v2 =	vadd.f32 v56, v8;
	v3 =	vadd.f32 v7, v58;
	v8 =	vmul.f32 v18, v18;
	v36 =	vld [tilespmem:s31+$0x8290]  }
0x337: {  	s1 =	sand.u32 $0x3, s22;
	v7 =	vshra.s32 v32, $0x1;
	v41 =	vmul.f32 v16, v16;
	v10 =	vmul.f32 v17, v17;
	v54 =	vld [tilespmem:s31+$0xA010]  }
0x338: {  	s1 =	sshll.u32 s1, $0x5;
	v7 =	vsub.s32 $0x5F3759DF, v7;
	v13 =	vmul.f32 v13, v13;
	v50 =	vld [tilespmem:s31+$0xA090]  }
0x339: {  	s8 =	sadd.s32 $0x100, s1;
	v0 =	vadd.f32 v41, v8;
	v8 =	vmul.f32 v7, v9;
	v5 =	vadd.f32 v5, v10;
	v49 =	vld [tilespmem:s31+$0xA110];
	[tilespmem:$0x1FAD0] =	vst v14  }
0x33a: {  	s1 =	sadd.s32 $0x10, s8;
	v10 =	vadd.f32 v12, v11;
	v6 =	vadd.f32 v13, v6;
	v56 =	vld [tilespmem:s31+$0xA210]  }
0x33b: {  	s15 =	sor.u32 $0x300, s1;
	v2 =	vadd.f32 v2, v4;
	v1 =	vadd.f32 v1, v3;
	v3 =	vmul.f32 v7, v8;
	v55 =	vld [tilespmem:s31+$0xA290]  }
0x33c: {  	s28 =	sor.u32 $0x380, s1;
	v0 =	vadd.f32 v5, v0;
	v4 =	vadd.f32 v6, v10;
	v5 =	vmul.f32 v42, v42;
	v37 =	vld [tilespmem:s15+$0x8000]  }
0x33d: {  	s14 =	sor.u32 $0x2300, s1;
	v1 =	vadd.f32 v1, v2;
	v2 =	vmul.f32 v43, v43;
	v6 =	vmul.f32 v61, v61;
	v41 =	vld [tilespmem:s28+$0x8000]  }
0x33e: {  	s22 =	sor.u32 $0x2380, s1;
	v0 =	vadd.f32 v4, v0;
	v4 =	vmul.f32 v62, v62;
	v8 =	vmul.f32 v63, v63;
	v59 =	vld [tilespmem:s14+$0x8000]  }
0x33f: {  	v10 =	vmul.f32 v36, v36;
	v11 =	vmul.f32 v54, v54;
	v60 =	vld [tilespmem:s22+$0x8000]  }
0x340: {  	v45 =	vmul.f32 v50, v50;
	v12 =	vmul.f32 v49, v49;
	v0 =	vadd.f32 v0, v1  }
0x341: {  	v13 =	vmul.f32 v14, v14;
	v2 =	vadd.f32 v2, v5;
	v4 =	vadd.f32 v4, v6  }
0x342: {  	v8 =	vadd.f32 v10, v8;
	v14 =	vmul.f32 v56, v56;
	v5 =	vmul.f32 v55, v55  }
0x343: {  	v1 =	vadd.f32 v45, v11;
	v6 =	vmul.f32 v37, v37;
	v10 =	vmul.f32 v41, v41  }
0x344: {  	v12 =	vadd.f32 v13, v12;
	v11 =	vmul.f32 v59, v59;
	v13 =	vmul.f32 v60, v60  }
0x345: {  	v3 =	vsub.f32 $1.500000000e+00, v3;
	v5 =	vadd.f32 v5, v14  }
0x346: {  	v6 =	vadd.f32 v10, v6;
	v10 =	vadd.f32 v13, v11  }
0x347: {  	s1 =	sor.u32 $0x300, s8;
	v4 =	vadd.f32 v4, v2;
	v1 =	vadd.f32 v12, v1  }
0x348: {  	v3 =	vmul.f32 v7, v3;
	v58 =	vld [tilespmem:s1+$0x8000];
	v6 =	vadd.f32 v6, v8;
	v5 =	vadd.f32 v10, v5  }
0x349: {  	v17 =	vld [tilespmem:s31+$0x8000];
	v30 =	vmax.f32 v0, $1.000000000e-30  }
0x34a: {  	v12 =	vld [tilespmem:s31+$0x8280];
	v4 =	vadd.f32 v6, v4;
	v1 =	vadd.f32 v5, v1;
	v6 =	vmul.f32 v3, v9  }
0x34b: {  	v45 =	vmul.f32 $5.000000000e-01, v30;
	v11 =	vld [tilespmem:s31+$0x8080];
	v5 =	vshra.s32 v30, $0x1  }
0x34c: {  	v13 =	vld [tilespmem:s31+$0x8180];
	v7 =	vsub.s32 $0x5F3759DF, v5;
	v1 =	vadd.f32 v1, v4;
	v5 =	vmul.f32 v6, v3  }
0x34d: {  	v8 =	vld [tilespmem:s31+$0x8100]  }
0x34e: {  	s2 =	sor.u32 s12, s16;
	s12 =	sor.u32 $0x2300, s8;
	v14 =	vld [tilespmem:s31+$0x8200];
	v4 =	vmul.f32 v7, v45;
	v29 =	vmax.f32 v1, $1.000000000e-30;
	v5 =	vsub.f32 $1.500000000e+00, v5  }
0x34f: {  	v10 =	vld [tilespmem:s12+$0x8000];
	v6 =	vshra.s32 v29, $0x1  }
0x350: {  	v4 =	vmul.f32 v7, v4;
	v23 =	vmul.f32 v5, v3;
	v3 =	vld [tilespmem:s31+$0xA000]  }
0x351: {  	s16 =	sor.u32 $0x380, s2;
	v27 =	vmul.f32 $5.000000000e-01, v29;
	v5 =	vld [tilespmem:s31+$0xA080]  }
0x352: {  	v0 =	vsub.s32 $0x5F3759DF, v6;
	v6 =	vmov v8;
	v8 =	vsub.f32 $1.500000000e+00, v4;
	v4 =	vld [tilespmem:s16+$0x8000];
	[tilespmem:$0x1FA60] =	vst v11  }
0x353: {  	v25 =	vmul.f32 v58, v58;
	v9 =	vmul.f32 v0, v27;
	[tilespmem:$0x1FA70] =	vst v58  }
0x354: {  	v11 =	vmul.f32 v11, v11;
	v15 =	vld [tilespmem:s31+$0xA100];
	[tilespmem:$0x1FA80] =	vst v13;
	v24 =	vmul.f32 v7, v8  }
0x355: {  	[tilespmem:$0x1FA90] =	vst v14;
	v7 =	vmul.f32 v0, v9;
	v9 =	vmul.f32 v17, v17  }
0x356: {  	v19 =	vmul.f32 v12, v12;
	v21 =	vmul.f32 v14, v14;
	v16 =	vld [tilespmem:s31+$0xA180]  }
0x357: {  	v58 =	vmul.f32 v6, v6;
	v14 =	vld [tilespmem:s31+$0xA200];
	v26 =	vadd.f32 v11, v9;
	v9 =	vmul.f32 v13, v13;
	[tilespmem:$0x1FAA0] =	vst v4  }
0x358: {  	s17 =	sor.u32 $0x2380, s2;
	v20 =	vsub.f32 $1.500000000e+00, v7;
	v7 =	vmul.f32 v4, v4;
	v13 =	vld [tilespmem:s31+$0xA280];
	[tilespmem:$0x1FAB0] =	vst v3  }
0x359: {  	v19 =	vadd.f32 v19, v21;
	v18 =	vmul.f32 v3, v3;
	v22 =	vadd.f32 v9, v58;
	v9 =	vld [tilespmem:s17+$0x8000]  }
0x35a: {  	v58 =	vmul.f32 v5, v5;
	v0 =	vmul.f32 v0, v20;
	v21 =	vadd.f32 v7, v25;
	v7 =	vld [tilespmem:$0x1FFE0]  }
0x35b: {  	v25 =	vmul.f32 v15, v15;
	v22 =	vadd.f32 v22, v26;
	v26 =	vmul.f32 v16, v16  }
0x35c: {  	v8 =	vld [tilespmem:$0x1FFF0];
	v20 =	vmul.f32 v24, v45;
	v45 =	vmul.f32 v10, v10;
	v28 =	vadd.f32 v58, v18  }
0x35d: {  	v18 =	vmul.f32 v23, v32;
	v25 =	vadd.f32 v26, v25;
	v26 =	vmul.f32 v14, v14  }
0x35e: {  	v32 =	vmul.f32 v13, v13;
	v58 =	vmul.f32 v9, v9  }
0x35f: {  	v19 =	vadd.f32 v21, v19;
	v21 =	vmul.f32 v0, v27;
	v27 =	vmul.f32 v23, v7  }
0x360: {  	vm0 =	vgt.f32 v18, $9.999999960e-13;
	v26 =	vadd.f32 v32, v26;
	v1 =	vadd.f32 v58, v45  }
0x361: {  	v20 =	vmul.f32 v20, v24;
	v21 =	vmul.f32 v21, v0;
	v27 =	vsel vm0, v27, v8  }
0x362: {  	v25 =	vadd.f32 v25, v28;
	v18 =	vmul.f32 v27, v18;
	v1 =	vadd.f32 v1, v26  }
0x363: {  	v20 =	vsub.f32 $1.500000000e+00, v20;
	v19 =	vadd.f32 v19, v22  }
0x364: {  	vm11 =	vgt.f32 v18, $1.000000000e+00;
	v18 =	vsub.f32 $1.500000000e+00, v21;
	v1 =	vadd.f32 v1, v25  }
0x365: {  	v26 =	vsel vm11, v23, v27;
	v27 =	vmul.f32 v20, v24  }
0x366: {  	v0 =	vmul.f32 v18, v0;
	v21 =	vmul.f32 v26, v34;
	v1 =	vadd.f32 v1, v19  }
0x367: {  	v22 =	vmul.f32 v26, v35;
	v23 =	vmul.f32 v26, v39  }
0x368: {  	s8 =	simm.s32 $0x40;
	s11 =	simm.s32 $0x200;
	v25 =	vmul.f32 v26, v31;
	v28 =	vmul.f32 v26, v33;
	v1 =	vmax.f32 v1, $1.000000000e-30  }
0x369: {  	s24 =	sand.u32 $0x60, s8;
	s25 =	sand.u32 $0x1C00, s11;
	v31 =	vmul.f32 v26, v44;
	v34 =	vmul.f32 v26, v40;
	[tilespmem:$0x1FBC0] =	vst v1  }
0x36a: {  	s3 =	sor.u32 s24, s25;
	v35 =	vmul.f32 v26, v38;
	v38 =	vmul.f32 v26, v46;
	[tilespmem:s23+$0x14010] =	vst v21  }
0x36b: {  	v40 =	vmul.f32 v26, v48;
	v24 =	vmul.f32 v0, v29;
	v3 =	vld [tilespmem:s3+$0x8010];
	[tilespmem:s23+$0x14090] =	vst v22  }
0x36c: {  	v44 =	vmul.f32 v26, v52;
	v48 =	vmul.f32 v0, v7;
	v4 =	vld [tilespmem:s3+$0x8090];
	[tilespmem:s23+$0x14110] =	vst v23  }
0x36d: {  	v46 =	vmul.f32 v26, v51;
	v51 =	vmul.f32 v26, v57;
	vm12 =	vgt.f32 v24, $9.999999960e-13;
	v2 =	vld [tilespmem:s3+$0x8110];
	[tilespmem:s23+$0x14190] =	vst v25  }
0x36e: {  	v11 =	vmovc v5;
	v18 =	vshra.s32 v1, $0x1;
	v32 =	vmul.f32 $5.000000000e-01, v1;
	v5 =	vld [tilespmem:s3+$0x8190];
	v48 =	vsel vm12, v48, v8;
	[tilespmem:s23+$0x14210] =	vst v28  }
0x36f: {  	s2 =	simm.s32 $0x2;
	v19 =	vmul.f32 v26, v47;
	v33 =	vsub.s32 $0x5F3759DF, v18;
	v39 =	vmul.f32 v48, v24;
	v58 =	vld [tilespmem:$0x1FAC0];
	[tilespmem:s23+$0x14290] =	vst v31  }
0x370: {  	s26 =	sand.u32 $0x3, s2;
	v30 =	vmul.f32 v27, v30;
	v18 =	vld [tilespmem:s3+$0x8210];
	v29 =	vmul.f32 v33, v32;
	[tilespmem:s21+$0x14000] =	vst v34  }
0x371: {  	s7 =	sshll.u32 s26, $0x5;
	v47 =	vmul.f32 v26, v53;
	v52 =	vmul.f32 v27, v7;
	v45 =	vld [tilespmem:s3+$0xA010];
	vm13 =	vgt.f32 v39, $1.000000000e+00;
	[tilespmem:s13+$0x14000] =	vst v35  }
0x372: {  	s10 =	sadd.s32 $0x200, s7;
	vm1 =	vgt.f32 v30, $9.999999960e-13;
	v24 =	vld [tilespmem:s3+$0x8290];
	v29 =	vmul.f32 v33, v29;
	v0 =	vsel vm13, v0, v48;
	[tilespmem:s23+$0x16010] =	vst v38  }
0x373: {  	s7 =	sadd.s32 $0x10, s10;
	v28 =	vsel vm1, v52, v8;
	v31 =	vld [tilespmem:s3+$0xA190];
	[tilespmem:s23+$0x16090] =	vst v19;
	v48 =	vmul.f32 v0, v43;
	v52 =	vmul.f32 v0, v61  }
0x374: {  	v39 =	vld [tilespmem:s3+$0xA090];
	s13 =	sor.u32 $0x2300, s7;
	[tilespmem:s23+$0x16110] =	vst v40;
	v29 =	vsub.f32 $1.500000000e+00, v29;
	v53 =	vmul.f32 v0, v62;
	v57 =	vmul.f32 v0, v63  }
0x375: {  	s26 =	sor.u32 $0x380, s7;
	[tilespmem:s23+$0x16190] =	vst v44;
	v38 =	vld [tilespmem:s13+$0x8000];
	v63 =	vmul.f32 v0, v36;
	v1 =	vmul.f32 v26, v58  }
0x376: {  	[tilespmem:s23+$0x16210] =	vst v46;
	v43 =	vld [tilespmem:s26+$0x8000];
	v58 =	vmul.f32 v33, v29;
	v29 =	vmul.f32 v28, v30  }
0x377: {  	s25 =	sor.u32 $0x300, s7;
	[tilespmem:s23+$0x16290] =	vst v47;
	v36 =	vmul.f32 v0, v37;
	v33 =	vld [tilespmem:s3+$0xA110];
	v30 =	vmul.f32 v0, v42  }
0x378: {  	s24 =	sor.u32 $0x2380, s7;
	v20 =	vmovc v3;
	v19 =	vmovc v2;
	v42 =	vld [tilespmem:s25+$0x8000];
	vm14 =	vgt.f32 v29, $1.000000000e+00;
	v29 =	vmul.f32 v3, v3;
	v3 =	vmul.f32 v4, v4  }
0x379: {  	v37 =	vld [tilespmem:s24+$0x8000];
	[tilespmem:s9+$0x14000] =	vst v51;
	v62 =	vsel vm14, v27, v28;
	v27 =	vmul.f32 v2, v2;
	v28 =	vmul.f32 v5, v5  }
0x37a: {  	[tilespmem:s31+$0x14090] =	vst v48;
	v2 =	vmul.f32 v18, v18;
	v29 =	vadd.f32 v3, v29;
	v3 =	vmul.f32 v24, v24  }
0x37b: {  	[tilespmem:s31+$0x14110] =	vst v52;
	v61 =	vmul.f32 v39, v39;
	v27 =	vadd.f32 v28, v27;
	v28 =	vmul.f32 v45, v45  }
0x37c: {  	v34 =	vld [tilespmem:s3+$0xA210];
	[tilespmem:s31+$0x14190] =	vst v53;
	v51 =	vadd.f32 v3, v2;
	v2 =	vmul.f32 v33, v33;
	v3 =	vmul.f32 v31, v31  }
0x37d: {  	v35 =	vld [tilespmem:s3+$0xA290];
	[tilespmem:s5+$0x14000] =	vst v1;
	v1 =	vmul.f32 v38, v38;
	v44 =	vmul.f32 v42, v42;
	v28 =	vadd.f32 v61, v28  }
0x37e: {  	v40 =	vld [tilespmem:s3+$0x8000];
	[tilespmem:s31+$0x14010] =	vst v30;
	v61 =	vmul.f32 v43, v43;
	v30 =	vadd.f32 v3, v2;
	v3 =	vmul.f32 v37, v37  }
0x37f: {  	v47 =	vld [tilespmem:s3+$0x8180];
	[tilespmem:s31+$0x14210] =	vst v57  }
0x380: {  	v52 =	vadd.f32 v61, v44;
	v61 =	vmul.f32 v0, v41;
	v48 =	vadd.f32 v3, v1;
	v1 =	vld [tilespmem:$0x1FAD0];
	[tilespmem:s31+$0x14290] =	vst v63  }
0x381: {  	v54 =	vmul.f32 v0, v54;
	v50 =	vmul.f32 v0, v50;
	v41 =	vld [tilespmem:s3+$0x8080];
	[tilespmem:s15+$0x14000] =	vst v36  }
0x382: {  	v46 =	vmul.f32 v34, v34;
	v26 =	vmov v39;
	v39 =	vmul.f32 v35, v35;
	v44 =	vld [tilespmem:s3+$0x8100];
	[tilespmem:s28+$0x14000] =	vst v61  }
0x383: {  	v25 =	vmovc v24;
	v24 =	vmov v45;
	v29 =	vadd.f32 v27, v29;
	v45 =	vadd.f32 v52, v51;
	[tilespmem:s31+$0x16010] =	vst v54  }
0x384: {  	v49 =	vmul.f32 v0, v49;
	v57 =	vmul.f32 v0, v56;
	v46 =	vadd.f32 v39, v46;
	v39 =	vld [tilespmem:$0x1FAE0]  }
0x385: {  	v52 =	vmul.f32 v0, v59;
	v53 =	vmul.f32 v0, v1;
	v1 =	vadd.f32 v45, v29;
	v45 =	vld [tilespmem:$0x1FAF0];
	[tilespmem:s31+$0x16090] =	vst v50  }
0x386: {  	v28 =	vadd.f32 v30, v28;
	v59 =	vmul.f32 v41, v41;
	v29 =	vmul.f32 v40, v40;
	[tilespmem:s31+$0x16110] =	vst v49  }
0x387: {  	v30 =	vadd.f32 v48, v46;
	v46 =	vmul.f32 v47, v47;
	v36 =	vmul.f32 v44, v44;
	v61 =	vld [tilespmem:$0x1FB10]  }
0x388: {  	v22 =	vmov v5;
	v51 =	vmul.f32 v0, v55;
	v5 =	vadd.f32 v59, v29;
	v59 =	vld [tilespmem:$0x1FB00];
	[tilespmem:s31+$0x16190] =	vst v53  }
0x389: {  	v53 =	vadd.f32 v46, v36;
	v36 =	vld [tilespmem:$0x1FB20];
	[tilespmem:s31+$0x16210] =	vst v57  }
0x38a: {  	s21 =	sor.u32 s8, s11;
	v60 =	vmul.f32 v0, v60;
	s5 =	sor.u32 $0x300, s10;
	[tilespmem:s31+$0x16290] =	vst v51  }
0x38b: {  	v2 =	vld [tilespmem:s5+$0x8000];
	s28 =	sor.u32 $0x380, s21;
	v63 =	vmul.f32 v62, v39;
	[tilespmem:s14+$0x14000] =	vst v52  }
0x38c: {  	v30 =	vadd.f32 v30, v28;
	v28 =	vld [tilespmem:s28+$0x8000];
	[tilespmem:s22+$0x14000] =	vst v60  }
0x38d: {  	[tilespmem:s23+$0x14000] =	vst v63  }
0x38e: {  	v63 =	vld [tilespmem:$0x1FB30]  }
0x38f: {  	v56 =	vld [tilespmem:s3+$0x8280];
	v1 =	vadd.f32 v30, v1  }
0x390: {  	s9 =	sor.u32 $0x2300, s10;
	v55 =	vld [tilespmem:s3+$0x8200];
	v27 =	vmov v2;
	v2 =	vmul.f32 v2, v2  }
0x391: {  	v23 =	vmovc v18;
	v18 =	vld [tilespmem:s9+$0x8000];
	v50 =	vmul.f32 v62, v61;
	v61 =	vmax.f32 v1, $1.000000000e-30;
	v1 =	vmul.f32 v28, v28  }
0x392: {  	v48 =	vmul.f32 v58, v32;
	v32 =	vld [tilespmem:s3+$0xA100]  }
0x393: {  	v45 =	vmul.f32 v62, v45;
	v1 =	vadd.f32 v1, v2;
	v2 =	vmul.f32 v62, v63;
	v63 =	vld [tilespmem:$0x1FB40]  }
0x394: {  	v21 =	vmov v4;
	v4 =	vmov v58;
	v58 =	vld [tilespmem:s3+$0xA200];
	v49 =	vmul.f32 v62, v59  }
0x395: {  	v29 =	vld [tilespmem:s3+$0xA000];
	v57 =	vmul.f32 v55, v55;
	[tilespmem:s23+$0x14080] =	vst v45  }
0x396: {  	v30 =	vld [tilespmem:s3+$0xA080];
	v51 =	vmul.f32 v56, v56;
	v54 =	vmul.f32 v62, v36;
	[tilespmem:s23+$0x14100] =	vst v49  }
0x397: {  	v36 =	vld [tilespmem:s3+$0xA180];
	[tilespmem:s23+$0x14180] =	vst v50  }
0x398: {  	s21 =	sor.u32 $0x2380, s21;
	v51 =	vadd.f32 v51, v57;
	v59 =	vld [tilespmem:s3+$0xA280];
	[tilespmem:s23+$0x14200] =	vst v54;
	v63 =	vmul.f32 v62, v63  }
0x399: {  	v60 =	vld [tilespmem:s21+$0x8000];
	[tilespmem:s23+$0x14280] =	vst v2  }
0x39a: {  	v39 =	vshra.s32 v61, $0x1;
	v1 =	vadd.f32 v1, v51;
	v51 =	vld [tilespmem:$0x1FB50];
	[tilespmem:s18+$0x14000] =	vst v63  }
0x39b: {  	v57 =	vmul.f32 v30, v30;
	v52 =	vsub.s32 $0x5F3759DF, v39;
	v39 =	vmul.f32 v29, v29;
	v63 =	vld [tilespmem:$0x1FB60]  }
0x39c: {  	v49 =	vadd.f32 v53, v5;
	v53 =	vmul.f32 v32, v32;
	v45 =	vmul.f32 v36, v36  }
0x39d: {  	v50 =	vmul.f32 v58, v58;
	v3 =	vmul.f32 v59, v59  }
0x39e: {  	v54 =	vmul.f32 v18, v18;
	v53 =	vadd.f32 v45, v53;
	v45 =	vmul.f32 v60, v60  }
0x39f: {  	v46 =	vmul.f32 $5.000000000e-01, v61;
	v2 =	vadd.f32 v3, v50;
	v50 =	vmul.f32 v62, v51  }
0x3a0: {  	v39 =	vadd.f32 v57, v39;
	v57 =	vadd.f32 v45, v54;
	v45 =	vmul.f32 v62, v63  }
0x3a1: {  	v0 =	vmul.f32 v52, v46;
	[tilespmem:s20+$0x14000] =	vst v50  }
0x3a2: {  	v50 =	vld [tilespmem:$0x1FB70];
	[tilespmem:s23+$0x16000] =	vst v45  }
0x3a3: {  	v0 =	vmul.f32 v52, v0;
	v51 =	vld [tilespmem:$0x1FB80];
	_ =	sdelay $0x1  }
0x3a4: {  	v0 =	vsub.f32 $1.500000000e+00, v0;
	_ =	sdelay $0x1  }
0x3a5: {  	v63 =	vmul.f32 v52, v0;
	v0 =	vmul.f32 v62, v50  }
0x3a6: {  	v52 =	vmul.f32 v62, v51  }
0x3a7: {  	[tilespmem:s23+$0x16080] =	vst v0  }
0x3a8: {  	v0 =	vld [tilespmem:$0x1FB90];
	[tilespmem:s23+$0x16100] =	vst v52  }
0x3a9: {  	v39 =	vadd.f32 v53, v39;
	v53 =	vld [tilespmem:$0x1FBA0];
	_ =	sdelay $0x1  }
0x3aa: {  	v54 =	vld [tilespmem:$0x1FBB0]  }
0x3ab: {  	v2 =	vadd.f32 v57, v2  }
0x3ac: {  	v0 =	vmul.f32 v62, v0  }
0x3ad: {  	v39 =	vadd.f32 v2, v39;
	v2 =	vmul.f32 v62, v53  }
0x3ae: {  	v48 =	vmul.f32 v48, v4;
	[tilespmem:s23+$0x16180] =	vst v0  }
0x3af: {  	v51 =	vld [tilespmem:$0x1FBC0];
	v45 =	vmul.f32 v62, v54;
	[tilespmem:s23+$0x16200] =	vst v2  }
0x3b0: {  	v48 =	vsub.f32 $1.500000000e+00, v48;
	v52 =	vld [tilespmem:$0x1FBD0]  }
0x3b1: {  	[tilespmem:s23+$0x16280] =	vst v45  }
0x3b2: {  	v1 =	vadd.f32 v1, v49;
	v57 =	vmul.f32 v48, v4;
	v46 =	vmul.f32 v63, v46;
	v54 =	vld [tilespmem:$0x1FBE0];
	_ =	sdelay $0x1  }
0x3b3: {  	v1 =	vadd.f32 v39, v1;
	v0 =	vmul.f32 v46, v63;
	v50 =	vmul.f32 v57, v51  }
0x3b4: {  	v2 =	vmul.f32 v57, v7;
	v53 =	vmul.f32 v62, v52  }
0x3b5: {  	v39 =	vmax.f32 v1, $1.000000000e-30;
	vm15 =	vgt.f32 v50, $9.999999960e-13  }
0x3b6: {  	v48 =	vsub.f32 $1.500000000e+00, v0;
	v49 =	vsel vm15, v2, v8;
	v46 =	vmul.f32 v62, v54;
	[tilespmem:s4+$0x14000] =	vst v53;
	s4 =	sshll.u32 s19, $0xF  }
.LBB2_12:
0x3b7: {  	s8 =	sadd.s32 $0x20, s8;
	s11 =	sadd.s32 $0x100, s11;
	v50 =	vmul.f32 v49, v50  }
0x3b8: {  	v0 =	vshra.s32 v39, $0x1;
	v51 =	vmul.f32 $5.000000000e-01, v39;
	s7 =	sand.u32 $0x60, s8;
	s10 =	sand.u32 $0x1C00, s11  }
0x3b9: {  	v1 =	vmul.f32 v48, v63;
	v5 =	vmovc v58;
	v62 =	vld [tilespmem:$0x1FA60];
	[tilespmem:s0+$0x14000] =	vst v46;
	v0 =	vsub.s32 $0x5F3759DF, v0;
	s14 =	sor.u32 s7, s10;
	vm0 =	vgt.f32 v50, $1.000000000e+00  }
0x3ba: {  	v3 =	vmov v59;
	[tilespmem:$0x1FA50] =	vst v5;
	v52 =	vmul.f32 v0, v51;
	v54 =	vld [tilespmem:s14+$0x8010];
	v49 =	vsel vm0, v57, v49  }
0x3bb: {  	v2 =	vmov v9;
	[tilespmem:$0x1FA30] =	vst v3;
	v53 =	vmul.f32 v1, v61;
	v59 =	vld [tilespmem:s14+$0x8090];
	v58 =	vmul.f32 v49, v17  }
0x3bc: {  	v63 =	vmovc v41;
	[tilespmem:$0x1FA40] =	vst v2;
	v46 =	vmovc v14;
	v14 =	vmov v18;
	v18 =	vmov v40;
	v3 =	vmul.f32 v1, v7;
	v40 =	vld [tilespmem:s14+$0x8190]  }
0x3bd: {  	v45 =	vmul.f32 v0, v52;
	vm1 =	vgt.f32 v53, $9.999999960e-13;
	[tilespmem:s31+$0x14000] =	vst v58;
	v58 =	vld [tilespmem:$0x1FA90]  }
0x3be: {  	[tilespmem:$0x1FA60] =	vst v63;
	v41 =	vld [tilespmem:s14+$0x8210];
	v4 =	vmov v13;
	v57 =	vsel vm1, v3, v8  }
0x3bf: {  	v63 =	vmovc v55;
	v52 =	vld [tilespmem:s14+$0x8110];
	v61 =	vmul.f32 v49, v6;
	[tilespmem:$0x1FA20] =	vst v4;
	v50 =	vsub.f32 $1.500000000e+00, v45;
	v53 =	vmul.f32 v57, v53  }
0x3c0: {  	v48 =	vmov v60;
	v60 =	vmul.f32 v49, v62;
	v62 =	vmov v47;
	v47 =	vld [tilespmem:s14+$0x8290];
	[tilespmem:$0x1FA90] =	vst v63  }
0x3c1: {  	[tilespmem:s31+$0x14100] =	vst v61;
	v45 =	vmovc v44;
	v44 =	vld [tilespmem:$0x1FA80];
	v50 =	vmul.f32 v0, v50;
	vm14 =	vgt.f32 v53, $1.000000000e+00;
	v53 =	vmul.f32 v49, v12  }
0x3c2: {  	s2 =	sadd.s32 $0x1, s2;
	[tilespmem:s31+$0x14080] =	vst v60;
	v0 =	vld [tilespmem:s14+$0xA010];
	v55 =	vmul.f32 v54, v54;
	v1 =	vsel vm14, v1, v57;
	v58 =	vmul.f32 v49, v58  }
0x3c3: {  	s23 =	sand.u32 $0x3, s2;
	v13 =	vmov v56;
	[tilespmem:$0x1FA80] =	vst v62;
	v56 =	vmul.f32 v59, v59;
	v57 =	vld [tilespmem:s14+$0xA090];
	v3 =	vmul.f32 v1, v20  }
0x3c4: {  	s7 =	sshll.u32 s23, $0x5;
	v60 =	vmul.f32 v52, v52;
	v20 =	vmov v54;
	v54 =	vld [tilespmem:s14+$0xA110];
	v62 =	vmul.f32 v1, v21;
	[tilespmem:s31+$0x14200] =	vst v58  }
0x3c5: {  	s7 =	sadd.s32 s7, s11;
	v21 =	vmov v59;
	v59 =	vmul.f32 v41, v41;
	v61 =	vmul.f32 v1, v19;
	v58 =	vld [tilespmem:s14+$0xA190];
	[tilespmem:s3+$0x14010] =	vst v3  }
0x3c6: {  	s19 =	sor.u32 $0x300, s7;
	s18 =	sor.u32 $0x2300, s7;
	s7 =	sadd.s32 $0x10, s7;
	v12 =	vmov v10;
	v2 =	vmul.f32 v47, v47;
	v44 =	vmul.f32 v49, v44;
	v63 =	vld [tilespmem:s14+$0xA210];
	[tilespmem:s3+$0x14090] =	vst v62  }
0x3c7: {  	s10 =	sor.u32 $0x300, s7;
	v19 =	vmovc v52;
	v52 =	vmul.f32 v1, v22;
	v22 =	vmov v40;
	v33 =	vmul.f32 v1, v33;
	v62 =	vld [tilespmem:s14+$0xA290];
	[tilespmem:s3+$0x14110] =	vst v61  }
0x3c8: {  	s20 =	sor.u32 s8, s11;
	v10 =	vadd.f32 v56, v55;
	[tilespmem:s31+$0x14180] =	vst v44;
	v44 =	vmul.f32 v40, v40;
	v40 =	vmul.f32 v1, v23;
	v61 =	vld [tilespmem:s10+$0x8000]  }
0x3c9: {  	s0 =	smov.u32 s17;
	s22 =	sor.u32 $0x2380, s20;
	s23 =	sor.u32 $0x380, s7;
	v31 =	vmul.f32 v1, v31;
	v23 =	vmov v41;
	[tilespmem:s3+$0x14190] =	vst v52;
	v52 =	vmul.f32 v1, v25;
	v41 =	vld [tilespmem:s14+$0x8080]  }
0x3ca: {  	s17 =	smov.u32 s21;
	s21 =	smov.u32 s22;
	s22 =	sor.u32 $0x2300, s7;
	v55 =	vmul.f32 v1, v34;
	v25 =	vmov v47;
	v47 =	vmul.f32 v1, v42;
	v5 =	vld [tilespmem:s23+$0x8000];
	[tilespmem:s3+$0x14210] =	vst v40  }
0x3cb: {  	s15 =	sor.u32 $0x380, s20;
	s20 =	sor.u32 $0x2380, s7;
	v3 =	vmul.f32 v0, v0;
	v7 =	vld [tilespmem:s22+$0x8000];
	[tilespmem:s3+$0x14290] =	vst v52;
	v52 =	vmul.f32 v1, v43  }
0x3cc: {  	v4 =	vmul.f32 v57, v57;
	v40 =	vmul.f32 v1, v24;
	v8 =	vld [tilespmem:s20+$0x8000];
	[tilespmem:s25+$0x14000] =	vst v47  }
0x3cd: {  	v17 =	vmovc v15;
	v6 =	vmul.f32 v54, v54;
	v24 =	vmov v0;
	v0 =	vld [tilespmem:s19+$0x8000];
	v47 =	vmul.f32 v1, v26;
	[tilespmem:s26+$0x14000] =	vst v52  }
0x3ce: {  	v3 =	vadd.f32 v4, v3;
	v60 =	vadd.f32 v44, v60;
	v44 =	vld [tilespmem:s14+$0x8100];
	v42 =	vmul.f32 v58, v58;
	[tilespmem:s3+$0x16010] =	vst v40  }
0x3cf: {  	v15 =	vmovc v11;
	v4 =	vmul.f32 v1, v35;
	v43 =	vmul.f32 v63, v63;
	v26 =	vmov v57;
	v52 =	vld [tilespmem:s18+$0x8000];
	[tilespmem:s3+$0x16090] =	vst v47  }
0x3d0: {  	v9 =	vmul.f32 v62, v62;
	v6 =	vadd.f32 v42, v6;
	v57 =	vmul.f32 v61, v61;
	v40 =	vld [tilespmem:s14+$0x8000];
	[tilespmem:s3+$0x16110] =	vst v33  }
0x3d1: {  	v2 =	vadd.f32 v2, v59;
	[tilespmem:s3+$0x16190] =	vst v31;
	v47 =	vld [tilespmem:s14+$0x8180];
	v31 =	vmul.f32 v1, v38;
	v56 =	vmul.f32 v5, v5  }
0x3d2: {  	[tilespmem:s3+$0x16210] =	vst v55;
	v55 =	vld [tilespmem:s14+$0x8200];
	v1 =	vmul.f32 v1, v37;
	v9 =	vadd.f32 v9, v43;
	v3 =	vadd.f32 v6, v3  }
0x3d3: {  	[tilespmem:s3+$0x16290] =	vst v4;
	v6 =	vld [tilespmem:s15+$0x8000];
	v11 =	vmul.f32 v7, v7;
	v59 =	vmul.f32 v8, v8;
	v43 =	vadd.f32 v56, v57  }
0x3d4: {  	[tilespmem:s13+$0x14000] =	vst v31;
	v56 =	vld [tilespmem:s14+$0x8280]  }
0x3d5: {  	[tilespmem:s24+$0x14000] =	vst v1;
	v11 =	vadd.f32 v59, v11;
	v2 =	vadd.f32 v43, v2;
	v43 =	vld [tilespmem:$0x1FA70]  }
0x3d6: {  	v10 =	vadd.f32 v60, v10;
	v60 =	vmul.f32 v41, v41;
	v1 =	vld [tilespmem:s14+$0xA000];
	[tilespmem:s31+$0x14280] =	vst v53  }
0x3d7: {  	v4 =	vmul.f32 v0, v0;
	v53 =	vld [tilespmem:s14+$0xA080];
	v9 =	vadd.f32 v11, v9;
	v11 =	vmul.f32 v40, v40  }
0x3d8: {  	v35 =	vmovc v62;
	v37 =	vmul.f32 v44, v44;
	v59 =	vld [tilespmem:s14+$0xA280];
	v2 =	vadd.f32 v2, v10;
	v10 =	vmul.f32 v47, v47  }
0x3d9: {  	v33 =	vmovc v54;
	v54 =	vld [tilespmem:s14+$0xA180];
	v38 =	vmul.f32 v55, v55;
	v3 =	vadd.f32 v9, v3;
	v11 =	vadd.f32 v60, v11  }
0x3da: {  	v31 =	vmovc v58;
	v58 =	vld [tilespmem:s14+$0xA200];
	v60 =	vmul.f32 v56, v56;
	v10 =	vadd.f32 v10, v37;
	v62 =	vmul.f32 v49, v43  }
0x3db: {  	v34 =	vmovc v63;
	v9 =	vld [tilespmem:s14+$0xA100];
	v2 =	vadd.f32 v3, v2;
	v3 =	vmul.f32 v50, v51;
	v51 =	vmul.f32 v6, v6  }
0x3dc: {  	v57 =	vmul.f32 v52, v52;
	v43 =	vmovc v5;
	v5 =	vmul.f32 v1, v1;
	v63 =	vadd.f32 v60, v38;
	v60 =	vld [tilespmem:s21+$0x8000]  }
0x3dd: {  	v42 =	vmovc v61;
	v10 =	vadd.f32 v10, v11;
	v11 =	vmul.f32 v59, v59;
	v4 =	vadd.f32 v51, v4  }
0x3de: {  	[tilespmem:s1+$0x14000] =	vst v62;
	v61 =	vmax.f32 v2, $1.000000000e-30;
	v2 =	vmul.f32 v53, v53;
	v51 =	vmul.f32 v54, v54;
	v62 =	vmovc v27  }
0x3df: {  	v38 =	vmovc v7;
	v7 =	vshra.s32 v61, $0x1;
	[tilespmem:$0x1FA70] =	vst v62;
	v62 =	vmul.f32 v58, v58;
	v4 =	vadd.f32 v4, v63  }
0x3e0: {  	v37 =	vmovc v8;
	v8 =	vmul.f32 $5.000000000e-01, v61;
	v27 =	vmovc v0;
	v0 =	vmul.f32 v9, v9;
	v7 =	vsub.s32 $0x5F3759DF, v7  }
0x3e1: {  	v63 =	vmul.f32 v60, v60;
	v4 =	vadd.f32 v4, v10;
	v10 =	vadd.f32 v11, v62;
	v11 =	vld [tilespmem:$0x1FAA0]  }
0x3e2: {  	v2 =	vadd.f32 v2, v5;
	v5 =	vmul.f32 v7, v8;
	v62 =	vld [tilespmem:$0x1FAB0]  }
0x3e3: {  	v0 =	vadd.f32 v51, v0;
	v51 =	vmovc v28;
	v28 =	vmov v6;
	v6 =	vadd.f32 v63, v57  }
0x3e4: {  	v5 =	vmul.f32 v7, v5  }
0x3e5: {  	[tilespmem:$0x1FAA0] =	vst v51;
	v0 =	vadd.f32 v0, v2;
	v51 =	vadd.f32 v6, v10  }
0x3e6: {  	v5 =	vsub.f32 $1.500000000e+00, v5;
	v63 =	vmov v29;
	v11 =	vmul.f32 v49, v11  }
0x3e7: {  	[tilespmem:$0x1FAB0] =	vst v63;
	v2 =	vmul.f32 v49, v62;
	v0 =	vadd.f32 v51, v0;
	v51 =	vld [tilespmem:$0x1FA20]  }
0x3e8: {  	v63 =	vmul.f32 v7, v5;
	v5 =	vmul.f32 v49, v15;
	[tilespmem:s16+$0x14000] =	vst v11  }
0x3e9: {  	v62 =	vmul.f32 v49, v17;
	[tilespmem:s31+$0x16000] =	vst v2  }
0x3ea: {  	v10 =	vmul.f32 v49, v16;
	v7 =	vmul.f32 v63, v8;
	[tilespmem:s31+$0x16080] =	vst v5  }
0x3eb: {  	v46 =	vmul.f32 v49, v46;
	v3 =	vmul.f32 v3, v50;
	[tilespmem:s31+$0x16100] =	vst v62  }
0x3ec: {  	v8 =	vld [tilespmem:$0x1FFF0];
	[tilespmem:s31+$0x16180] =	vst v10;
	v11 =	vmovc v30;
	v30 =	vmov v53;
	v53 =	vmul.f32 v7, v63;
	v2 =	vmul.f32 v49, v51  }
0x3ed: {  	v3 =	vsub.f32 $1.500000000e+00, v3;
	[tilespmem:s31+$0x16200] =	vst v46;
	v62 =	vmul.f32 v49, v12;
	v7 =	vld [tilespmem:$0x1FFE0]  }
0x3ee: {  	v15 =	vmovc v32;
	v32 =	vmov v9;
	v9 =	vmov v48;
	v48 =	vsub.f32 $1.500000000e+00, v53;
	v53 =	vld [tilespmem:$0x1FA40];
	[tilespmem:s31+$0x16280] =	vst v2  }
0x3ef: {  	p0 =	slt.u32 s8, $0x3E0;
	v57 =	vmul.f32 v3, v50;
	[tilespmem:s12+$0x14000] =	vst v62;
	v62 =	vld [tilespmem:$0x1FA50]  }
.Ltmp9:
0x3f0: {  	_ = 	snop;
	(pc) =	sbr.rel @p0 .LBB2_12-.Ltmp9, $4  }
0x3f1: {  	s25 =	smov.u32 s10;
	s26 =	smov.u32 s23;
	s13 =	smov.u32 s22;
	v50 =	vmul.f32 v57, v39  }
0x3f2: {  	s24 =	smov.u32 s20;
	s1 =	smov.u32 s5;
	s5 =	smov.u32 s19;
	v29 =	vmovc v1;
	v16 =	vmovc v36;
	v36 =	vmov v54;
	v0 =	vadd.f32 v0, v4;
	v4 =	vmul.f32 v57, v7  }
0x3f3: {  	v17 =	vmovc v18;
	v6 =	vmovc v45;
	vm15 =	vgt.f32 v50, $9.999999960e-13;
	v18 =	vmov v52;
	s16 =	smov.u32 s28;
	s28 =	smov.u32 s15;
	v12 =	vmov v13;
	s31 =	smov.u32 s3  }
0x3f4: {  	v13 =	vld [tilespmem:$0x1FA30];
	v10 =	vmovc v14;
	v39 =	vmax.f32 v0, $1.000000000e-30;
	s3 =	smov.u32 s14;
	s12 =	smov.u32 s9;
	s9 =	smov.u32 s18;
	v46 =	vmul.f32 v49, v53;
	v49 =	vsel vm15, v4, v8;
	v14 =	vmovc v62  }
0x3f5: {  	v0 =	vmul.f32 v48, v63;
	_ =	sdelay $0x1  }
0x3f6: {  	[tilespmem:s0+$0x14000] =	vst v46;
	v2 =	vmul.f32 v0, v61  }
0x3f7: {  	v1 =	vmul.f32 v49, v50;
	v3 =	vmul.f32 v0, v7;
	v5 =	vld [tilespmem:$0x1FA60]  }
0x3f8: {  	vm1 =	vgt.f32 v2, $9.999999960e-13  }
0x3f9: {  	vm0 =	vgt.f32 v1, $1.000000000e+00;
	v3 =	vsel vm1, v3, v8  }
0x3fa: {  	v1 =	vsel vm0, v57, v49;
	v2 =	vmul.f32 v3, v2  }
0x3fb: {  	v4 =	vmul.f32 v1, v17  }
0x3fc: {  	v5 =	vmul.f32 v1, v5;
	vm13 =	vgt.f32 v2, $1.000000000e+00  }
0x3fd: {  	v6 =	vmul.f32 v1, v6;
	[tilespmem:s31+$0x14000] =	vst v4;
	v0 =	vsel vm13, v0, v3  }
0x3fe: {  	v4 =	vld [tilespmem:$0x1FA80];
	[tilespmem:s31+$0x14080] =	vst v5;
	v3 =	vmul.f32 v0, v20  }
0x3ff: {  	v50 =	vld [tilespmem:$0x1FA90];
	[tilespmem:s31+$0x14100] =	vst v6;
	v53 =	vmul.f32 v0, v21  }
0x400: {  	v57 =	vmul.f32 v0, v19;
	[tilespmem:s3+$0x14010] =	vst v3  }
0x401: {  	v61 =	vmul.f32 v0, v22;
	[tilespmem:s3+$0x14090] =	vst v53  }
0x402: {  	v62 =	vmul.f32 v0, v23;
	[tilespmem:s3+$0x14110] =	vst v57  }
0x403: {  	v63 =	vmul.f32 v0, v25;
	[tilespmem:s3+$0x14190] =	vst v61  }
0x404: {  	v17 =	vmul.f32 v0, v42;
	[tilespmem:s3+$0x14210] =	vst v62  }
0x405: {  	v4 =	vmul.f32 v1, v4;
	[tilespmem:s3+$0x14290] =	vst v63  }
0x406: {  	v19 =	vmul.f32 v0, v43;
	[tilespmem:s25+$0x14000] =	vst v17  }
0x407: {  	v20 =	vmul.f32 v0, v24;
	[tilespmem:s31+$0x14180] =	vst v4  }
0x408: {  	v51 =	vshra.s32 v39, $0x1;
	v52 =	vmul.f32 $5.000000000e-01, v39;
	v21 =	vmul.f32 v0, v26;
	[tilespmem:s26+$0x14000] =	vst v19  }
0x409: {  	v54 =	vsub.s32 $0x5F3759DF, v51;
	v22 =	vmul.f32 v0, v33;
	[tilespmem:s3+$0x16010] =	vst v20  }
0x40a: {  	v23 =	vmul.f32 v0, v31;
	v4 =	vmul.f32 v54, v52;
	[tilespmem:s3+$0x16090] =	vst v21  }
0x40b: {  	v24 =	vmul.f32 v0, v34;
	[tilespmem:s3+$0x16110] =	vst v22  }
0x40c: {  	v25 =	vmul.f32 v0, v35;
	[tilespmem:s3+$0x16190] =	vst v23;
	v4 =	vmul.f32 v54, v4  }
0x40d: {  	v26 =	vmul.f32 v0, v38;
	[tilespmem:s3+$0x16210] =	vst v24  }
0x40e: {  	v2 =	vmul.f32 v1, v50;
	[tilespmem:s3+$0x16290] =	vst v25;
	v4 =	vsub.f32 $1.500000000e+00, v4  }
0x40f: {  	v0 =	vmul.f32 v0, v37;
	[tilespmem:s13+$0x14000] =	vst v26  }
0x410: {  	[tilespmem:s31+$0x14200] =	vst v2;
	v2 =	vmul.f32 v54, v4  }
0x411: {  	v33 =	vmul.f32 v1, v12;
	[tilespmem:s24+$0x14000] =	vst v0  }
0x412: {  	v0 =	vld [tilespmem:$0x1FA70];
	v5 =	vmul.f32 v2, v52  }
0x413: {  	[tilespmem:s31+$0x14280] =	vst v33  }
0x414: {  	v3 =	vld [tilespmem:$0x1FAA0];
	v5 =	vmul.f32 v5, v2;
	_ =	sdelay $0x1  }
0x415: {  	v31 =	vsub.f32 $1.500000000e+00, v5  }
0x416: {  	v0 =	vmul.f32 v1, v0  }
0x417: {  	v2 =	vmul.f32 v31, v2  }
0x418: {  	v3 =	vmul.f32 v1, v3;
	[tilespmem:s1+$0x14000] =	vst v0  }
0x419: {  	v34 =	vmul.f32 v1, v11;
	v0 =	vld [tilespmem:$0x1FAB0];
	v4 =	vmul.f32 v2, v39  }
0x41a: {  	v37 =	vmul.f32 v1, v15;
	[tilespmem:s16+$0x14000] =	vst v3;
	v35 =	vmul.f32 v2, v7  }
0x41b: {  	v38 =	vmul.f32 v1, v16;
	[tilespmem:s31+$0x16080] =	vst v34;
	vm14 =	vgt.f32 v4, $9.999999960e-13  }
0x41c: {  	v42 =	vmul.f32 v1, v14;
	[tilespmem:s31+$0x16100] =	vst v37;
	v39 =	vsel vm14, v35, v8  }
0x41d: {  	v43 =	vmul.f32 v1, v13;
	[tilespmem:s31+$0x16180] =	vst v38;
	v4 =	vmul.f32 v39, v4  }
0x41e: {  	[tilespmem:s31+$0x16200] =	vst v42;
	v0 =	vmul.f32 v1, v0  }
0x41f: {  	v45 =	vmul.f32 v1, v10;
	[tilespmem:s31+$0x16280] =	vst v43;
	vm15 =	vgt.f32 v4, $1.000000000e+00  }
0x420: {  	v1 =	vmul.f32 v1, v9;
	[tilespmem:s31+$0x16000] =	vst v0;
	v2 =	vsel vm15, v2, v39  }
0x421: {  	[tilespmem:s12+$0x14000] =	vst v45;
	v46 =	vmul.f32 v2, v40  }
0x422: {  	[tilespmem:s17+$0x14000] =	vst v1;
	v48 =	vmul.f32 v2, v41  }
0x423: {  	v3 =	vmul.f32 v2, v44;
	[tilespmem:s3+$0x14000] =	vst v46  }
0x424: {  	v49 =	vmul.f32 v2, v47;
	[tilespmem:s3+$0x14080] =	vst v48  }
0x425: {  	v50 =	vmul.f32 v2, v55;
	[tilespmem:s3+$0x14100] =	vst v3  }
0x426: {  	v51 =	vmul.f32 v2, v56;
	[tilespmem:s3+$0x14180] =	vst v49  }
0x427: {  	v52 =	vmul.f32 v2, v27;
	[tilespmem:s3+$0x14200] =	vst v50  }
0x428: {  	v53 =	vmul.f32 v2, v28;
	[tilespmem:s3+$0x14280] =	vst v51  }
0x429: {  	v54 =	vmul.f32 v2, v29;
	[tilespmem:s5+$0x14000] =	vst v52  }
0x42a: {  	v55 =	vmul.f32 v2, v30;
	[tilespmem:s28+$0x14000] =	vst v53  }
0x42b: {  	v56 =	vmul.f32 v2, v32;
	[tilespmem:s3+$0x16000] =	vst v54  }
0x42c: {  	v57 =	vmul.f32 v2, v36;
	[tilespmem:s3+$0x16080] =	vst v55  }
0x42d: {  	v58 =	vmul.f32 v2, v58;
	[tilespmem:s3+$0x16100] =	vst v56  }
0x42e: {  	v61 =	vmul.f32 v2, v59;
	[tilespmem:s3+$0x16180] =	vst v57  }
0x42f: {  	v62 =	vmul.f32 v2, v18;
	[tilespmem:s3+$0x16200] =	vst v58  }
0x430: {  	v63 =	vmul.f32 v2, v60;
	[tilespmem:s3+$0x16280] =	vst v61  }
0x431: {  	[tilespmem:s9+$0x14000] =	vst v62  }
0x432: {  	[tilespmem:s21+$0x14000] =	vst v63  }
0x433: {  	s2 =	simm.s32 $0x7A1400;
	s0 =	rddreg [dreg:$0x9]  }
0x434: {  	s31 =	simm.s32 $0x14000;
	s28 =	simm.s32 $0x2000;
	s0 =	sadd.s32 s4, s0  }
0x435: {  	[hbm4b:s0+s28] =	stream.strided.scatter [tilespmem:s31], [sflag:$0x6], $0x4000, s2, s28, $0x38;
	[tilespmem:$0x18080] =	vst v63  }
.Ltmp10:
0x436: {  	s0 =	sadd.s32 $0x5, s30;
	(pc) =	sbr.rel .LBB2_14-.Ltmp10, $4  }
0x437: {  	p0 =	sge.u32 s0, s6  }
0x438: {  	s1 =	rddreg [dreg:$0x6];
	s0 =	sshll.u32 @!p0 s0, $0xF;
	s2 =	simm.s32 @!p0 $0x7A1400  }
0x439: {  	s3 =	simm.s32 @!p0 $0x8000;
	s0 =	sadd.s32 @!p0 s0, s1;
	s1 =	simm.s32 @!p0 $0x2000  }
0x43a: {  	[tilespmem:s3], [sflag:$0x3] =	stream.strided.gather @!p0 [hbm4b:s0+s1], $0x4000, s2, s1, $0x38;
	[tilespmem:$0x18080] =	vst v63  }
.LBB2_16:
0x43b: {  	_ =	sfence.sel $0x180000  }
0x43c: {  	[bflag:$0x0] =	sbarrier.arrive $0xFFFF  }
0x43d: {  	_ =	strace $0x90000047  }
0x43e: {  	s0 =	stileid.u32;
	[bflag:$0x2] =	sbarrier.arrive $0xFFFF  }
0x43f: {  	p0 =	sne.s32 s0, $0x0;
	s0 =	rddreg [dreg:$0x3]  }
0x440: {  	s0 =	sadd.s32 @!p0 $0x100000, s0  }
0x441: {  	[sflag:s0] =	ssyncadd.tile.s32 @!p0 $0x1;
	_ =	shalt  }
.Lfunc_end2:
_tile_overlayer_lowered:
.L_overlay_start_2:
0x442: {  	(tag) =	ssettag $0x2  }
0x443: {  	s0 =	rddreg [dreg:$0x0];
	s2 =	stileid.u32  }
0x444: {  	s1 =	rddreg [dreg:$0x1];
	p0 =	sne.s32 s2, $0x0  }
0x445: {  	s3 =	rddreg [dreg:$0x2];
	[bflag:$0x3] =	sbarrier.arrive $0xFFFF;
	s2 =	simm.s32 @!p0 $0x1C07  }
0x446: {  	[timem:s3], [sflag:s2] =	dma.local @!p0 [hbm:s0], s1  }
0x447: {  	s0 =	simm.s32 @!p0 $0x7  }
0x448: {  	_ =	swait.ge @!p0 [sflag:s0], s1  }
0x449: {  	s1 =	ssub.s32 @!p0 $0x0, s1;
	[sflag:s0] =	ssyncset.done @!p0 $0x0  }
0x44a: {  	[sflag:s0] =	ssyncadd.s32 @!p0 s1  }
0x44b: {  	[bflag:$0x3] =	sbarrier.arrive $0xFFFF  }
0x44c: {  	_ =	shalt  }

</sc_bundles>
